<compile_context>
chip_gen: v7x
topology: tpu7x:2x2x1
jax: 0.10.2.dev20260603
libtpu: 0.0.44.dev20260713+nightly
codegen_flags: <defaults>
</compile_context>

<pallas_src>
import functools

import jax
import jax.numpy as jnp
from jax import lax
from jax.experimental import pallas as pl
from jax.experimental.pallas import tpu as pltpu
from jax.experimental.pallas import tpu_sc as plsc

N = 10000
NP = 10240
NFEAT = 128
NHID = 256
NCLASS = 64
K = 128
NC = 2
NS = 16
NW = NC * NS
NBUF = 2
WIN = 16
DBUF = 4


def _make_deg_kernel(pt0, pt1):
    rows_per_tile = NP // NS
    mesh = plsc.VectorSubcoreMesh(core_axis_name="c", subcore_axis_name="s",
                                  num_cores=NC, num_subcores=NS)

    @functools.partial(
        pl.kernel,
        out_type=jax.ShapeDtypeStruct((NC, NP), jnp.float32),
        mesh=mesh,
        scratch_types=[
            pltpu.VMEM((max(pt0, pt1), K), jnp.int32),
            pltpu.VMEM((K,), jnp.float32),
            pltpu.VMEM((rows_per_tile,), jnp.float32),
            pltpu.VMEM_SHARED((NP,), jnp.float32),
        ] + [pltpu.SemaphoreType.DMA] * DBUF,
    )
    def k(col_hbm, out_hbm, colbulk, ones, zbuf, acc, *sems):
        cid = lax.axis_index("c")
        sid = lax.axis_index("s")
        row0 = sid * rows_per_tile
        per_tile = jnp.where(cid == 0, pt0, pt1)
        base = jnp.where(cid == 0, sid * pt0, NS * pt0 + sid * pt1)

        pltpu.sync_copy(col_hbm.at[pl.ds(base, max(pt0, pt1))], colbulk)

        def fill(i, _):
            ones[pl.ds(i * 16, 16)] = jnp.ones((16,), jnp.float32)
            return 0
        lax.fori_loop(0, K // 16, fill, 0)

        def zfill(i, _):
            zbuf[pl.ds(i * 16, 16)] = jnp.zeros((16,), jnp.float32)
            return 0
        lax.fori_loop(0, rows_per_tile // 16, zfill, 0)
        pltpu.sync_copy(zbuf, acc.at[pl.ds(row0, rows_per_tile)])
        plsc.subcore_barrier()

        for s in range(DBUF):
            pltpu.async_copy(ones, acc.at[colbulk.at[s]], sems[s], add=True)

        def roundn(j0, refill):
            for s in range(DBUF):
                j = j0 + s
                pltpu.make_async_copy(
                    ones, acc.at[colbulk.at[j]], sems[s]).wait()
                if refill:
                    pltpu.async_copy(
                        ones, acc.at[colbulk.at[j + DBUF]], sems[s], add=True)

        def body(i, _):
            roundn(i * DBUF, True)
            return 0
        lax.fori_loop(0, per_tile // DBUF - 1, body, 0)
        roundn(jnp.maximum(per_tile - DBUF, 0), False)

        plsc.subcore_barrier()
        pltpu.sync_copy(acc.at[pl.ds(row0, rows_per_tile)],
                        out_hbm.at[cid, pl.ds(row0, rows_per_tile)])

    return k


def _make_agg_kernel(pt0, pt1, d):
    rows_per_tile = NP // NS
    mesh = plsc.VectorSubcoreMesh(core_axis_name="c", subcore_axis_name="s",
                                  num_cores=NC, num_subcores=NS)

    @functools.partial(
        pl.kernel,
        out_type=jax.ShapeDtypeStruct((NC, NP, d), jnp.float32),
        mesh=mesh,
        scratch_types=[
            pltpu.VMEM((2, WIN, K), jnp.int32),
            pltpu.VMEM((2, WIN, K), jnp.int32),
        ] + [pltpu.VMEM((K, d), jnp.float32)] * NBUF
          + [pltpu.VMEM_SHARED((NP, d), jnp.float32)]
          + [pltpu.SemaphoreType.DMA] * (NBUF + 2),
    )
    def k(row_hbm, col_hbm, xs_hbm, out_hbm, rowwin, colwin, *rest):
        msgs = rest[:NBUF]
        acc = rest[NBUF]
        gsems = rest[NBUF + 1:NBUF + 1 + NBUF]
        wsemr, wsemc = rest[NBUF + 1 + NBUF:]
        cid = lax.axis_index("c")
        sid = lax.axis_index("s")
        row0 = sid * rows_per_tile
        nwin = jnp.where(cid == 0, pt0 // WIN, pt1 // WIN)
        base = jnp.where(cid == 0, sid * pt0, NS * pt0 + sid * pt1)

        pltpu.sync_copy(row_hbm.at[pl.ds(base, WIN)], rowwin.at[0])
        pltpu.sync_copy(col_hbm.at[pl.ds(base, WIN)], colwin.at[0])

        def zfill(i, _):
            for t in range(d // 16):
                msgs[0][i, pl.ds(t * 16, 16)] = jnp.zeros((16,), jnp.float32)
            return 0
        lax.fori_loop(0, K, zfill, 0)
        for t in range(rows_per_tile // K):
            pltpu.sync_copy(msgs[0], acc.at[pl.ds(row0 + t * K, K)])
        plsc.subcore_barrier()

        def window(w, _):
            wslot = w % 2
            @pl.when(w > 0)
            def _():
                pltpu.make_async_copy(
                    row_hbm.at[pl.ds(base + w * WIN, WIN)],
                    rowwin.at[wslot], wsemr).wait()
                pltpu.make_async_copy(
                    col_hbm.at[pl.ds(base + w * WIN, WIN)],
                    colwin.at[wslot], wsemc).wait()
            @pl.when(w < nwin - 1)
            def _():
                pltpu.async_copy(
                    row_hbm.at[pl.ds(base + (w + 1) * WIN, WIN)],
                    rowwin.at[1 - wslot], wsemr)
                pltpu.async_copy(
                    col_hbm.at[pl.ds(base + (w + 1) * WIN, WIN)],
                    colwin.at[1 - wslot], wsemc)

            for s in range(NBUF):
                pltpu.async_copy(
                    xs_hbm.at[rowwin.at[wslot, s]], msgs[s], gsems[s])

            def rnd(r, _):
                for s in range(NBUF):
                    jj = r * NBUF + s
                    pltpu.make_async_copy(
                        xs_hbm.at[rowwin.at[wslot, jj]],
                        msgs[s], gsems[s]).wait()
                    pltpu.sync_copy(
                        msgs[s], acc.at[colwin.at[wslot, jj]], add=True)
                    pltpu.async_copy(
                        xs_hbm.at[rowwin.at[wslot, jj + NBUF]],
                        msgs[s], gsems[s])
                return 0
            lax.fori_loop(0, WIN // NBUF - 1, rnd, 0)
            for s in range(NBUF):
                jj = WIN - NBUF + s
                pltpu.make_async_copy(
                    xs_hbm.at[rowwin.at[wslot, jj]], msgs[s], gsems[s]).wait()
                pltpu.sync_copy(
                    msgs[s], acc.at[colwin.at[wslot, jj]], add=True)
            return 0
        lax.fori_loop(0, nwin, window, 0, unroll=False)

        plsc.subcore_barrier()
        pltpu.sync_copy(acc.at[pl.ds(row0, rows_per_tile)],
                        out_hbm.at[cid, pl.ds(row0, rows_per_tile)])

    return k


BR = 400


def _scale_body(deg_ref, x_ref, d_ref, xs_ref):
    deg = deg_ref[:, 0:1] + deg_ref[:, 1:2] + 1.0
    dv = lax.rsqrt(deg)
    d_ref[...] = dv
    xs_ref[...] = x_ref[...] * dv


def _fused_body(p_ref, xs_ref, d_ref, w1_ref, b1_ref, w2_ref, xs2_ref):
    dv = d_ref[...]
    agg = (p_ref[0] + p_ref[1] + xs_ref[...]) * dv
    h = jnp.dot(agg, w1_ref[...], preferred_element_type=jnp.float32)
    h = jnp.maximum(h + b1_ref[...], 0.0) * dv
    t2 = jnp.dot(h, w2_ref[...], preferred_element_type=jnp.float32)
    xs2_ref[...] = jnp.concatenate(
        [t2, jnp.zeros_like(t2)], axis=1)


def _logsmax_body(q_ref, xs2_ref, d_ref, b2_ref, out_ref):
    z = ((q_ref[0, :, :NCLASS] + q_ref[1, :, :NCLASS] + xs2_ref[:, :NCLASS])
         * d_ref[...] + b2_ref[...])
    m = jnp.max(z, axis=1, keepdims=True)
    e = jnp.exp(z - m)
    out_ref[...] = z - m - jnp.log(jnp.sum(e, axis=1, keepdims=True))


@jax.jit
def kernel(x, edge_idx, W1, b1, W2, b2):
    row = edge_idx[0]
    col = edge_idx[1]
    e = row.shape[0]
    tp_min = -(-(-(-e // K)) // NS)
    pt0 = -(-tp_min // WIN) * WIN
    pt1 = 0
    tb = NS * (pt0 + pt1)
    tb_alloc = tb + pt0
    dpt = tb // (2 * NS)
    epad = tb_alloc * K - e
    row_p = jnp.concatenate([row, jnp.zeros((epad,), row.dtype)])
    col_p = jnp.concatenate(
        [col, N + (jnp.arange(epad, dtype=col.dtype) % (NP - N))])
    row_b = row_p.reshape(tb_alloc, K)
    col_b = col_p.reshape(tb_alloc, K)

    degp = _make_deg_kernel(dpt, dpt)(col_b)

    grid = N // BR
    d, xs = pl.pallas_call(
        _scale_body,
        grid=(grid,),
        in_specs=[
            pl.BlockSpec((BR, NC), lambda r: (r, 0)),
            pl.BlockSpec((BR, NFEAT), lambda r: (r, 0)),
        ],
        out_specs=[
            pl.BlockSpec((BR, 1), lambda r: (r, 0)),
            pl.BlockSpec((BR, NFEAT), lambda r: (r, 0)),
        ],
        out_shape=[
            jax.ShapeDtypeStruct((N, 1), jnp.float32),
            jax.ShapeDtypeStruct((N, NFEAT), jnp.float32),
        ],
    )(degp[:, :N].T, x)

    agg = _make_agg_kernel(pt0, pt1, NFEAT)
    p = agg(row_b, col_b, xs)

    xs2 = pl.pallas_call(
        _fused_body,
        grid=(grid,),
        in_specs=[
            pl.BlockSpec((NC, BR, NFEAT), lambda r: (0, r, 0)),
            pl.BlockSpec((BR, NFEAT), lambda r: (r, 0)),
            pl.BlockSpec((BR, 1), lambda r: (r, 0)),
            pl.BlockSpec((NFEAT, NHID), lambda r: (0, 0)),
            pl.BlockSpec((1, NHID), lambda r: (0, 0)),
            pl.BlockSpec((NHID, NCLASS), lambda r: (0, 0)),
        ],
        out_specs=pl.BlockSpec((BR, 2 * NCLASS), lambda r: (r, 0)),
        out_shape=jax.ShapeDtypeStruct((N, 2 * NCLASS), jnp.float32),
    )(p, xs, d, W1, b1.reshape(1, NHID), W2)

    q = agg(row_b, col_b, xs2)

    out = pl.pallas_call(
        _logsmax_body,
        grid=(grid,),
        in_specs=[
            pl.BlockSpec((NC, BR, 2 * NCLASS), lambda r: (0, r, 0)),
            pl.BlockSpec((BR, 2 * NCLASS), lambda r: (r, 0)),
            pl.BlockSpec((BR, 1), lambda r: (r, 0)),
            pl.BlockSpec((1, NCLASS), lambda r: (0, 0)),
        ],
        out_specs=pl.BlockSpec((BR, NCLASS), lambda r: (r, 0)),
        out_shape=jax.ShapeDtypeStruct((N, NCLASS), jnp.float32),
    )(q, xs2, d, b2.reshape(1, NCLASS))

    return out

# --- scband reference (transcript-rebuilt; emitter-appended) ---
"""Pipeline reference for scband-gcn-3418793968076 (READ-ONLY COPY).

The authoritative reference and input builder live on the scoring server;
editing this copy changes nothing except your own understanding.
"""

import jax, jax.numpy as jnp
import numpy as np

N = 10000
E = 320000
NFEAT = 128
NHID = 256
NCLASS = 64


def gcn_conv(x, edge_index, W, b, num_nodes):
    # PyG GCNConv with add_self_loops=True, symmetric normalization, aggr='add'
    self_loops = jnp.arange(num_nodes, dtype=edge_index.dtype)
    row = jnp.concatenate([edge_index[0], self_loops])  # source
    col = jnp.concatenate([edge_index[1], self_loops])  # target
    deg = jax.ops.segment_sum(jnp.ones_like(col, dtype=x.dtype), col, num_segments=num_nodes)
    deg_inv_sqrt = jnp.where(deg > 0, deg ** -0.5, 0.0)
    norm = deg_inv_sqrt[row] * deg_inv_sqrt[col]
    h = x @ W
    msg = h[row] * norm[:, None]
    out = jax.ops.segment_sum(msg, col, num_segments=num_nodes)
    return out + b


def setup_inputs(seed: int = 0) -> dict:
    key = jax.random.key(seed)
    k1, k2, k3, k4 = jax.random.split(key, 4)
    x = jax.random.normal(k1, (N, NFEAT), dtype=jnp.float32)
    edge_idx = jax.random.randint(k2, (2, E), 0, N, dtype=jnp.int32)
    W1 = jax.random.normal(k3, (NFEAT, NHID), dtype=jnp.float32) * (1.0 / np.sqrt(NFEAT))
    b1 = jnp.zeros((NHID,), dtype=jnp.float32)
    W2 = jax.random.normal(k4, (NHID, NCLASS), dtype=jnp.float32) * (1.0 / np.sqrt(NHID))
    b2 = jnp.zeros((NCLASS,), dtype=jnp.float32)
    return {"x": x, "edge_idx": edge_idx, "W1": W1, "b1": b1, "W2": W2, "b2": b2}


def reference(x, edge_idx, W1, b1, W2, b2):
    h = gcn_conv(x, edge_idx, W1, b1, N)
    h = jax.nn.relu(h)
    # dropout is identity in eval mode (training=False)
    h = gcn_conv(h, edge_idx, W2, b2, N)
    return jax.nn.log_softmax(h, axis=1)

if __name__ == "__main__":
    import jax
    _d = setup_inputs()
    print(jax.jit(kernel)(*tuple(_d.values())))

</pallas_src>

<mosaic_0001>
#map = affine_map<(d0, d1) -> (0, 0)>
#map1 = affine_map<(d0, d1) -> (0, 0, 0)>
module attributes {stable_mosaic.version = 14 : i64} {
  func.func @k(%arg0: i32, %arg1: i32, %arg2: memref<2720x128xi32, #tpu.memory_space<hbm>>, %arg3: memref<2720x128xi32, #tpu.memory_space<hbm>>, %arg4: memref<10000x128xf32, #tpu.memory_space<hbm>>, %arg5: memref<2x10240x128xf32, #tpu.memory_space<hbm>>, %arg6: memref<2x16x128xi32, #tpu.memory_space<vmem>>, %arg7: memref<2x16x128xi32, #tpu.memory_space<vmem>>, %arg8: memref<128x128xf32, #tpu.memory_space<vmem>>, %arg9: memref<128x128xf32, #tpu.memory_space<vmem>>, %arg10: memref<10240x128xf32, #tpu.memory_space<vmem_shared>>, %arg11: memref<!tpu.dma_semaphore, #tpu.memory_space<semaphore_mem>>, %arg12: memref<!tpu.dma_semaphore, #tpu.memory_space<semaphore_mem>>, %arg13: memref<!tpu.dma_semaphore, #tpu.memory_space<semaphore_mem>>, %arg14: memref<!tpu.dma_semaphore, #tpu.memory_space<semaphore_mem>>) attributes {dimension_semantics = [#tpu.dimension_semantics<core_parallel>, #tpu.dimension_semantics<subcore_parallel>], iteration_bounds = array<i64: 2, 16>, scalar_prefetch = 0 : i64, scratch_operands = 9 : i64, tpu.core_type = #tpu.core_type<sc_vector_subcore>, window_params = [{transform_indices = #map}, {transform_indices = #map}, {transform_indices = #map}, {transform_indices = #map1}]} {
    %mul3A = arith.constant 640 : i32
    %mul3A_0 = arith.muli %arg1, %mul3A : i32
    %eq3A = arith.constant 0 : i32
    %eq3A_1 = arith.cmpi eq, %arg0, %eq3A : i32
    %jit3A = arith.constant 10 : i32
    %jit3A_2 = arith.constant 0 : i32
    %select_n3A = arith.select %eq3A_1, %jit3A, %jit3A_2 : i32
    %eq3A_3 = arith.constant 0 : i32
    %eq3A_4 = arith.cmpi eq, %arg0, %eq3A_3 : i32
    %mul3A_5 = arith.constant 160 : i32
    %mul3A_6 = arith.muli %arg1, %mul3A_5 : i32
    %mul3A_7 = arith.constant 0 : i32
    %mul3A_8 = arith.muli %arg1, %mul3A_7 : i32
    %add3A = arith.constant 2560 : i32
    %add3A_9 = arith.addi %add3A, %mul3A_8 : i32
    %select_n3A_10 = arith.select %eq3A_4, %mul3A_6, %add3A_9 : i32
    %run_scoped3A = arith.constant 0 : i32
    "tpu.region"() ({
      %run_scoped3A_40 = tpu.sem_alloc : memref<!tpu.dma_semaphore, #tpu.memory_space<semaphore_mem>>
      %dma_start3A = arith.constant 0 : i32
      %dma_start3A_41 = arith.constant 0 : i32
      %dma_start3A_42 = tpu.memref_slice %arg6[%run_scoped3A, %dma_start3A, %dma_start3A_41] : memref<2x16x128xi32, #tpu.memory_space<vmem>> -> memref<1x16x128xi32, #tpu.memory_space<vmem>>
      %dma_start3A_43 = tpu.memref_squeeze %dma_start3A_42 : memref<1x16x128xi32, #tpu.memory_space<vmem>> -> memref<16x128xi32, #tpu.memory_space<vmem>>
      %dma_start3A_44 = arith.constant 0 : i32
      %dma_start3A_45 = tpu.memref_slice %arg2[%select_n3A_10, %dma_start3A_44] : memref<2720x128xi32, #tpu.memory_space<hbm>> -> memref<16x128xi32, #tpu.memory_space<hbm>>
      %dma_start3A_46 = arith.constant 0 : i32
      %dma_start3A_47 = arith.constant 0 : i32
      %dma_start3A_48 = tpu.memref_slice %arg6[%run_scoped3A, %dma_start3A_46, %dma_start3A_47] : memref<2x16x128xi32, #tpu.memory_space<vmem>> -> memref<1x16x128xi32, #tpu.memory_space<vmem>>
      %dma_start3A_49 = tpu.memref_squeeze %dma_start3A_48 : memref<1x16x128xi32, #tpu.memory_space<vmem>> -> memref<16x128xi32, #tpu.memory_space<vmem>>
      %dma_start3A_50 = arith.constant 0 : i32
      %dma_start3A_51 = tpu.memref_slice %arg2[%select_n3A_10, %dma_start3A_50] : memref<2720x128xi32, #tpu.memory_space<hbm>> -> memref<16x128xi32, #tpu.memory_space<hbm>>
      tpu.enqueue_dma source(%dma_start3A_51 : memref<16x128xi32, #tpu.memory_space<hbm>>) target(%dma_start3A_49 : memref<16x128xi32, #tpu.memory_space<vmem>>) target_semaphore(%run_scoped3A_40 : memref<!tpu.dma_semaphore, #tpu.memory_space<semaphore_mem>>)
      %dma_wait3A = arith.constant 0 : i32
      %dma_wait3A_52 = arith.constant 0 : i32
      %dma_wait3A_53 = tpu.memref_slice %arg6[%run_scoped3A, %dma_wait3A, %dma_wait3A_52] : memref<2x16x128xi32, #tpu.memory_space<vmem>> -> memref<1x16x128xi32, #tpu.memory_space<vmem>>
      %dma_wait3A_54 = tpu.memref_squeeze %dma_wait3A_53 : memref<1x16x128xi32, #tpu.memory_space<vmem>> -> memref<16x128xi32, #tpu.memory_space<vmem>>
      %dma_wait3A_55 = arith.constant 0 : i32
      %dma_wait3A_56 = tpu.memref_slice %arg2[%select_n3A_10, %dma_wait3A_55] : memref<2720x128xi32, #tpu.memory_space<hbm>> -> memref<16x128xi32, #tpu.memory_space<hbm>>
      %dma_wait3A_57 = arith.constant 0 : i32
      %dma_wait3A_58 = arith.constant 0 : i32
      %dma_wait3A_59 = tpu.memref_slice %arg6[%run_scoped3A, %dma_wait3A_57, %dma_wait3A_58] : memref<2x16x128xi32, #tpu.memory_space<vmem>> -> memref<1x16x128xi32, #tpu.memory_space<vmem>>
      %dma_wait3A_60 = tpu.memref_squeeze %dma_wait3A_59 : memref<1x16x128xi32, #tpu.memory_space<vmem>> -> memref<16x128xi32, #tpu.memory_space<vmem>>
      %dma_wait3A_61 = arith.constant 0 : i32
      %dma_wait3A_62 = tpu.memref_slice %arg2[%select_n3A_10, %dma_wait3A_61] : memref<2720x128xi32, #tpu.memory_space<hbm>> -> memref<16x128xi32, #tpu.memory_space<hbm>>
      tpu.wait_dma2 semaphore(%run_scoped3A_40 : memref<!tpu.dma_semaphore, #tpu.memory_space<semaphore_mem>>) src(%dma_wait3A_62 : memref<16x128xi32, #tpu.memory_space<hbm>>) dst(%dma_wait3A_60 : memref<16x128xi32, #tpu.memory_space<vmem>>)
      tpu.yield
    }) : () -> ()
    %run_scoped3A_11 = arith.constant 0 : i32
    "tpu.region"() ({
      %run_scoped3A_40 = tpu.sem_alloc : memref<!tpu.dma_semaphore, #tpu.memory_space<semaphore_mem>>
      %dma_start3A = arith.constant 0 : i32
      %dma_start3A_41 = arith.constant 0 : i32
      %dma_start3A_42 = tpu.memref_slice %arg7[%run_scoped3A_11, %dma_start3A, %dma_start3A_41] : memref<2x16x128xi32, #tpu.memory_space<vmem>> -> memref<1x16x128xi32, #tpu.memory_space<vmem>>
      %dma_start3A_43 = tpu.memref_squeeze %dma_start3A_42 : memref<1x16x128xi32, #tpu.memory_space<vmem>> -> memref<16x128xi32, #tpu.memory_space<vmem>>
      %dma_start3A_44 = arith.constant 0 : i32
      %dma_start3A_45 = tpu.memref_slice %arg3[%select_n3A_10, %dma_start3A_44] : memref<2720x128xi32, #tpu.memory_space<hbm>> -> memref<16x128xi32, #tpu.memory_space<hbm>>
      %dma_start3A_46 = arith.constant 0 : i32
      %dma_start3A_47 = arith.constant 0 : i32
      %dma_start3A_48 = tpu.memref_slice %arg7[%run_scoped3A_11, %dma_start3A_46, %dma_start3A_47] : memref<2x16x128xi32, #tpu.memory_space<vmem>> -> memref<1x16x128xi32, #tpu.memory_space<vmem>>
      %dma_start3A_49 = tpu.memref_squeeze %dma_start3A_48 : memref<1x16x128xi32, #tpu.memory_space<vmem>> -> memref<16x128xi32, #tpu.memory_space<vmem>>
      %dma_start3A_50 = arith.constant 0 : i32
      %dma_start3A_51 = tpu.memref_slice %arg3[%select_n3A_10, %dma_start3A_50] : memref<2720x128xi32, #tpu.memory_space<hbm>> -> memref<16x128xi32, #tpu.memory_space<hbm>>
      tpu.enqueue_dma source(%dma_start3A_51 : memref<16x128xi32, #tpu.memory_space<hbm>>) target(%dma_start3A_49 : memref<16x128xi32, #tpu.memory_space<vmem>>) target_semaphore(%run_scoped3A_40 : memref<!tpu.dma_semaphore, #tpu.memory_space<semaphore_mem>>)
      %dma_wait3A = arith.constant 0 : i32
      %dma_wait3A_52 = arith.constant 0 : i32
      %dma_wait3A_53 = tpu.memref_slice %arg7[%run_scoped3A_11, %dma_wait3A, %dma_wait3A_52] : memref<2x16x128xi32, #tpu.memory_space<vmem>> -> memref<1x16x128xi32, #tpu.memory_space<vmem>>
      %dma_wait3A_54 = tpu.memref_squeeze %dma_wait3A_53 : memref<1x16x128xi32, #tpu.memory_space<vmem>> -> memref<16x128xi32, #tpu.memory_space<vmem>>
      %dma_wait3A_55 = arith.constant 0 : i32
      %dma_wait3A_56 = tpu.memref_slice %arg3[%select_n3A_10, %dma_wait3A_55] : memref<2720x128xi32, #tpu.memory_space<hbm>> -> memref<16x128xi32, #tpu.memory_space<hbm>>
      %dma_wait3A_57 = arith.constant 0 : i32
      %dma_wait3A_58 = arith.constant 0 : i32
      %dma_wait3A_59 = tpu.memref_slice %arg7[%run_scoped3A_11, %dma_wait3A_57, %dma_wait3A_58] : memref<2x16x128xi32, #tpu.memory_space<vmem>> -> memref<1x16x128xi32, #tpu.memory_space<vmem>>
      %dma_wait3A_60 = tpu.memref_squeeze %dma_wait3A_59 : memref<1x16x128xi32, #tpu.memory_space<vmem>> -> memref<16x128xi32, #tpu.memory_space<vmem>>
      %dma_wait3A_61 = arith.constant 0 : i32
      %dma_wait3A_62 = tpu.memref_slice %arg3[%select_n3A_10, %dma_wait3A_61] : memref<2720x128xi32, #tpu.memory_space<hbm>> -> memref<16x128xi32, #tpu.memory_space<hbm>>
      tpu.wait_dma2 semaphore(%run_scoped3A_40 : memref<!tpu.dma_semaphore, #tpu.memory_space<semaphore_mem>>) src(%dma_wait3A_62 : memref<16x128xi32, #tpu.memory_space<hbm>>) dst(%dma_wait3A_60 : memref<16x128xi32, #tpu.memory_space<vmem>>)
      tpu.yield
    }) : () -> ()
    %scan3A = arith.constant 0 : i32
    %scan3A_12 = arith.constant 0 : i32
    %scan3A_13 = arith.constant 128 : i32
    %scan3A_14 = arith.addi %scan3A_12, %scan3A_13 : i32
    %scan3A_15 = arith.constant 1 : i32
    %scan3A_16 = scf.for %scan3A_40 = %scan3A_12 to %scan3A_14 step %scan3A_15 iter_args(%scan3A_41 = %scan3A) -> (i32)  : i32 {
      %broadcast_in_dim3A = arith.constant 0.000000e+00 : f32
      %broadcast_in_dim3A_42 = vector.broadcast %broadcast_in_dim3A : f32 to vector<16xf32>
      %swap3A = arith.index_cast %scan3A_40 : i32 to index
      %swap3A_43 = arith.constant 0 : index
      %swap3A_44 = tpu.vector_load %arg8[%swap3A, %swap3A_43] {strides = array<i32>} : memref<128x128xf32, #tpu.memory_space<vmem>>, vector<1x16xf32>,
      %swap3A_45 = vector.shape_cast %swap3A_44 : vector<1x16xf32> to vector<16xf32>
      %swap3A_46 = vector.shape_cast %broadcast_in_dim3A_42 : vector<16xf32> to vector<1x16xf32>
      tpu.vector_store %arg8[%swap3A, %swap3A_43], %swap3A_46 {strides = array<i32>} : memref<128x128xf32, #tpu.memory_space<vmem>>, vector<1x16xf32>,
      %broadcast_in_dim3A_47 = arith.constant 0.000000e+00 : f32
      %broadcast_in_dim3A_48 = vector.broadcast %broadcast_in_dim3A_47 : f32 to vector<16xf32>
      %swap3A_49 = arith.index_cast %scan3A_40 : i32 to index
      %swap3A_50 = arith.constant 16 : index
      %swap3A_51 = tpu.vector_load %arg8[%swap3A_49, %swap3A_50] {strides = array<i32>} : memref<128x128xf32, #tpu.memory_space<vmem>>, vector<1x16xf32>,
      %swap3A_52 = vector.shape_cast %swap3A_51 : vector<1x16xf32> to vector<16xf32>
      %swap3A_53 = vector.shape_cast %broadcast_in_dim3A_48 : vector<16xf32> to vector<1x16xf32>
      tpu.vector_store %arg8[%swap3A_49, %swap3A_50], %swap3A_53 {strides = array<i32>} : memref<128x128xf32, #tpu.memory_space<vmem>>, vector<1x16xf32>,
      %broadcast_in_dim3A_54 = arith.constant 0.000000e+00 : f32
      %broadcast_in_dim3A_55 = vector.broadcast %broadcast_in_dim3A_54 : f32 to vector<16xf32>
      %swap3A_56 = arith.index_cast %scan3A_40 : i32 to index
      %swap3A_57 = arith.constant 32 : index
      %swap3A_58 = tpu.vector_load %arg8[%swap3A_56, %swap3A_57] {strides = array<i32>} : memref<128x128xf32, #tpu.memory_space<vmem>>, vector<1x16xf32>,
      %swap3A_59 = vector.shape_cast %swap3A_58 : vector<1x16xf32> to vector<16xf32>
      %swap3A_60 = vector.shape_cast %broadcast_in_dim3A_55 : vector<16xf32> to vector<1x16xf32>
      tpu.vector_store %arg8[%swap3A_56, %swap3A_57], %swap3A_60 {strides = array<i32>} : memref<128x128xf32, #tpu.memory_space<vmem>>, vector<1x16xf32>,
      %broadcast_in_dim3A_61 = arith.constant 0.000000e+00 : f32
      %broadcast_in_dim3A_62 = vector.broadcast %broadcast_in_dim3A_61 : f32 to vector<16xf32>
      %swap3A_63 = arith.index_cast %scan3A_40 : i32 to index
      %swap3A_64 = arith.constant 48 : index
      %swap3A_65 = tpu.vector_load %arg8[%swap3A_63, %swap3A_64] {strides = array<i32>} : memref<128x128xf32, #tpu.memory_space<vmem>>, vector<1x16xf32>,
      %swap3A_66 = vector.shape_cast %swap3A_65 : vector<1x16xf32> to vector<16xf32>
      %swap3A_67 = vector.shape_cast %broadcast_in_dim3A_62 : vector<16xf32> to vector<1x16xf32>
      tpu.vector_store %arg8[%swap3A_63, %swap3A_64], %swap3A_67 {strides = array<i32>} : memref<128x128xf32, #tpu.memory_space<vmem>>, vector<1x16xf32>,
      %broadcast_in_dim3A_68 = arith.constant 0.000000e+00 : f32
      %broadcast_in_dim3A_69 = vector.broadcast %broadcast_in_dim3A_68 : f32 to vector<16xf32>
      %swap3A_70 = arith.index_cast %scan3A_40 : i32 to index
      %swap3A_71 = arith.constant 64 : index
      %swap3A_72 = tpu.vector_load %arg8[%swap3A_70, %swap3A_71] {strides = array<i32>} : memref<128x128xf32, #tpu.memory_space<vmem>>, vector<1x16xf32>,
      %swap3A_73 = vector.shape_cast %swap3A_72 : vector<1x16xf32> to vector<16xf32>
      %swap3A_74 = vector.shape_cast %broadcast_in_dim3A_69 : vector<16xf32> to vector<1x16xf32>
      tpu.vector_store %arg8[%swap3A_70, %swap3A_71], %swap3A_74 {strides = array<i32>} : memref<128x128xf32, #tpu.memory_space<vmem>>, vector<1x16xf32>,
      %broadcast_in_dim3A_75 = arith.constant 0.000000e+00 : f32
      %broadcast_in_dim3A_76 = vector.broadcast %broadcast_in_dim3A_75 : f32 to vector<16xf32>
      %swap3A_77 = arith.index_cast %scan3A_40 : i32 to index
      %swap3A_78 = arith.constant 80 : index
      %swap3A_79 = tpu.vector_load %arg8[%swap3A_77, %swap3A_78] {strides = array<i32>} : memref<128x128xf32, #tpu.memory_space<vmem>>, vector<1x16xf32>,
      %swap3A_80 = vector.shape_cast %swap3A_79 : vector<1x16xf32> to vector<16xf32>
      %swap3A_81 = vector.shape_cast %broadcast_in_dim3A_76 : vector<16xf32> to vector<1x16xf32>
      tpu.vector_store %arg8[%swap3A_77, %swap3A_78], %swap3A_81 {strides = array<i32>} : memref<128x128xf32, #tpu.memory_space<vmem>>, vector<1x16xf32>,
      %broadcast_in_dim3A_82 = arith.constant 0.000000e+00 : f32
      %broadcast_in_dim3A_83 = vector.broadcast %broadcast_in_dim3A_82 : f32 to vector<16xf32>
      %swap3A_84 = arith.index_cast %scan3A_40 : i32 to index
      %swap3A_85 = arith.constant 96 : index
      %swap3A_86 = tpu.vector_load %arg8[%swap3A_84, %swap3A_85] {strides = array<i32>} : memref<128x128xf32, #tpu.memory_space<vmem>>, vector<1x16xf32>,
      %swap3A_87 = vector.shape_cast %swap3A_86 : vector<1x16xf32> to vector<16xf32>
      %swap3A_88 = vector.shape_cast %broadcast_in_dim3A_83 : vector<16xf32> to vector<1x16xf32>
      tpu.vector_store %arg8[%swap3A_84, %swap3A_85], %swap3A_88 {strides = array<i32>} : memref<128x128xf32, #tpu.memory_space<vmem>>, vector<1x16xf32>,
      %broadcast_in_dim3A_89 = arith.constant 0.000000e+00 : f32
      %broadcast_in_dim3A_90 = vector.broadcast %broadcast_in_dim3A_89 : f32 to vector<16xf32>
      %swap3A_91 = arith.index_cast %scan3A_40 : i32 to index
      %swap3A_92 = arith.constant 112 : index
      %swap3A_93 = tpu.vector_load %arg8[%swap3A_91, %swap3A_92] {strides = array<i32>} : memref<128x128xf32, #tpu.memory_space<vmem>>, vector<1x16xf32>,
      %swap3A_94 = vector.shape_cast %swap3A_93 : vector<1x16xf32> to vector<16xf32>
      %swap3A_95 = vector.shape_cast %broadcast_in_dim3A_90 : vector<16xf32> to vector<1x16xf32>
      tpu.vector_store %arg8[%swap3A_91, %swap3A_92], %swap3A_95 {strides = array<i32>} : memref<128x128xf32, #tpu.memory_space<vmem>>, vector<1x16xf32>,
      %scan3A_96 = arith.constant 0 : i32
      scf.yield %scan3A_96 : i32
    }
    %scan3A_17 = arith.constant 128 : i32
    %add3A_18 = arith.constant 0 : i32
    %add3A_19 = arith.addi %mul3A_0, %add3A_18 : i32
    "tpu.region"() ({
      %run_scoped3A_40 = tpu.sem_alloc : memref<!tpu.dma_semaphore, #tpu.memory_space<semaphore_mem>>
      %dma_start3A = arith.constant 0 : i32
      %dma_start3A_41 = tpu.memref_slice %arg10[%add3A_19, %dma_start3A] : memref<10240x128xf32, #tpu.memory_space<vmem_shared>> -> memref<128x128xf32, #tpu.memory_space<vmem_shared>>
      %dma_start3A_42 = arith.constant 0 : i32
      %dma_start3A_43 = tpu.memref_slice %arg10[%add3A_19, %dma_start3A_42] : memref<10240x128xf32, #tpu.memory_space<vmem_shared>> -> memref<128x128xf32, #tpu.memory_space<vmem_shared>>
      tpu.enqueue_dma source(%arg8 : memref<128x128xf32, #tpu.memory_space<vmem>>) target(%dma_start3A_43 : memref<128x128xf32, #tpu.memory_space<vmem_shared>>) target_semaphore(%run_scoped3A_40 : memref<!tpu.dma_semaphore, #tpu.memory_space<semaphore_mem>>)
      %dma_wait3A = arith.constant 0 : i32
      %dma_wait3A_44 = tpu.memref_slice %arg10[%add3A_19, %dma_wait3A] : memref<10240x128xf32, #tpu.memory_space<vmem_shared>> -> memref<128x128xf32, #tpu.memory_space<vmem_shared>>
      %dma_wait3A_45 = arith.constant 0 : i32
      %dma_wait3A_46 = tpu.memref_slice %arg10[%add3A_19, %dma_wait3A_45] : memref<10240x128xf32, #tpu.memory_space<vmem_shared>> -> memref<128x128xf32, #tpu.memory_space<vmem_shared>>
      tpu.wait_dma2 semaphore(%run_scoped3A_40 : memref<!tpu.dma_semaphore, #tpu.memory_space<semaphore_mem>>) src(%arg8 : memref<128x128xf32, #tpu.memory_space<vmem>>) dst(%dma_wait3A_46 : memref<128x128xf32, #tpu.memory_space<vmem_shared>>)
      tpu.yield
    }) : () -> ()
    %add3A_20 = arith.constant 128 : i32
    %add3A_21 = arith.addi %mul3A_0, %add3A_20 : i32
    "tpu.region"() ({
      %run_scoped3A_40 = tpu.sem_alloc : memref<!tpu.dma_semaphore, #tpu.memory_space<semaphore_mem>>
      %dma_start3A = arith.constant 0 : i32
      %dma_start3A_41 = tpu.memref_slice %arg10[%add3A_21, %dma_start3A] : memref<10240x128xf32, #tpu.memory_space<vmem_shared>> -> memref<128x128xf32, #tpu.memory_space<vmem_shared>>
      %dma_start3A_42 = arith.constant 0 : i32
      %dma_start3A_43 = tpu.memref_slice %arg10[%add3A_21, %dma_start3A_42] : memref<10240x128xf32, #tpu.memory_space<vmem_shared>> -> memref<128x128xf32, #tpu.memory_space<vmem_shared>>
      tpu.enqueue_dma source(%arg8 : memref<128x128xf32, #tpu.memory_space<vmem>>) target(%dma_start3A_43 : memref<128x128xf32, #tpu.memory_space<vmem_shared>>) target_semaphore(%run_scoped3A_40 : memref<!tpu.dma_semaphore, #tpu.memory_space<semaphore_mem>>)
      %dma_wait3A = arith.constant 0 : i32
      %dma_wait3A_44 = tpu.memref_slice %arg10[%add3A_21, %dma_wait3A] : memref<10240x128xf32, #tpu.memory_space<vmem_shared>> -> memref<128x128xf32, #tpu.memory_space<vmem_shared>>
      %dma_wait3A_45 = arith.constant 0 : i32
      %dma_wait3A_46 = tpu.memref_slice %arg10[%add3A_21, %dma_wait3A_45] : memref<10240x128xf32, #tpu.memory_space<vmem_shared>> -> memref<128x128xf32, #tpu.memory_space<vmem_shared>>
      tpu.wait_dma2 semaphore(%run_scoped3A_40 : memref<!tpu.dma_semaphore, #tpu.memory_space<semaphore_mem>>) src(%arg8 : memref<128x128xf32, #tpu.memory_space<vmem>>) dst(%dma_wait3A_46 : memref<128x128xf32, #tpu.memory_space<vmem_shared>>)
      tpu.yield
    }) : () -> ()
    %add3A_22 = arith.constant 256 : i32
    %add3A_23 = arith.addi %mul3A_0, %add3A_22 : i32
    "tpu.region"() ({
      %run_scoped3A_40 = tpu.sem_alloc : memref<!tpu.dma_semaphore, #tpu.memory_space<semaphore_mem>>
      %dma_start3A = arith.constant 0 : i32
      %dma_start3A_41 = tpu.memref_slice %arg10[%add3A_23, %dma_start3A] : memref<10240x128xf32, #tpu.memory_space<vmem_shared>> -> memref<128x128xf32, #tpu.memory_space<vmem_shared>>
      %dma_start3A_42 = arith.constant 0 : i32
      %dma_start3A_43 = tpu.memref_slice %arg10[%add3A_23, %dma_start3A_42] : memref<10240x128xf32, #tpu.memory_space<vmem_shared>> -> memref<128x128xf32, #tpu.memory_space<vmem_shared>>
      tpu.enqueue_dma source(%arg8 : memref<128x128xf32, #tpu.memory_space<vmem>>) target(%dma_start3A_43 : memref<128x128xf32, #tpu.memory_space<vmem_shared>>) target_semaphore(%run_scoped3A_40 : memref<!tpu.dma_semaphore, #tpu.memory_space<semaphore_mem>>)
      %dma_wait3A = arith.constant 0 : i32
      %dma_wait3A_44 = tpu.memref_slice %arg10[%add3A_23, %dma_wait3A] : memref<10240x128xf32, #tpu.memory_space<vmem_shared>> -> memref<128x128xf32, #tpu.memory_space<vmem_shared>>
      %dma_wait3A_45 = arith.constant 0 : i32
      %dma_wait3A_46 = tpu.memref_slice %arg10[%add3A_23, %dma_wait3A_45] : memref<10240x128xf32, #tpu.memory_space<vmem_shared>> -> memref<128x128xf32, #tpu.memory_space<vmem_shared>>
      tpu.wait_dma2 semaphore(%run_scoped3A_40 : memref<!tpu.dma_semaphore, #tpu.memory_space<semaphore_mem>>) src(%arg8 : memref<128x128xf32, #tpu.memory_space<vmem>>) dst(%dma_wait3A_46 : memref<128x128xf32, #tpu.memory_space<vmem_shared>>)
      tpu.yield
    }) : () -> ()
    %add3A_24 = arith.constant 384 : i32
    %add3A_25 = arith.addi %mul3A_0, %add3A_24 : i32
    "tpu.region"() ({
      %run_scoped3A_40 = tpu.sem_alloc : memref<!tpu.dma_semaphore, #tpu.memory_space<semaphore_mem>>
      %dma_start3A = arith.constant 0 : i32
      %dma_start3A_41 = tpu.memref_slice %arg10[%add3A_25, %dma_start3A] : memref<10240x128xf32, #tpu.memory_space<vmem_shared>> -> memref<128x128xf32, #tpu.memory_space<vmem_shared>>
      %dma_start3A_42 = arith.constant 0 : i32
      %dma_start3A_43 = tpu.memref_slice %arg10[%add3A_25, %dma_start3A_42] : memref<10240x128xf32, #tpu.memory_space<vmem_shared>> -> memref<128x128xf32, #tpu.memory_space<vmem_shared>>
      tpu.enqueue_dma source(%arg8 : memref<128x128xf32, #tpu.memory_space<vmem>>) target(%dma_start3A_43 : memref<128x128xf32, #tpu.memory_space<vmem_shared>>) target_semaphore(%run_scoped3A_40 : memref<!tpu.dma_semaphore, #tpu.memory_space<semaphore_mem>>)
      %dma_wait3A = arith.constant 0 : i32
      %dma_wait3A_44 = tpu.memref_slice %arg10[%add3A_25, %dma_wait3A] : memref<10240x128xf32, #tpu.memory_space<vmem_shared>> -> memref<128x128xf32, #tpu.memory_space<vmem_shared>>
      %dma_wait3A_45 = arith.constant 0 : i32
      %dma_wait3A_46 = tpu.memref_slice %arg10[%add3A_25, %dma_wait3A_45] : memref<10240x128xf32, #tpu.memory_space<vmem_shared>> -> memref<128x128xf32, #tpu.memory_space<vmem_shared>>
      tpu.wait_dma2 semaphore(%run_scoped3A_40 : memref<!tpu.dma_semaphore, #tpu.memory_space<semaphore_mem>>) src(%arg8 : memref<128x128xf32, #tpu.memory_space<vmem>>) dst(%dma_wait3A_46 : memref<128x128xf32, #tpu.memory_space<vmem_shared>>)
      tpu.yield
    }) : () -> ()
    %add3A_26 = arith.constant 512 : i32
    %add3A_27 = arith.addi %mul3A_0, %add3A_26 : i32
    "tpu.region"() ({
      %run_scoped3A_40 = tpu.sem_alloc : memref<!tpu.dma_semaphore, #tpu.memory_space<semaphore_mem>>
      %dma_start3A = arith.constant 0 : i32
      %dma_start3A_41 = tpu.memref_slice %arg10[%add3A_27, %dma_start3A] : memref<10240x128xf32, #tpu.memory_space<vmem_shared>> -> memref<128x128xf32, #tpu.memory_space<vmem_shared>>
      %dma_start3A_42 = arith.constant 0 : i32
      %dma_start3A_43 = tpu.memref_slice %arg10[%add3A_27, %dma_start3A_42] : memref<10240x128xf32, #tpu.memory_space<vmem_shared>> -> memref<128x128xf32, #tpu.memory_space<vmem_shared>>
      tpu.enqueue_dma source(%arg8 : memref<128x128xf32, #tpu.memory_space<vmem>>) target(%dma_start3A_43 : memref<128x128xf32, #tpu.memory_space<vmem_shared>>) target_semaphore(%run_scoped3A_40 : memref<!tpu.dma_semaphore, #tpu.memory_space<semaphore_mem>>)
      %dma_wait3A = arith.constant 0 : i32
      %dma_wait3A_44 = tpu.memref_slice %arg10[%add3A_27, %dma_wait3A] : memref<10240x128xf32, #tpu.memory_space<vmem_shared>> -> memref<128x128xf32, #tpu.memory_space<vmem_shared>>
      %dma_wait3A_45 = arith.constant 0 : i32
      %dma_wait3A_46 = tpu.memref_slice %arg10[%add3A_27, %dma_wait3A_45] : memref<10240x128xf32, #tpu.memory_space<vmem_shared>> -> memref<128x128xf32, #tpu.memory_space<vmem_shared>>
      tpu.wait_dma2 semaphore(%run_scoped3A_40 : memref<!tpu.dma_semaphore, #tpu.memory_space<semaphore_mem>>) src(%arg8 : memref<128x128xf32, #tpu.memory_space<vmem>>) dst(%dma_wait3A_46 : memref<128x128xf32, #tpu.memory_space<vmem_shared>>)
      tpu.yield
    }) : () -> ()
    %barrier3A = arith.constant 0 : index
    tpu.barrier barrier_id(%barrier3A)
    %while3A = arith.constant 0 : i32
    %while3A_28 = arith.constant 0 : i32
    %while3A_29 = arith.subi %select_n3A, %while3A : i32
    %while3A_30 = arith.addi %while3A, %while3A_29 : i32
    %while3A_31 = arith.constant 1 : i32
    %while3A_32 = arith.divsi %while3A_29, %while3A_31 : i32
    %while3A_33 = arith.muli %while3A_32, %while3A_31 : i32
    %while3A_34 = arith.addi %while3A, %while3A_33 : i32
    %while3A_35 = arith.constant 1 : i32
    %while3A_36 = scf.for %while3A_40 = %while3A to %while3A_34 step %while3A_35 iter_args(%while3A_41 = %while3A_28) -> (i32)  : i32 {
      %jit3A_42 = arith.constant 2 : i32
      %eq3A_43 = arith.constant 0 : i32
      %eq3A_44 = arith.cmpi eq, %jit3A_42, %eq3A_43 : i32
      %jit3A_45 = arith.constant 1 : i32
      %select_n3A_46 = arith.select %eq3A_44, %jit3A_45, %jit3A_42 : i32
      %rem3A = arith.remsi %while3A_40, %select_n3A_46 : i32
      %ne3A = arith.constant 0 : i32
      %ne3A_47 = arith.cmpi ne, %rem3A, %ne3A : i32
      %lt3A = arith.constant 0 : i32
      %lt3A_48 = arith.cmpi slt, %rem3A, %lt3A : i32
      %lt3A_49 = arith.constant 0 : i32
      %lt3A_50 = arith.cmpi slt, %select_n3A_46, %lt3A_49 : i32
      %ne3A_51 = arith.xori %lt3A_48, %lt3A_50 : i1
      %and3A = arith.andi %ne3A_51, %ne3A_47 : i1
      %add3A_52 = arith.addi %rem3A, %select_n3A_46 : i32
      %select_n3A_53 = arith.select %and3A, %add3A_52, %rem3A : i32
      %gt3A = arith.constant 0 : i32
      %gt3A_54 = arith.cmpi sgt, %while3A_40, %gt3A : i32
      %convert_element_type3A = arith.extui %gt3A_54 : i1 to i32
      %cond3A = arith.constant 0 : i32
      %cond3A_55 = arith.cmpi ne, %convert_element_type3A, %cond3A : i32
      scf.if %cond3A_55 {
        %mul3A_97 = arith.constant 16 : i32
        %mul3A_98 = arith.muli %while3A_40, %mul3A_97 : i32
        %add3A_99 = arith.addi %select_n3A_10, %mul3A_98 : i32
        %dma_wait3A_100 = arith.constant 0 : i32
        %dma_wait3A_101 = arith.constant 0 : i32
        %dma_wait3A_102 = tpu.memref_slice %arg6[%select_n3A_53, %dma_wait3A_100, %dma_wait3A_101] : memref<2x16x128xi32, #tpu.memory_space<vmem>> -> memref<1x16x128xi32, #tpu.memory_space<vmem>>
        %dma_wait3A_103 = tpu.memref_squeeze %dma_wait3A_102 : memref<1x16x128xi32, #tpu.memory_space<vmem>> -> memref<16x128xi32, #tpu.memory_space<vmem>>
        %dma_wait3A_104 = arith.constant 0 : i32
        %dma_wait3A_105 = tpu.memref_slice %arg2[%add3A_99, %dma_wait3A_104] : memref<2720x128xi32, #tpu.memory_space<hbm>> -> memref<16x128xi32, #tpu.memory_space<hbm>>
        %dma_wait3A_106 = arith.constant 0 : i32
        %dma_wait3A_107 = arith.constant 0 : i32
        %dma_wait3A_108 = tpu.memref_slice %arg6[%select_n3A_53, %dma_wait3A_106, %dma_wait3A_107] : memref<2x16x128xi32, #tpu.memory_space<vmem>> -> memref<1x16x128xi32, #tpu.memory_space<vmem>>
        %dma_wait3A_109 = tpu.memref_squeeze %dma_wait3A_108 : memref<1x16x128xi32, #tpu.memory_space<vmem>> -> memref<16x128xi32, #tpu.memory_space<vmem>>
        %dma_wait3A_110 = arith.constant 0 : i32
        %dma_wait3A_111 = tpu.memref_slice %arg2[%add3A_99, %dma_wait3A_110] : memref<2720x128xi32, #tpu.memory_space<hbm>> -> memref<16x128xi32, #tpu.memory_space<hbm>>
        tpu.wait_dma2 semaphore(%arg13 : memref<!tpu.dma_semaphore, #tpu.memory_space<semaphore_mem>>) src(%dma_wait3A_111 : memref<16x128xi32, #tpu.memory_space<hbm>>) dst(%dma_wait3A_109 : memref<16x128xi32, #tpu.memory_space<vmem>>)
        %mul3A_112 = arith.constant 16 : i32
        %mul3A_113 = arith.muli %while3A_40, %mul3A_112 : i32
        %add3A_114 = arith.addi %select_n3A_10, %mul3A_113 : i32
        %dma_wait3A_115 = arith.constant 0 : i32
        %dma_wait3A_116 = arith.constant 0 : i32
        %dma_wait3A_117 = tpu.memref_slice %arg7[%select_n3A_53, %dma_wait3A_115, %dma_wait3A_116] : memref<2x16x128xi32, #tpu.memory_space<vmem>> -> memref<1x16x128xi32, #tpu.memory_space<vmem>>
        %dma_wait3A_118 = tpu.memref_squeeze %dma_wait3A_117 : memref<1x16x128xi32, #tpu.memory_space<vmem>> -> memref<16x128xi32, #tpu.memory_space<vmem>>
        %dma_wait3A_119 = arith.constant 0 : i32
        %dma_wait3A_120 = tpu.memref_slice %arg3[%add3A_114, %dma_wait3A_119] : memref<2720x128xi32, #tpu.memory_space<hbm>> -> memref<16x128xi32, #tpu.memory_space<hbm>>
        %dma_wait3A_121 = arith.constant 0 : i32
        %dma_wait3A_122 = arith.constant 0 : i32
        %dma_wait3A_123 = tpu.memref_slice %arg7[%select_n3A_53, %dma_wait3A_121, %dma_wait3A_122] : memref<2x16x128xi32, #tpu.memory_space<vmem>> -> memref<1x16x128xi32, #tpu.memory_space<vmem>>
        %dma_wait3A_124 = tpu.memref_squeeze %dma_wait3A_123 : memref<1x16x128xi32, #tpu.memory_space<vmem>> -> memref<16x128xi32, #tpu.memory_space<vmem>>
        %dma_wait3A_125 = arith.constant 0 : i32
        %dma_wait3A_126 = tpu.memref_slice %arg3[%add3A_114, %dma_wait3A_125] : memref<2720x128xi32, #tpu.memory_space<hbm>> -> memref<16x128xi32, #tpu.memory_space<hbm>>
        tpu.wait_dma2 semaphore(%arg14 : memref<!tpu.dma_semaphore, #tpu.memory_space<semaphore_mem>>) src(%dma_wait3A_126 : memref<16x128xi32, #tpu.memory_space<hbm>>) dst(%dma_wait3A_124 : memref<16x128xi32, #tpu.memory_space<vmem>>)
      } else {
      }
      %sub3A = arith.constant 1 : i32
      %sub3A_56 = arith.subi %select_n3A, %sub3A : i32
      %lt3A_57 = arith.cmpi slt, %while3A_40, %sub3A_56 : i32
      %convert_element_type3A_58 = arith.extui %lt3A_57 : i1 to i32
      %cond3A_59 = arith.constant 0 : i32
      %cond3A_60 = arith.cmpi ne, %convert_element_type3A_58, %cond3A_59 : i32
      scf.if %cond3A_60 {
        %add3A_97 = arith.constant 1 : i32
        %add3A_98 = arith.addi %while3A_40, %add3A_97 : i32
        %mul3A_99 = arith.constant 16 : i32
        %mul3A_100 = arith.muli %add3A_98, %mul3A_99 : i32
        %add3A_101 = arith.addi %select_n3A_10, %mul3A_100 : i32
        %sub3A_102 = arith.constant 1 : i32
        %sub3A_103 = arith.subi %sub3A_102, %select_n3A_53 : i32
        %dma_start3A_104 = arith.constant 0 : i32
        %dma_start3A_105 = arith.constant 0 : i32
        %dma_start3A_106 = tpu.memref_slice %arg6[%sub3A_103, %dma_start3A_104, %dma_start3A_105] : memref<2x16x128xi32, #tpu.memory_space<vmem>> -> memref<1x16x128xi32, #tpu.memory_space<vmem>>
        %dma_start3A_107 = tpu.memref_squeeze %dma_start3A_106 : memref<1x16x128xi32, #tpu.memory_space<vmem>> -> memref<16x128xi32, #tpu.memory_space<vmem>>
        %dma_start3A_108 = arith.constant 0 : i32
        %dma_start3A_109 = tpu.memref_slice %arg2[%add3A_101, %dma_start3A_108] : memref<2720x128xi32, #tpu.memory_space<hbm>> -> memref<16x128xi32, #tpu.memory_space<hbm>>
        %dma_start3A_110 = arith.constant 0 : i32
        %dma_start3A_111 = arith.constant 0 : i32
        %dma_start3A_112 = tpu.memref_slice %arg6[%sub3A_103, %dma_start3A_110, %dma_start3A_111] : memref<2x16x128xi32, #tpu.memory_space<vmem>> -> memref<1x16x128xi32, #tpu.memory_space<vmem>>
        %dma_start3A_113 = tpu.memref_squeeze %dma_start3A_112 : memref<1x16x128xi32, #tpu.memory_space<vmem>> -> memref<16x128xi32, #tpu.memory_space<vmem>>
        %dma_start3A_114 = arith.constant 0 : i32
        %dma_start3A_115 = tpu.memref_slice %arg2[%add3A_101, %dma_start3A_114] : memref<2720x128xi32, #tpu.memory_space<hbm>> -> memref<16x128xi32, #tpu.memory_space<hbm>>
        tpu.enqueue_dma source(%dma_start3A_115 : memref<16x128xi32, #tpu.memory_space<hbm>>) target(%dma_start3A_113 : memref<16x128xi32, #tpu.memory_space<vmem>>) target_semaphore(%arg13 : memref<!tpu.dma_semaphore, #tpu.memory_space<semaphore_mem>>)
        %add3A_116 = arith.constant 1 : i32
        %add3A_117 = arith.addi %while3A_40, %add3A_116 : i32
        %mul3A_118 = arith.constant 16 : i32
        %mul3A_119 = arith.muli %add3A_117, %mul3A_118 : i32
        %add3A_120 = arith.addi %select_n3A_10, %mul3A_119 : i32
        %sub3A_121 = arith.constant 1 : i32
        %sub3A_122 = arith.subi %sub3A_121, %select_n3A_53 : i32
        %dma_start3A_123 = arith.constant 0 : i32
        %dma_start3A_124 = arith.constant 0 : i32
        %dma_start3A_125 = tpu.memref_slice %arg7[%sub3A_122, %dma_start3A_123, %dma_start3A_124] : memref<2x16x128xi32, #tpu.memory_space<vmem>> -> memref<1x16x128xi32, #tpu.memory_space<vmem>>
        %dma_start3A_126 = tpu.memref_squeeze %dma_start3A_125 : memref<1x16x128xi32, #tpu.memory_space<vmem>> -> memref<16x128xi32, #tpu.memory_space<vmem>>
        %dma_start3A_127 = arith.constant 0 : i32
        %dma_start3A_128 = tpu.memref_slice %arg3[%add3A_120, %dma_start3A_127] : memref<2720x128xi32, #tpu.memory_space<hbm>> -> memref<16x128xi32, #tpu.memory_space<hbm>>
        %dma_start3A_129 = arith.constant 0 : i32
        %dma_start3A_130 = arith.constant 0 : i32
        %dma_start3A_131 = tpu.memref_slice %arg7[%sub3A_122, %dma_start3A_129, %dma_start3A_130] : memref<2x16x128xi32, #tpu.memory_space<vmem>> -> memref<1x16x128xi32, #tpu.memory_space<vmem>>
        %dma_start3A_132 = tpu.memref_squeeze %dma_start3A_131 : memref<1x16x128xi32, #tpu.memory_space<vmem>> -> memref<16x128xi32, #tpu.memory_space<vmem>>
        %dma_start3A_133 = arith.constant 0 : i32
        %dma_start3A_134 = tpu.memref_slice %arg3[%add3A_120, %dma_start3A_133] : memref<2720x128xi32, #tpu.memory_space<hbm>> -> memref<16x128xi32, #tpu.memory_space<hbm>>
        tpu.enqueue_dma source(%dma_start3A_134 : memref<16x128xi32, #tpu.memory_space<hbm>>) target(%dma_start3A_132 : memref<16x128xi32, #tpu.memory_space<vmem>>) target_semaphore(%arg14 : memref<!tpu.dma_semaphore, #tpu.memory_space<semaphore_mem>>)
      } else {
      }
      %dma_start3A = arith.constant 0 : i32
      %dma_start3A_61 = arith.constant 0 : i32
      %dma_start3A_62 = tpu.memref_slice %arg6[%select_n3A_53, %dma_start3A, %dma_start3A_61] : memref<2x16x128xi32, #tpu.memory_space<vmem>> -> memref<1x1x128xi32, #tpu.memory_space<vmem>>
      %dma_start3A_63 = tpu.memref_squeeze %dma_start3A_62 : memref<1x1x128xi32, #tpu.memory_space<vmem>> -> memref<128xi32, #tpu.memory_space<vmem>>
      %dma_start3A_64 = arith.constant 0 : i32
      %dma_start3A_65 = arith.constant 0 : i32
      %dma_start3A_66 = tpu.memref_slice %arg4[%dma_start3A_64, %dma_start3A_65] : memref<10000x128xf32, #tpu.memory_space<hbm>> -> memref<10000x128xf32, #tpu.memory_space<hbm>>
      tpu.enqueue_indirect_dma source(%dma_start3A_66 : memref<10000x128xf32, #tpu.memory_space<hbm>>) target(%arg8 : memref<128x128xf32, #tpu.memory_space<vmem>>) offsets(%dma_start3A_63 : memref<128xi32, #tpu.memory_space<vmem>>) semaphore(%arg11 : memref<!tpu.dma_semaphore, #tpu.memory_space<semaphore_mem>>)
      %dma_start3A_67 = arith.constant 1 : i32
      %dma_start3A_68 = arith.constant 0 : i32
      %dma_start3A_69 = tpu.memref_slice %arg6[%select_n3A_53, %dma_start3A_67, %dma_start3A_68] : memref<2x16x128xi32, #tpu.memory_space<vmem>> -> memref<1x1x128xi32, #tpu.memory_space<vmem>>
      %dma_start3A_70 = tpu.memref_squeeze %dma_start3A_69 : memref<1x1x128xi32, #tpu.memory_space<vmem>> -> memref<128xi32, #tpu.memory_space<vmem>>
      %dma_start3A_71 = arith.constant 0 : i32
      %dma_start3A_72 = arith.constant 0 : i32
      %dma_start3A_73 = tpu.memref_slice %arg4[%dma_start3A_71, %dma_start3A_72] : memref<10000x128xf32, #tpu.memory_space<hbm>> -> memref<10000x128xf32, #tpu.memory_space<hbm>>
      tpu.enqueue_indirect_dma source(%dma_start3A_73 : memref<10000x128xf32, #tpu.memory_space<hbm>>) target(%arg9 : memref<128x128xf32, #tpu.memory_space<vmem>>) offsets(%dma_start3A_70 : memref<128xi32, #tpu.memory_space<vmem>>) semaphore(%arg12 : memref<!tpu.dma_semaphore, #tpu.memory_space<semaphore_mem>>)
      %scan3A_74 = arith.constant 0 : i32
      %scan3A_75 = arith.constant 0 : i32
      %scan3A_76 = arith.constant 7 : i32
      %scan3A_77 = arith.addi %scan3A_75, %scan3A_76 : i32
      %scan3A_78 = arith.constant 1 : i32
      %scan3A_79 = scf.for %scan3A_97 = %scan3A_75 to %scan3A_77 step %scan3A_78 iter_args(%scan3A_98 = %scan3A_74) -> (i32)  : i32 {
        %mul3A_99 = arith.constant 2 : i32
        %mul3A_100 = arith.muli %scan3A_97, %mul3A_99 : i32
        %add3A_101 = arith.constant 0 : i32
        %add3A_102 = arith.addi %mul3A_100, %add3A_101 : i32
        %dma_wait3A_103 = arith.constant 0 : i32
        %dma_wait3A_104 = tpu.memref_slice %arg6[%select_n3A_53, %add3A_102, %dma_wait3A_103] : memref<2x16x128xi32, #tpu.memory_space<vmem>> -> memref<1x1x128xi32, #tpu.memory_space<vmem>>
        %dma_wait3A_105 = tpu.memref_squeeze %dma_wait3A_104 : memref<1x1x128xi32, #tpu.memory_space<vmem>> -> memref<128xi32, #tpu.memory_space<vmem>>
        %dma_wait3A_106 = arith.constant 0 : i32
        %dma_wait3A_107 = arith.constant 0 : i32
        %dma_wait3A_108 = tpu.memref_slice %arg4[%dma_wait3A_106, %dma_wait3A_107] : memref<10000x128xf32, #tpu.memory_space<hbm>> -> memref<10000x128xf32, #tpu.memory_space<hbm>>
        tpu.wait_indirect_dma semaphore(%arg11 : memref<!tpu.dma_semaphore, #tpu.memory_space<semaphore_mem>>) src(%dma_wait3A_108 : memref<10000x128xf32, #tpu.memory_space<hbm>>) dst(%arg8 : memref<128x128xf32, #tpu.memory_space<vmem>>)
        "tpu.region"() ({
          %run_scoped3A_136 = tpu.sem_alloc : memref<!tpu.dma_semaphore, #tpu.memory_space<semaphore_mem>>
          %dma_start3A_137 = arith.constant 0 : i32
          %dma_start3A_138 = tpu.memref_slice %arg7[%select_n3A_53, %add3A_102, %dma_start3A_137] : memref<2x16x128xi32, #tpu.memory_space<vmem>> -> memref<1x1x128xi32, #tpu.memory_space<vmem>>
          %dma_start3A_139 = tpu.memref_squeeze %dma_start3A_138 : memref<1x1x128xi32, #tpu.memory_space<vmem>> -> memref<128xi32, #tpu.memory_space<vmem>>
          %dma_start3A_140 = arith.constant 0 : i32
          %dma_start3A_141 = arith.constant 0 : i32
          %dma_start3A_142 = tpu.memref_slice %arg10[%dma_start3A_140, %dma_start3A_141] : memref<10240x128xf32, #tpu.memory_space<vmem_shared>> -> memref<10240x128xf32, #tpu.memory_space<vmem_shared>>
          tpu.enqueue_indirect_dma source(%arg8 : memref<128x128xf32, #tpu.memory_space<vmem>>) target(%dma_start3A_142 : memref<10240x128xf32, #tpu.memory_space<vmem_shared>>) offsets(%dma_start3A_139 : memref<128xi32, #tpu.memory_space<vmem>>) semaphore(%run_scoped3A_136 : memref<!tpu.dma_semaphore, #tpu.memory_space<semaphore_mem>>) {add = true}
          %dma_wait3A_143 = arith.constant 0 : i32
          %dma_wait3A_144 = tpu.memref_slice %arg7[%select_n3A_53, %add3A_102, %dma_wait3A_143] : memref<2x16x128xi32, #tpu.memory_space<vmem>> -> memref<1x1x128xi32, #tpu.memory_space<vmem>>
          %dma_wait3A_145 = tpu.memref_squeeze %dma_wait3A_144 : memref<1x1x128xi32, #tpu.memory_space<vmem>> -> memref<128xi32, #tpu.memory_space<vmem>>
          %dma_wait3A_146 = arith.constant 0 : i32
          %dma_wait3A_147 = arith.constant 0 : i32
          %dma_wait3A_148 = tpu.memref_slice %arg10[%dma_wait3A_146, %dma_wait3A_147] : memref<10240x128xf32, #tpu.memory_space<vmem_shared>> -> memref<10240x128xf32, #tpu.memory_space<vmem_shared>>
          tpu.wait_indirect_dma semaphore(%run_scoped3A_136 : memref<!tpu.dma_semaphore, #tpu.memory_space<semaphore_mem>>) src(%arg8 : memref<128x128xf32, #tpu.memory_space<vmem>>) dst(%dma_wait3A_148 : memref<10240x128xf32, #tpu.memory_space<vmem_shared>>)
          tpu.yield
        }) : () -> ()
        %add3A_109 = arith.constant 2 : i32
        %add3A_110 = arith.addi %add3A_102, %add3A_109 : i32
        %dma_start3A_111 = arith.constant 0 : i32
        %dma_start3A_112 = tpu.memref_slice %arg6[%select_n3A_53, %add3A_110, %dma_start3A_111] : memref<2x16x128xi32, #tpu.memory_space<vmem>> -> memref<1x1x128xi32, #tpu.memory_space<vmem>>
        %dma_start3A_113 = tpu.memref_squeeze %dma_start3A_112 : memref<1x1x128xi32, #tpu.memory_space<vmem>> -> memref<128xi32, #tpu.memory_space<vmem>>
        %dma_start3A_114 = arith.constant 0 : i32
        %dma_start3A_115 = arith.constant 0 : i32
        %dma_start3A_116 = tpu.memref_slice %arg4[%dma_start3A_114, %dma_start3A_115] : memref<10000x128xf32, #tpu.memory_space<hbm>> -> memref<10000x128xf32, #tpu.memory_space<hbm>>
        tpu.enqueue_indirect_dma source(%dma_start3A_116 : memref<10000x128xf32, #tpu.memory_space<hbm>>) target(%arg8 : memref<128x128xf32, #tpu.memory_space<vmem>>) offsets(%dma_start3A_113 : memref<128xi32, #tpu.memory_space<vmem>>) semaphore(%arg11 : memref<!tpu.dma_semaphore, #tpu.memory_space<semaphore_mem>>)
        %mul3A_117 = arith.constant 2 : i32
        %mul3A_118 = arith.muli %scan3A_97, %mul3A_117 : i32
        %add3A_119 = arith.constant 1 : i32
        %add3A_120 = arith.addi %mul3A_118, %add3A_119 : i32
        %dma_wait3A_121 = arith.constant 0 : i32
        %dma_wait3A_122 = tpu.memref_slice %arg6[%select_n3A_53, %add3A_120, %dma_wait3A_121] : memref<2x16x128xi32, #tpu.memory_space<vmem>> -> memref<1x1x128xi32, #tpu.memory_space<vmem>>
        %dma_wait3A_123 = tpu.memref_squeeze %dma_wait3A_122 : memref<1x1x128xi32, #tpu.memory_space<vmem>> -> memref<128xi32, #tpu.memory_space<vmem>>
        %dma_wait3A_124 = arith.constant 0 : i32
        %dma_wait3A_125 = arith.constant 0 : i32
        %dma_wait3A_126 = tpu.memref_slice %arg4[%dma_wait3A_124, %dma_wait3A_125] : memref<10000x128xf32, #tpu.memory_space<hbm>> -> memref<10000x128xf32, #tpu.memory_space<hbm>>
        tpu.wait_indirect_dma semaphore(%arg12 : memref<!tpu.dma_semaphore, #tpu.memory_space<semaphore_mem>>) src(%dma_wait3A_126 : memref<10000x128xf32, #tpu.memory_space<hbm>>) dst(%arg9 : memref<128x128xf32, #tpu.memory_space<vmem>>)
        "tpu.region"() ({
          %run_scoped3A_136 = tpu.sem_alloc : memref<!tpu.dma_semaphore, #tpu.memory_space<semaphore_mem>>
          %dma_start3A_137 = arith.constant 0 : i32
          %dma_start3A_138 = tpu.memref_slice %arg7[%select_n3A_53, %add3A_120, %dma_start3A_137] : memref<2x16x128xi32, #tpu.memory_space<vmem>> -> memref<1x1x128xi32, #tpu.memory_space<vmem>>
          %dma_start3A_139 = tpu.memref_squeeze %dma_start3A_138 : memref<1x1x128xi32, #tpu.memory_space<vmem>> -> memref<128xi32, #tpu.memory_space<vmem>>
          %dma_start3A_140 = arith.constant 0 : i32
          %dma_start3A_141 = arith.constant 0 : i32
          %dma_start3A_142 = tpu.memref_slice %arg10[%dma_start3A_140, %dma_start3A_141] : memref<10240x128xf32, #tpu.memory_space<vmem_shared>> -> memref<10240x128xf32, #tpu.memory_space<vmem_shared>>
          tpu.enqueue_indirect_dma source(%arg9 : memref<128x128xf32, #tpu.memory_space<vmem>>) target(%dma_start3A_142 : memref<10240x128xf32, #tpu.memory_space<vmem_shared>>) offsets(%dma_start3A_139 : memref<128xi32, #tpu.memory_space<vmem>>) semaphore(%run_scoped3A_136 : memref<!tpu.dma_semaphore, #tpu.memory_space<semaphore_mem>>) {add = true}
          %dma_wait3A_143 = arith.constant 0 : i32
          %dma_wait3A_144 = tpu.memref_slice %arg7[%select_n3A_53, %add3A_120, %dma_wait3A_143] : memref<2x16x128xi32, #tpu.memory_space<vmem>> -> memref<1x1x128xi32, #tpu.memory_space<vmem>>
          %dma_wait3A_145 = tpu.memref_squeeze %dma_wait3A_144 : memref<1x1x128xi32, #tpu.memory_space<vmem>> -> memref<128xi32, #tpu.memory_space<vmem>>
          %dma_wait3A_146 = arith.constant 0 : i32
          %dma_wait3A_147 = arith.constant 0 : i32
          %dma_wait3A_148 = tpu.memref_slice %arg10[%dma_wait3A_146, %dma_wait3A_147] : memref<10240x128xf32, #tpu.memory_space<vmem_shared>> -> memref<10240x128xf32, #tpu.memory_space<vmem_shared>>
          tpu.wait_indirect_dma semaphore(%run_scoped3A_136 : memref<!tpu.dma_semaphore, #tpu.memory_space<semaphore_mem>>) src(%arg9 : memref<128x128xf32, #tpu.memory_space<vmem>>) dst(%dma_wait3A_148 : memref<10240x128xf32, #tpu.memory_space<vmem_shared>>)
          tpu.yield
        }) : () -> ()
        %add3A_127 = arith.constant 2 : i32
        %add3A_128 = arith.addi %add3A_120, %add3A_127 : i32
        %dma_start3A_129 = arith.constant 0 : i32
        %dma_start3A_130 = tpu.memref_slice %arg6[%select_n3A_53, %add3A_128, %dma_start3A_129] : memref<2x16x128xi32, #tpu.memory_space<vmem>> -> memref<1x1x128xi32, #tpu.memory_space<vmem>>
        %dma_start3A_131 = tpu.memref_squeeze %dma_start3A_130 : memref<1x1x128xi32, #tpu.memory_space<vmem>> -> memref<128xi32, #tpu.memory_space<vmem>>
        %dma_start3A_132 = arith.constant 0 : i32
        %dma_start3A_133 = arith.constant 0 : i32
        %dma_start3A_134 = tpu.memref_slice %arg4[%dma_start3A_132, %dma_start3A_133] : memref<10000x128xf32, #tpu.memory_space<hbm>> -> memref<10000x128xf32, #tpu.memory_space<hbm>>
        tpu.enqueue_indirect_dma source(%dma_start3A_134 : memref<10000x128xf32, #tpu.memory_space<hbm>>) target(%arg9 : memref<128x128xf32, #tpu.memory_space<vmem>>) offsets(%dma_start3A_131 : memref<128xi32, #tpu.memory_space<vmem>>) semaphore(%arg12 : memref<!tpu.dma_semaphore, #tpu.memory_space<semaphore_mem>>)
        %scan3A_135 = arith.constant 0 : i32
        scf.yield %scan3A_135 : i32
      }
      %scan3A_80 = arith.constant 7 : i32
      %dma_wait3A = arith.constant 14 : i32
      %dma_wait3A_81 = arith.constant 0 : i32
      %dma_wait3A_82 = tpu.memref_slice %arg6[%select_n3A_53, %dma_wait3A, %dma_wait3A_81] : memref<2x16x128xi32, #tpu.memory_space<vmem>> -> memref<1x1x128xi32, #tpu.memory_space<vmem>>
      %dma_wait3A_83 = tpu.memref_squeeze %dma_wait3A_82 : memref<1x1x128xi32, #tpu.memory_space<vmem>> -> memref<128xi32, #tpu.memory_space<vmem>>
      %dma_wait3A_84 = arith.constant 0 : i32
      %dma_wait3A_85 = arith.constant 0 : i32
      %dma_wait3A_86 = tpu.memref_slice %arg4[%dma_wait3A_84, %dma_wait3A_85] : memref<10000x128xf32, #tpu.memory_space<hbm>> -> memref<10000x128xf32, #tpu.memory_space<hbm>>
      tpu.wait_indirect_dma semaphore(%arg11 : memref<!tpu.dma_semaphore, #tpu.memory_space<semaphore_mem>>) src(%dma_wait3A_86 : memref<10000x128xf32, #tpu.memory_space<hbm>>) dst(%arg8 : memref<128x128xf32, #tpu.memory_space<vmem>>)
      %run_scoped3A_87 = arith.constant 14 : i32
      "tpu.region"() ({
        %run_scoped3A_97 = tpu.sem_alloc : memref<!tpu.dma_semaphore, #tpu.memory_space<semaphore_mem>>
        %dma_start3A_98 = arith.constant 0 : i32
        %dma_start3A_99 = tpu.memref_slice %arg7[%select_n3A_53, %run_scoped3A_87, %dma_start3A_98] : memref<2x16x128xi32, #tpu.memory_space<vmem>> -> memref<1x1x128xi32, #tpu.memory_space<vmem>>
        %dma_start3A_100 = tpu.memref_squeeze %dma_start3A_99 : memref<1x1x128xi32, #tpu.memory_space<vmem>> -> memref<128xi32, #tpu.memory_space<vmem>>
        %dma_start3A_101 = arith.constant 0 : i32
        %dma_start3A_102 = arith.constant 0 : i32
        %dma_start3A_103 = tpu.memref_slice %arg10[%dma_start3A_101, %dma_start3A_102] : memref<10240x128xf32, #tpu.memory_space<vmem_shared>> -> memref<10240x128xf32, #tpu.memory_space<vmem_shared>>
        tpu.enqueue_indirect_dma source(%arg8 : memref<128x128xf32, #tpu.memory_space<vmem>>) target(%dma_start3A_103 : memref<10240x128xf32, #tpu.memory_space<vmem_shared>>) offsets(%dma_start3A_100 : memref<128xi32, #tpu.memory_space<vmem>>) semaphore(%run_scoped3A_97 : memref<!tpu.dma_semaphore, #tpu.memory_space<semaphore_mem>>) {add = true}
        %dma_wait3A_104 = arith.constant 0 : i32
        %dma_wait3A_105 = tpu.memref_slice %arg7[%select_n3A_53, %run_scoped3A_87, %dma_wait3A_104] : memref<2x16x128xi32, #tpu.memory_space<vmem>> -> memref<1x1x128xi32, #tpu.memory_space<vmem>>
        %dma_wait3A_106 = tpu.memref_squeeze %dma_wait3A_105 : memref<1x1x128xi32, #tpu.memory_space<vmem>> -> memref<128xi32, #tpu.memory_space<vmem>>
        %dma_wait3A_107 = arith.constant 0 : i32
        %dma_wait3A_108 = arith.constant 0 : i32
        %dma_wait3A_109 = tpu.memref_slice %arg10[%dma_wait3A_107, %dma_wait3A_108] : memref<10240x128xf32, #tpu.memory_space<vmem_shared>> -> memref<10240x128xf32, #tpu.memory_space<vmem_shared>>
        tpu.wait_indirect_dma semaphore(%run_scoped3A_97 : memref<!tpu.dma_semaphore, #tpu.memory_space<semaphore_mem>>) src(%arg8 : memref<128x128xf32, #tpu.memory_space<vmem>>) dst(%dma_wait3A_109 : memref<10240x128xf32, #tpu.memory_space<vmem_shared>>)
        tpu.yield
      }) : () -> ()
      %dma_wait3A_88 = arith.constant 15 : i32
      %dma_wait3A_89 = arith.constant 0 : i32
      %dma_wait3A_90 = tpu.memref_slice %arg6[%select_n3A_53, %dma_wait3A_88, %dma_wait3A_89] : memref<2x16x128xi32, #tpu.memory_space<vmem>> -> memref<1x1x128xi32, #tpu.memory_space<vmem>>
      %dma_wait3A_91 = tpu.memref_squeeze %dma_wait3A_90 : memref<1x1x128xi32, #tpu.memory_space<vmem>> -> memref<128xi32, #tpu.memory_space<vmem>>
      %dma_wait3A_92 = arith.constant 0 : i32
      %dma_wait3A_93 = arith.constant 0 : i32
      %dma_wait3A_94 = tpu.memref_slice %arg4[%dma_wait3A_92, %dma_wait3A_93] : memref<10000x128xf32, #tpu.memory_space<hbm>> -> memref<10000x128xf32, #tpu.memory_space<hbm>>
      tpu.wait_indirect_dma semaphore(%arg12 : memref<!tpu.dma_semaphore, #tpu.memory_space<semaphore_mem>>) src(%dma_wait3A_94 : memref<10000x128xf32, #tpu.memory_space<hbm>>) dst(%arg9 : memref<128x128xf32, #tpu.memory_space<vmem>>)
      %run_scoped3A_95 = arith.constant 15 : i32
      "tpu.region"() ({
        %run_scoped3A_97 = tpu.sem_alloc : memref<!tpu.dma_semaphore, #tpu.memory_space<semaphore_mem>>
        %dma_start3A_98 = arith.constant 0 : i32
        %dma_start3A_99 = tpu.memref_slice %arg7[%select_n3A_53, %run_scoped3A_95, %dma_start3A_98] : memref<2x16x128xi32, #tpu.memory_space<vmem>> -> memref<1x1x128xi32, #tpu.memory_space<vmem>>
        %dma_start3A_100 = tpu.memref_squeeze %dma_start3A_99 : memref<1x1x128xi32, #tpu.memory_space<vmem>> -> memref<128xi32, #tpu.memory_space<vmem>>
        %dma_start3A_101 = arith.constant 0 : i32
        %dma_start3A_102 = arith.constant 0 : i32
        %dma_start3A_103 = tpu.memref_slice %arg10[%dma_start3A_101, %dma_start3A_102] : memref<10240x128xf32, #tpu.memory_space<vmem_shared>> -> memref<10240x128xf32, #tpu.memory_space<vmem_shared>>
        tpu.enqueue_indirect_dma source(%arg9 : memref<128x128xf32, #tpu.memory_space<vmem>>) target(%dma_start3A_103 : memref<10240x128xf32, #tpu.memory_space<vmem_shared>>) offsets(%dma_start3A_100 : memref<128xi32, #tpu.memory_space<vmem>>) semaphore(%run_scoped3A_97 : memref<!tpu.dma_semaphore, #tpu.memory_space<semaphore_mem>>) {add = true}
        %dma_wait3A_104 = arith.constant 0 : i32
        %dma_wait3A_105 = tpu.memref_slice %arg7[%select_n3A_53, %run_scoped3A_95, %dma_wait3A_104] : memref<2x16x128xi32, #tpu.memory_space<vmem>> -> memref<1x1x128xi32, #tpu.memory_space<vmem>>
        %dma_wait3A_106 = tpu.memref_squeeze %dma_wait3A_105 : memref<1x1x128xi32, #tpu.memory_space<vmem>> -> memref<128xi32, #tpu.memory_space<vmem>>
        %dma_wait3A_107 = arith.constant 0 : i32
        %dma_wait3A_108 = arith.constant 0 : i32
        %dma_wait3A_109 = tpu.memref_slice %arg10[%dma_wait3A_107, %dma_wait3A_108] : memref<10240x128xf32, #tpu.memory_space<vmem_shared>> -> memref<10240x128xf32, #tpu.memory_space<vmem_shared>>
        tpu.wait_indirect_dma semaphore(%run_scoped3A_97 : memref<!tpu.dma_semaphore, #tpu.memory_space<semaphore_mem>>) src(%arg9 : memref<128x128xf32, #tpu.memory_space<vmem>>) dst(%dma_wait3A_109 : memref<10240x128xf32, #tpu.memory_space<vmem_shared>>)
        tpu.yield
      }) : () -> ()
      %while3A_96 = arith.constant 0 : i32
      scf.yield %while3A_96 : i32
    }
    %while3A_37 = arith.constant 1 : i32
    %while3A_38 = scf.for %while3A_40 = %while3A_34 to %while3A_30 step %while3A_37 iter_args(%while3A_41 = %while3A_36) -> (i32)  : i32 {
      %jit3A_42 = arith.constant 2 : i32
      %eq3A_43 = arith.constant 0 : i32
      %eq3A_44 = arith.cmpi eq, %jit3A_42, %eq3A_43 : i32
      %jit3A_45 = arith.constant 1 : i32
      %select_n3A_46 = arith.select %eq3A_44, %jit3A_45, %jit3A_42 : i32
      %rem3A = arith.remsi %while3A_40, %select_n3A_46 : i32
      %ne3A = arith.constant 0 : i32
      %ne3A_47 = arith.cmpi ne, %rem3A, %ne3A : i32
      %lt3A = arith.constant 0 : i32
      %lt3A_48 = arith.cmpi slt, %rem3A, %lt3A : i32
      %lt3A_49 = arith.constant 0 : i32
      %lt3A_50 = arith.cmpi slt, %select_n3A_46, %lt3A_49 : i32
      %ne3A_51 = arith.xori %lt3A_48, %lt3A_50 : i1
      %and3A = arith.andi %ne3A_51, %ne3A_47 : i1
      %add3A_52 = arith.addi %rem3A, %select_n3A_46 : i32
      %select_n3A_53 = arith.select %and3A, %add3A_52, %rem3A : i32
      %gt3A = arith.constant 0 : i32
      %gt3A_54 = arith.cmpi sgt, %while3A_40, %gt3A : i32
      %convert_element_type3A = arith.extui %gt3A_54 : i1 to i32
      %cond3A = arith.constant 0 : i32
      %cond3A_55 = arith.cmpi ne, %convert_element_type3A, %cond3A : i32
      scf.if %cond3A_55 {
        %mul3A_97 = arith.constant 16 : i32
        %mul3A_98 = arith.muli %while3A_40, %mul3A_97 : i32
        %add3A_99 = arith.addi %select_n3A_10, %mul3A_98 : i32
        %dma_wait3A_100 = arith.constant 0 : i32
        %dma_wait3A_101 = arith.constant 0 : i32
        %dma_wait3A_102 = tpu.memref_slice %arg6[%select_n3A_53, %dma_wait3A_100, %dma_wait3A_101] : memref<2x16x128xi32, #tpu.memory_space<vmem>> -> memref<1x16x128xi32, #tpu.memory_space<vmem>>
        %dma_wait3A_103 = tpu.memref_squeeze %dma_wait3A_102 : memref<1x16x128xi32, #tpu.memory_space<vmem>> -> memref<16x128xi32, #tpu.memory_space<vmem>>
        %dma_wait3A_104 = arith.constant 0 : i32
        %dma_wait3A_105 = tpu.memref_slice %arg2[%add3A_99, %dma_wait3A_104] : memref<2720x128xi32, #tpu.memory_space<hbm>> -> memref<16x128xi32, #tpu.memory_space<hbm>>
        %dma_wait3A_106 = arith.constant 0 : i32
        %dma_wait3A_107 = arith.constant 0 : i32
        %dma_wait3A_108 = tpu.memref_slice %arg6[%select_n3A_53, %dma_wait3A_106, %dma_wait3A_107] : memref<2x16x128xi32, #tpu.memory_space<vmem>> -> memref<1x16x128xi32, #tpu.memory_space<vmem>>
        %dma_wait3A_109 = tpu.memref_squeeze %dma_wait3A_108 : memref<1x16x128xi32, #tpu.memory_space<vmem>> -> memref<16x128xi32, #tpu.memory_space<vmem>>
        %dma_wait3A_110 = arith.constant 0 : i32
        %dma_wait3A_111 = tpu.memref_slice %arg2[%add3A_99, %dma_wait3A_110] : memref<2720x128xi32, #tpu.memory_space<hbm>> -> memref<16x128xi32, #tpu.memory_space<hbm>>
        tpu.wait_dma2 semaphore(%arg13 : memref<!tpu.dma_semaphore, #tpu.memory_space<semaphore_mem>>) src(%dma_wait3A_111 : memref<16x128xi32, #tpu.memory_space<hbm>>) dst(%dma_wait3A_109 : memref<16x128xi32, #tpu.memory_space<vmem>>)
        %mul3A_112 = arith.constant 16 : i32
        %mul3A_113 = arith.muli %while3A_40, %mul3A_112 : i32
        %add3A_114 = arith.addi %select_n3A_10, %mul3A_113 : i32
        %dma_wait3A_115 = arith.constant 0 : i32
        %dma_wait3A_116 = arith.constant 0 : i32
        %dma_wait3A_117 = tpu.memref_slice %arg7[%select_n3A_53, %dma_wait3A_115, %dma_wait3A_116] : memref<2x16x128xi32, #tpu.memory_space<vmem>> -> memref<1x16x128xi32, #tpu.memory_space<vmem>>
        %dma_wait3A_118 = tpu.memref_squeeze %dma_wait3A_117 : memref<1x16x128xi32, #tpu.memory_space<vmem>> -> memref<16x128xi32, #tpu.memory_space<vmem>>
        %dma_wait3A_119 = arith.constant 0 : i32
        %dma_wait3A_120 = tpu.memref_slice %arg3[%add3A_114, %dma_wait3A_119] : memref<2720x128xi32, #tpu.memory_space<hbm>> -> memref<16x128xi32, #tpu.memory_space<hbm>>
        %dma_wait3A_121 = arith.constant 0 : i32
        %dma_wait3A_122 = arith.constant 0 : i32
        %dma_wait3A_123 = tpu.memref_slice %arg7[%select_n3A_53, %dma_wait3A_121, %dma_wait3A_122] : memref<2x16x128xi32, #tpu.memory_space<vmem>> -> memref<1x16x128xi32, #tpu.memory_space<vmem>>
        %dma_wait3A_124 = tpu.memref_squeeze %dma_wait3A_123 : memref<1x16x128xi32, #tpu.memory_space<vmem>> -> memref<16x128xi32, #tpu.memory_space<vmem>>
        %dma_wait3A_125 = arith.constant 0 : i32
        %dma_wait3A_126 = tpu.memref_slice %arg3[%add3A_114, %dma_wait3A_125] : memref<2720x128xi32, #tpu.memory_space<hbm>> -> memref<16x128xi32, #tpu.memory_space<hbm>>
        tpu.wait_dma2 semaphore(%arg14 : memref<!tpu.dma_semaphore, #tpu.memory_space<semaphore_mem>>) src(%dma_wait3A_126 : memref<16x128xi32, #tpu.memory_space<hbm>>) dst(%dma_wait3A_124 : memref<16x128xi32, #tpu.memory_space<vmem>>)
      } else {
      }
      %sub3A = arith.constant 1 : i32
      %sub3A_56 = arith.subi %select_n3A, %sub3A : i32
      %lt3A_57 = arith.cmpi slt, %while3A_40, %sub3A_56 : i32
      %convert_element_type3A_58 = arith.extui %lt3A_57 : i1 to i32
      %cond3A_59 = arith.constant 0 : i32
      %cond3A_60 = arith.cmpi ne, %convert_element_type3A_58, %cond3A_59 : i32
      scf.if %cond3A_60 {
        %add3A_97 = arith.constant 1 : i32
        %add3A_98 = arith.addi %while3A_40, %add3A_97 : i32
        %mul3A_99 = arith.constant 16 : i32
        %mul3A_100 = arith.muli %add3A_98, %mul3A_99 : i32
        %add3A_101 = arith.addi %select_n3A_10, %mul3A_100 : i32
        %sub3A_102 = arith.constant 1 : i32
        %sub3A_103 = arith.subi %sub3A_102, %select_n3A_53 : i32
        %dma_start3A_104 = arith.constant 0 : i32
        %dma_start3A_105 = arith.constant 0 : i32
        %dma_start3A_106 = tpu.memref_slice %arg6[%sub3A_103, %dma_start3A_104, %dma_start3A_105] : memref<2x16x128xi32, #tpu.memory_space<vmem>> -> memref<1x16x128xi32, #tpu.memory_space<vmem>>
        %dma_start3A_107 = tpu.memref_squeeze %dma_start3A_106 : memref<1x16x128xi32, #tpu.memory_space<vmem>> -> memref<16x128xi32, #tpu.memory_space<vmem>>
        %dma_start3A_108 = arith.constant 0 : i32
        %dma_start3A_109 = tpu.memref_slice %arg2[%add3A_101, %dma_start3A_108] : memref<2720x128xi32, #tpu.memory_space<hbm>> -> memref<16x128xi32, #tpu.memory_space<hbm>>
        %dma_start3A_110 = arith.constant 0 : i32
        %dma_start3A_111 = arith.constant 0 : i32
        %dma_start3A_112 = tpu.memref_slice %arg6[%sub3A_103, %dma_start3A_110, %dma_start3A_111] : memref<2x16x128xi32, #tpu.memory_space<vmem>> -> memref<1x16x128xi32, #tpu.memory_space<vmem>>
        %dma_start3A_113 = tpu.memref_squeeze %dma_start3A_112 : memref<1x16x128xi32, #tpu.memory_space<vmem>> -> memref<16x128xi32, #tpu.memory_space<vmem>>
        %dma_start3A_114 = arith.constant 0 : i32
        %dma_start3A_115 = tpu.memref_slice %arg2[%add3A_101, %dma_start3A_114] : memref<2720x128xi32, #tpu.memory_space<hbm>> -> memref<16x128xi32, #tpu.memory_space<hbm>>
        tpu.enqueue_dma source(%dma_start3A_115 : memref<16x128xi32, #tpu.memory_space<hbm>>) target(%dma_start3A_113 : memref<16x128xi32, #tpu.memory_space<vmem>>) target_semaphore(%arg13 : memref<!tpu.dma_semaphore, #tpu.memory_space<semaphore_mem>>)
        %add3A_116 = arith.constant 1 : i32
        %add3A_117 = arith.addi %while3A_40, %add3A_116 : i32
        %mul3A_118 = arith.constant 16 : i32
        %mul3A_119 = arith.muli %add3A_117, %mul3A_118 : i32
        %add3A_120 = arith.addi %select_n3A_10, %mul3A_119 : i32
        %sub3A_121 = arith.constant 1 : i32
        %sub3A_122 = arith.subi %sub3A_121, %select_n3A_53 : i32
        %dma_start3A_123 = arith.constant 0 : i32
        %dma_start3A_124 = arith.constant 0 : i32
        %dma_start3A_125 = tpu.memref_slice %arg7[%sub3A_122, %dma_start3A_123, %dma_start3A_124] : memref<2x16x128xi32, #tpu.memory_space<vmem>> -> memref<1x16x128xi32, #tpu.memory_space<vmem>>
        %dma_start3A_126 = tpu.memref_squeeze %dma_start3A_125 : memref<1x16x128xi32, #tpu.memory_space<vmem>> -> memref<16x128xi32, #tpu.memory_space<vmem>>
        %dma_start3A_127 = arith.constant 0 : i32
        %dma_start3A_128 = tpu.memref_slice %arg3[%add3A_120, %dma_start3A_127] : memref<2720x128xi32, #tpu.memory_space<hbm>> -> memref<16x128xi32, #tpu.memory_space<hbm>>
        %dma_start3A_129 = arith.constant 0 : i32
        %dma_start3A_130 = arith.constant 0 : i32
        %dma_start3A_131 = tpu.memref_slice %arg7[%sub3A_122, %dma_start3A_129, %dma_start3A_130] : memref<2x16x128xi32, #tpu.memory_space<vmem>> -> memref<1x16x128xi32, #tpu.memory_space<vmem>>
        %dma_start3A_132 = tpu.memref_squeeze %dma_start3A_131 : memref<1x16x128xi32, #tpu.memory_space<vmem>> -> memref<16x128xi32, #tpu.memory_space<vmem>>
        %dma_start3A_133 = arith.constant 0 : i32
        %dma_start3A_134 = tpu.memref_slice %arg3[%add3A_120, %dma_start3A_133] : memref<2720x128xi32, #tpu.memory_space<hbm>> -> memref<16x128xi32, #tpu.memory_space<hbm>>
        tpu.enqueue_dma source(%dma_start3A_134 : memref<16x128xi32, #tpu.memory_space<hbm>>) target(%dma_start3A_132 : memref<16x128xi32, #tpu.memory_space<vmem>>) target_semaphore(%arg14 : memref<!tpu.dma_semaphore, #tpu.memory_space<semaphore_mem>>)
      } else {
      }
      %dma_start3A = arith.constant 0 : i32
      %dma_start3A_61 = arith.constant 0 : i32
      %dma_start3A_62 = tpu.memref_slice %arg6[%select_n3A_53, %dma_start3A, %dma_start3A_61] : memref<2x16x128xi32, #tpu.memory_space<vmem>> -> memref<1x1x128xi32, #tpu.memory_space<vmem>>
      %dma_start3A_63 = tpu.memref_squeeze %dma_start3A_62 : memref<1x1x128xi32, #tpu.memory_space<vmem>> -> memref<128xi32, #tpu.memory_space<vmem>>
      %dma_start3A_64 = arith.constant 0 : i32
      %dma_start3A_65 = arith.constant 0 : i32
      %dma_start3A_66 = tpu.memref_slice %arg4[%dma_start3A_64, %dma_start3A_65] : memref<10000x128xf32, #tpu.memory_space<hbm>> -> memref<10000x128xf32, #tpu.memory_space<hbm>>
      tpu.enqueue_indirect_dma source(%dma_start3A_66 : memref<10000x128xf32, #tpu.memory_space<hbm>>) target(%arg8 : memref<128x128xf32, #tpu.memory_space<vmem>>) offsets(%dma_start3A_63 : memref<128xi32, #tpu.memory_space<vmem>>) semaphore(%arg11 : memref<!tpu.dma_semaphore, #tpu.memory_space<semaphore_mem>>)
      %dma_start3A_67 = arith.constant 1 : i32
      %dma_start3A_68 = arith.constant 0 : i32
      %dma_start3A_69 = tpu.memref_slice %arg6[%select_n3A_53, %dma_start3A_67, %dma_start3A_68] : memref<2x16x128xi32, #tpu.memory_space<vmem>> -> memref<1x1x128xi32, #tpu.memory_space<vmem>>
      %dma_start3A_70 = tpu.memref_squeeze %dma_start3A_69 : memref<1x1x128xi32, #tpu.memory_space<vmem>> -> memref<128xi32, #tpu.memory_space<vmem>>
      %dma_start3A_71 = arith.constant 0 : i32
      %dma_start3A_72 = arith.constant 0 : i32
      %dma_start3A_73 = tpu.memref_slice %arg4[%dma_start3A_71, %dma_start3A_72] : memref<10000x128xf32, #tpu.memory_space<hbm>> -> memref<10000x128xf32, #tpu.memory_space<hbm>>
      tpu.enqueue_indirect_dma source(%dma_start3A_73 : memref<10000x128xf32, #tpu.memory_space<hbm>>) target(%arg9 : memref<128x128xf32, #tpu.memory_space<vmem>>) offsets(%dma_start3A_70 : memref<128xi32, #tpu.memory_space<vmem>>) semaphore(%arg12 : memref<!tpu.dma_semaphore, #tpu.memory_space<semaphore_mem>>)
      %scan3A_74 = arith.constant 0 : i32
      %scan3A_75 = arith.constant 0 : i32
      %scan3A_76 = arith.constant 7 : i32
      %scan3A_77 = arith.addi %scan3A_75, %scan3A_76 : i32
      %scan3A_78 = arith.constant 1 : i32
      %scan3A_79 = scf.for %scan3A_97 = %scan3A_75 to %scan3A_77 step %scan3A_78 iter_args(%scan3A_98 = %scan3A_74) -> (i32)  : i32 {
        %mul3A_99 = arith.constant 2 : i32
        %mul3A_100 = arith.muli %scan3A_97, %mul3A_99 : i32
        %add3A_101 = arith.constant 0 : i32
        %add3A_102 = arith.addi %mul3A_100, %add3A_101 : i32
        %dma_wait3A_103 = arith.constant 0 : i32
        %dma_wait3A_104 = tpu.memref_slice %arg6[%select_n3A_53, %add3A_102, %dma_wait3A_103] : memref<2x16x128xi32, #tpu.memory_space<vmem>> -> memref<1x1x128xi32, #tpu.memory_space<vmem>>
        %dma_wait3A_105 = tpu.memref_squeeze %dma_wait3A_104 : memref<1x1x128xi32, #tpu.memory_space<vmem>> -> memref<128xi32, #tpu.memory_space<vmem>>
        %dma_wait3A_106 = arith.constant 0 : i32
        %dma_wait3A_107 = arith.constant 0 : i32
        %dma_wait3A_108 = tpu.memref_slice %arg4[%dma_wait3A_106, %dma_wait3A_107] : memref<10000x128xf32, #tpu.memory_space<hbm>> -> memref<10000x128xf32, #tpu.memory_space<hbm>>
        tpu.wait_indirect_dma semaphore(%arg11 : memref<!tpu.dma_semaphore, #tpu.memory_space<semaphore_mem>>) src(%dma_wait3A_108 : memref<10000x128xf32, #tpu.memory_space<hbm>>) dst(%arg8 : memref<128x128xf32, #tpu.memory_space<vmem>>)
        "tpu.region"() ({
          %run_scoped3A_136 = tpu.sem_alloc : memref<!tpu.dma_semaphore, #tpu.memory_space<semaphore_mem>>
          %dma_start3A_137 = arith.constant 0 : i32
          %dma_start3A_138 = tpu.memref_slice %arg7[%select_n3A_53, %add3A_102, %dma_start3A_137] : memref<2x16x128xi32, #tpu.memory_space<vmem>> -> memref<1x1x128xi32, #tpu.memory_space<vmem>>
          %dma_start3A_139 = tpu.memref_squeeze %dma_start3A_138 : memref<1x1x128xi32, #tpu.memory_space<vmem>> -> memref<128xi32, #tpu.memory_space<vmem>>
          %dma_start3A_140 = arith.constant 0 : i32
          %dma_start3A_141 = arith.constant 0 : i32
          %dma_start3A_142 = tpu.memref_slice %arg10[%dma_start3A_140, %dma_start3A_141] : memref<10240x128xf32, #tpu.memory_space<vmem_shared>> -> memref<10240x128xf32, #tpu.memory_space<vmem_shared>>
          tpu.enqueue_indirect_dma source(%arg8 : memref<128x128xf32, #tpu.memory_space<vmem>>) target(%dma_start3A_142 : memref<10240x128xf32, #tpu.memory_space<vmem_shared>>) offsets(%dma_start3A_139 : memref<128xi32, #tpu.memory_space<vmem>>) semaphore(%run_scoped3A_136 : memref<!tpu.dma_semaphore, #tpu.memory_space<semaphore_mem>>) {add = true}
          %dma_wait3A_143 = arith.constant 0 : i32
          %dma_wait3A_144 = tpu.memref_slice %arg7[%select_n3A_53, %add3A_102, %dma_wait3A_143] : memref<2x16x128xi32, #tpu.memory_space<vmem>> -> memref<1x1x128xi32, #tpu.memory_space<vmem>>
          %dma_wait3A_145 = tpu.memref_squeeze %dma_wait3A_144 : memref<1x1x128xi32, #tpu.memory_space<vmem>> -> memref<128xi32, #tpu.memory_space<vmem>>
          %dma_wait3A_146 = arith.constant 0 : i32
          %dma_wait3A_147 = arith.constant 0 : i32
          %dma_wait3A_148 = tpu.memref_slice %arg10[%dma_wait3A_146, %dma_wait3A_147] : memref<10240x128xf32, #tpu.memory_space<vmem_shared>> -> memref<10240x128xf32, #tpu.memory_space<vmem_shared>>
          tpu.wait_indirect_dma semaphore(%run_scoped3A_136 : memref<!tpu.dma_semaphore, #tpu.memory_space<semaphore_mem>>) src(%arg8 : memref<128x128xf32, #tpu.memory_space<vmem>>) dst(%dma_wait3A_148 : memref<10240x128xf32, #tpu.memory_space<vmem_shared>>)
          tpu.yield
        }) : () -> ()
        %add3A_109 = arith.constant 2 : i32
        %add3A_110 = arith.addi %add3A_102, %add3A_109 : i32
        %dma_start3A_111 = arith.constant 0 : i32
        %dma_start3A_112 = tpu.memref_slice %arg6[%select_n3A_53, %add3A_110, %dma_start3A_111] : memref<2x16x128xi32, #tpu.memory_space<vmem>> -> memref<1x1x128xi32, #tpu.memory_space<vmem>>
        %dma_start3A_113 = tpu.memref_squeeze %dma_start3A_112 : memref<1x1x128xi32, #tpu.memory_space<vmem>> -> memref<128xi32, #tpu.memory_space<vmem>>
        %dma_start3A_114 = arith.constant 0 : i32
        %dma_start3A_115 = arith.constant 0 : i32
        %dma_start3A_116 = tpu.memref_slice %arg4[%dma_start3A_114, %dma_start3A_115] : memref<10000x128xf32, #tpu.memory_space<hbm>> -> memref<10000x128xf32, #tpu.memory_space<hbm>>
        tpu.enqueue_indirect_dma source(%dma_start3A_116 : memref<10000x128xf32, #tpu.memory_space<hbm>>) target(%arg8 : memref<128x128xf32, #tpu.memory_space<vmem>>) offsets(%dma_start3A_113 : memref<128xi32, #tpu.memory_space<vmem>>) semaphore(%arg11 : memref<!tpu.dma_semaphore, #tpu.memory_space<semaphore_mem>>)
        %mul3A_117 = arith.constant 2 : i32
        %mul3A_118 = arith.muli %scan3A_97, %mul3A_117 : i32
        %add3A_119 = arith.constant 1 : i32
        %add3A_120 = arith.addi %mul3A_118, %add3A_119 : i32
        %dma_wait3A_121 = arith.constant 0 : i32
        %dma_wait3A_122 = tpu.memref_slice %arg6[%select_n3A_53, %add3A_120, %dma_wait3A_121] : memref<2x16x128xi32, #tpu.memory_space<vmem>> -> memref<1x1x128xi32, #tpu.memory_space<vmem>>
        %dma_wait3A_123 = tpu.memref_squeeze %dma_wait3A_122 : memref<1x1x128xi32, #tpu.memory_space<vmem>> -> memref<128xi32, #tpu.memory_space<vmem>>
        %dma_wait3A_124 = arith.constant 0 : i32
        %dma_wait3A_125 = arith.constant 0 : i32
        %dma_wait3A_126 = tpu.memref_slice %arg4[%dma_wait3A_124, %dma_wait3A_125] : memref<10000x128xf32, #tpu.memory_space<hbm>> -> memref<10000x128xf32, #tpu.memory_space<hbm>>
        tpu.wait_indirect_dma semaphore(%arg12 : memref<!tpu.dma_semaphore, #tpu.memory_space<semaphore_mem>>) src(%dma_wait3A_126 : memref<10000x128xf32, #tpu.memory_space<hbm>>) dst(%arg9 : memref<128x128xf32, #tpu.memory_space<vmem>>)
        "tpu.region"() ({
          %run_scoped3A_136 = tpu.sem_alloc : memref<!tpu.dma_semaphore, #tpu.memory_space<semaphore_mem>>
          %dma_start3A_137 = arith.constant 0 : i32
          %dma_start3A_138 = tpu.memref_slice %arg7[%select_n3A_53, %add3A_120, %dma_start3A_137] : memref<2x16x128xi32, #tpu.memory_space<vmem>> -> memref<1x1x128xi32, #tpu.memory_space<vmem>>
          %dma_start3A_139 = tpu.memref_squeeze %dma_start3A_138 : memref<1x1x128xi32, #tpu.memory_space<vmem>> -> memref<128xi32, #tpu.memory_space<vmem>>
          %dma_start3A_140 = arith.constant 0 : i32
          %dma_start3A_141 = arith.constant 0 : i32
          %dma_start3A_142 = tpu.memref_slice %arg10[%dma_start3A_140, %dma_start3A_141] : memref<10240x128xf32, #tpu.memory_space<vmem_shared>> -> memref<10240x128xf32, #tpu.memory_space<vmem_shared>>
          tpu.enqueue_indirect_dma source(%arg9 : memref<128x128xf32, #tpu.memory_space<vmem>>) target(%dma_start3A_142 : memref<10240x128xf32, #tpu.memory_space<vmem_shared>>) offsets(%dma_start3A_139 : memref<128xi32, #tpu.memory_space<vmem>>) semaphore(%run_scoped3A_136 : memref<!tpu.dma_semaphore, #tpu.memory_space<semaphore_mem>>) {add = true}
          %dma_wait3A_143 = arith.constant 0 : i32
          %dma_wait3A_144 = tpu.memref_slice %arg7[%select_n3A_53, %add3A_120, %dma_wait3A_143] : memref<2x16x128xi32, #tpu.memory_space<vmem>> -> memref<1x1x128xi32, #tpu.memory_space<vmem>>
          %dma_wait3A_145 = tpu.memref_squeeze %dma_wait3A_144 : memref<1x1x128xi32, #tpu.memory_space<vmem>> -> memref<128xi32, #tpu.memory_space<vmem>>
          %dma_wait3A_146 = arith.constant 0 : i32
          %dma_wait3A_147 = arith.constant 0 : i32
          %dma_wait3A_148 = tpu.memref_slice %arg10[%dma_wait3A_146, %dma_wait3A_147] : memref<10240x128xf32, #tpu.memory_space<vmem_shared>> -> memref<10240x128xf32, #tpu.memory_space<vmem_shared>>
          tpu.wait_indirect_dma semaphore(%run_scoped3A_136 : memref<!tpu.dma_semaphore, #tpu.memory_space<semaphore_mem>>) src(%arg9 : memref<128x128xf32, #tpu.memory_space<vmem>>) dst(%dma_wait3A_148 : memref<10240x128xf32, #tpu.memory_space<vmem_shared>>)
          tpu.yield
        }) : () -> ()
        %add3A_127 = arith.constant 2 : i32
        %add3A_128 = arith.addi %add3A_120, %add3A_127 : i32
        %dma_start3A_129 = arith.constant 0 : i32
        %dma_start3A_130 = tpu.memref_slice %arg6[%select_n3A_53, %add3A_128, %dma_start3A_129] : memref<2x16x128xi32, #tpu.memory_space<vmem>> -> memref<1x1x128xi32, #tpu.memory_space<vmem>>
        %dma_start3A_131 = tpu.memref_squeeze %dma_start3A_130 : memref<1x1x128xi32, #tpu.memory_space<vmem>> -> memref<128xi32, #tpu.memory_space<vmem>>
        %dma_start3A_132 = arith.constant 0 : i32
        %dma_start3A_133 = arith.constant 0 : i32
        %dma_start3A_134 = tpu.memref_slice %arg4[%dma_start3A_132, %dma_start3A_133] : memref<10000x128xf32, #tpu.memory_space<hbm>> -> memref<10000x128xf32, #tpu.memory_space<hbm>>
        tpu.enqueue_indirect_dma source(%dma_start3A_134 : memref<10000x128xf32, #tpu.memory_space<hbm>>) target(%arg9 : memref<128x128xf32, #tpu.memory_space<vmem>>) offsets(%dma_start3A_131 : memref<128xi32, #tpu.memory_space<vmem>>) semaphore(%arg12 : memref<!tpu.dma_semaphore, #tpu.memory_space<semaphore_mem>>)
        %scan3A_135 = arith.constant 0 : i32
        scf.yield %scan3A_135 : i32
      }
      %scan3A_80 = arith.constant 7 : i32
      %dma_wait3A = arith.constant 14 : i32
      %dma_wait3A_81 = arith.constant 0 : i32
      %dma_wait3A_82 = tpu.memref_slice %arg6[%select_n3A_53, %dma_wait3A, %dma_wait3A_81] : memref<2x16x128xi32, #tpu.memory_space<vmem>> -> memref<1x1x128xi32, #tpu.memory_space<vmem>>
      %dma_wait3A_83 = tpu.memref_squeeze %dma_wait3A_82 : memref<1x1x128xi32, #tpu.memory_space<vmem>> -> memref<128xi32, #tpu.memory_space<vmem>>
      %dma_wait3A_84 = arith.constant 0 : i32
      %dma_wait3A_85 = arith.constant 0 : i32
      %dma_wait3A_86 = tpu.memref_slice %arg4[%dma_wait3A_84, %dma_wait3A_85] : memref<10000x128xf32, #tpu.memory_space<hbm>> -> memref<10000x128xf32, #tpu.memory_space<hbm>>
      tpu.wait_indirect_dma semaphore(%arg11 : memref<!tpu.dma_semaphore, #tpu.memory_space<semaphore_mem>>) src(%dma_wait3A_86 : memref<10000x128xf32, #tpu.memory_space<hbm>>) dst(%arg8 : memref<128x128xf32, #tpu.memory_space<vmem>>)
      %run_scoped3A_87 = arith.constant 14 : i32
      "tpu.region"() ({
        %run_scoped3A_97 = tpu.sem_alloc : memref<!tpu.dma_semaphore, #tpu.memory_space<semaphore_mem>>
        %dma_start3A_98 = arith.constant 0 : i32
        %dma_start3A_99 = tpu.memref_slice %arg7[%select_n3A_53, %run_scoped3A_87, %dma_start3A_98] : memref<2x16x128xi32, #tpu.memory_space<vmem>> -> memref<1x1x128xi32, #tpu.memory_space<vmem>>
        %dma_start3A_100 = tpu.memref_squeeze %dma_start3A_99 : memref<1x1x128xi32, #tpu.memory_space<vmem>> -> memref<128xi32, #tpu.memory_space<vmem>>
        %dma_start3A_101 = arith.constant 0 : i32
        %dma_start3A_102 = arith.constant 0 : i32
        %dma_start3A_103 = tpu.memref_slice %arg10[%dma_start3A_101, %dma_start3A_102] : memref<10240x128xf32, #tpu.memory_space<vmem_shared>> -> memref<10240x128xf32, #tpu.memory_space<vmem_shared>>
        tpu.enqueue_indirect_dma source(%arg8 : memref<128x128xf32, #tpu.memory_space<vmem>>) target(%dma_start3A_103 : memref<10240x128xf32, #tpu.memory_space<vmem_shared>>) offsets(%dma_start3A_100 : memref<128xi32, #tpu.memory_space<vmem>>) semaphore(%run_scoped3A_97 : memref<!tpu.dma_semaphore, #tpu.memory_space<semaphore_mem>>) {add = true}
        %dma_wait3A_104 = arith.constant 0 : i32
        %dma_wait3A_105 = tpu.memref_slice %arg7[%select_n3A_53, %run_scoped3A_87, %dma_wait3A_104] : memref<2x16x128xi32, #tpu.memory_space<vmem>> -> memref<1x1x128xi32, #tpu.memory_space<vmem>>
        %dma_wait3A_106 = tpu.memref_squeeze %dma_wait3A_105 : memref<1x1x128xi32, #tpu.memory_space<vmem>> -> memref<128xi32, #tpu.memory_space<vmem>>
        %dma_wait3A_107 = arith.constant 0 : i32
        %dma_wait3A_108 = arith.constant 0 : i32
        %dma_wait3A_109 = tpu.memref_slice %arg10[%dma_wait3A_107, %dma_wait3A_108] : memref<10240x128xf32, #tpu.memory_space<vmem_shared>> -> memref<10240x128xf32, #tpu.memory_space<vmem_shared>>
        tpu.wait_indirect_dma semaphore(%run_scoped3A_97 : memref<!tpu.dma_semaphore, #tpu.memory_space<semaphore_mem>>) src(%arg8 : memref<128x128xf32, #tpu.memory_space<vmem>>) dst(%dma_wait3A_109 : memref<10240x128xf32, #tpu.memory_space<vmem_shared>>)
        tpu.yield
      }) : () -> ()
      %dma_wait3A_88 = arith.constant 15 : i32
      %dma_wait3A_89 = arith.constant 0 : i32
      %dma_wait3A_90 = tpu.memref_slice %arg6[%select_n3A_53, %dma_wait3A_88, %dma_wait3A_89] : memref<2x16x128xi32, #tpu.memory_space<vmem>> -> memref<1x1x128xi32, #tpu.memory_space<vmem>>
      %dma_wait3A_91 = tpu.memref_squeeze %dma_wait3A_90 : memref<1x1x128xi32, #tpu.memory_space<vmem>> -> memref<128xi32, #tpu.memory_space<vmem>>
      %dma_wait3A_92 = arith.constant 0 : i32
      %dma_wait3A_93 = arith.constant 0 : i32
      %dma_wait3A_94 = tpu.memref_slice %arg4[%dma_wait3A_92, %dma_wait3A_93] : memref<10000x128xf32, #tpu.memory_space<hbm>> -> memref<10000x128xf32, #tpu.memory_space<hbm>>
      tpu.wait_indirect_dma semaphore(%arg12 : memref<!tpu.dma_semaphore, #tpu.memory_space<semaphore_mem>>) src(%dma_wait3A_94 : memref<10000x128xf32, #tpu.memory_space<hbm>>) dst(%arg9 : memref<128x128xf32, #tpu.memory_space<vmem>>)
      %run_scoped3A_95 = arith.constant 15 : i32
      "tpu.region"() ({
        %run_scoped3A_97 = tpu.sem_alloc : memref<!tpu.dma_semaphore, #tpu.memory_space<semaphore_mem>>
        %dma_start3A_98 = arith.constant 0 : i32
        %dma_start3A_99 = tpu.memref_slice %arg7[%select_n3A_53, %run_scoped3A_95, %dma_start3A_98] : memref<2x16x128xi32, #tpu.memory_space<vmem>> -> memref<1x1x128xi32, #tpu.memory_space<vmem>>
        %dma_start3A_100 = tpu.memref_squeeze %dma_start3A_99 : memref<1x1x128xi32, #tpu.memory_space<vmem>> -> memref<128xi32, #tpu.memory_space<vmem>>
        %dma_start3A_101 = arith.constant 0 : i32
        %dma_start3A_102 = arith.constant 0 : i32
        %dma_start3A_103 = tpu.memref_slice %arg10[%dma_start3A_101, %dma_start3A_102] : memref<10240x128xf32, #tpu.memory_space<vmem_shared>> -> memref<10240x128xf32, #tpu.memory_space<vmem_shared>>
        tpu.enqueue_indirect_dma source(%arg9 : memref<128x128xf32, #tpu.memory_space<vmem>>) target(%dma_start3A_103 : memref<10240x128xf32, #tpu.memory_space<vmem_shared>>) offsets(%dma_start3A_100 : memref<128xi32, #tpu.memory_space<vmem>>) semaphore(%run_scoped3A_97 : memref<!tpu.dma_semaphore, #tpu.memory_space<semaphore_mem>>) {add = true}
        %dma_wait3A_104 = arith.constant 0 : i32
        %dma_wait3A_105 = tpu.memref_slice %arg7[%select_n3A_53, %run_scoped3A_95, %dma_wait3A_104] : memref<2x16x128xi32, #tpu.memory_space<vmem>> -> memref<1x1x128xi32, #tpu.memory_space<vmem>>
        %dma_wait3A_106 = tpu.memref_squeeze %dma_wait3A_105 : memref<1x1x128xi32, #tpu.memory_space<vmem>> -> memref<128xi32, #tpu.memory_space<vmem>>
        %dma_wait3A_107 = arith.constant 0 : i32
        %dma_wait3A_108 = arith.constant 0 : i32
        %dma_wait3A_109 = tpu.memref_slice %arg10[%dma_wait3A_107, %dma_wait3A_108] : memref<10240x128xf32, #tpu.memory_space<vmem_shared>> -> memref<10240x128xf32, #tpu.memory_space<vmem_shared>>
        tpu.wait_indirect_dma semaphore(%run_scoped3A_97 : memref<!tpu.dma_semaphore, #tpu.memory_space<semaphore_mem>>) src(%arg9 : memref<128x128xf32, #tpu.memory_space<vmem>>) dst(%dma_wait3A_109 : memref<10240x128xf32, #tpu.memory_space<vmem_shared>>)
        tpu.yield
      }) : () -> ()
      %while3A_96 = arith.constant 0 : i32
      scf.yield %while3A_96 : i32
    }
    %barrier3A_39 = arith.constant 0 : index
    tpu.barrier barrier_id(%barrier3A_39)
    "tpu.region"() ({
      %run_scoped3A_40 = tpu.sem_alloc : memref<!tpu.dma_semaphore, #tpu.memory_space<semaphore_mem>>
      %dma_start3A = arith.constant 0 : i32
      %dma_start3A_41 = tpu.memref_slice %arg5[%arg0, %mul3A_0, %dma_start3A] : memref<2x10240x128xf32, #tpu.memory_space<hbm>> -> memref<1x640x128xf32, #tpu.memory_space<hbm>>
      %dma_start3A_42 = tpu.memref_squeeze %dma_start3A_41 : memref<1x640x128xf32, #tpu.memory_space<hbm>> -> memref<640x128xf32, #tpu.memory_space<hbm>>
      %dma_start3A_43 = arith.constant 0 : i32
      %dma_start3A_44 = tpu.memref_slice %arg10[%mul3A_0, %dma_start3A_43] : memref<10240x128xf32, #tpu.memory_space<vmem_shared>> -> memref<640x128xf32, #tpu.memory_space<vmem_shared>>
      tpu.enqueue_dma source(%dma_start3A_44 : memref<640x128xf32, #tpu.memory_space<vmem_shared>>) target(%dma_start3A_42 : memref<640x128xf32, #tpu.memory_space<hbm>>) target_semaphore(%run_scoped3A_40 : memref<!tpu.dma_semaphore, #tpu.memory_space<semaphore_mem>>)
      %dma_wait3A = arith.constant 0 : i32
      %dma_wait3A_45 = tpu.memref_slice %arg5[%arg0, %mul3A_0, %dma_wait3A] : memref<2x10240x128xf32, #tpu.memory_space<hbm>> -> memref<1x640x128xf32, #tpu.memory_space<hbm>>
      %dma_wait3A_46 = tpu.memref_squeeze %dma_wait3A_45 : memref<1x640x128xf32, #tpu.memory_space<hbm>> -> memref<640x128xf32, #tpu.memory_space<hbm>>
      %dma_wait3A_47 = arith.constant 0 : i32
      %dma_wait3A_48 = tpu.memref_slice %arg10[%mul3A_0, %dma_wait3A_47] : memref<10240x128xf32, #tpu.memory_space<vmem_shared>> -> memref<640x128xf32, #tpu.memory_space<vmem_shared>>
      tpu.wait_dma2 semaphore(%run_scoped3A_40 : memref<!tpu.dma_semaphore, #tpu.memory_space<semaphore_mem>>) src(%dma_wait3A_48 : memref<640x128xf32, #tpu.memory_space<vmem_shared>>) dst(%dma_wait3A_46 : memref<640x128xf32, #tpu.memory_space<hbm>>)
      tpu.yield
    }) : () -> ()
    return
  }
}

#map = affine_map<(d0, d1) -> (0, 0)>
module attributes {stable_mosaic.version = 14 : i64} {
  func.func @k(%arg0: i32, %arg1: i32, %arg2: memref<2720x128xi32, #tpu.memory_space<hbm>>, %arg3: memref<2x10240xf32, #tpu.memory_space<hbm>>, %arg4: memref<80x128xi32, #tpu.memory_space<vmem>>, %arg5: memref<128xf32, #tpu.memory_space<vmem>>, %arg6: memref<640xf32, #tpu.memory_space<vmem>>, %arg7: memref<10240xf32, #tpu.memory_space<vmem_shared>>, %arg8: memref<!tpu.dma_semaphore, #tpu.memory_space<semaphore_mem>>, %arg9: memref<!tpu.dma_semaphore, #tpu.memory_space<semaphore_mem>>, %arg10: memref<!tpu.dma_semaphore, #tpu.memory_space<semaphore_mem>>, %arg11: memref<!tpu.dma_semaphore, #tpu.memory_space<semaphore_mem>>) attributes {dimension_semantics = [#tpu.dimension_semantics<core_parallel>, #tpu.dimension_semantics<subcore_parallel>], iteration_bounds = array<i64: 2, 16>, scalar_prefetch = 0 : i64, scratch_operands = 8 : i64, tpu.core_type = #tpu.core_type<sc_vector_subcore>, window_params = [{transform_indices = #map}, {transform_indices = #map}]} {
    %mul3A = arith.constant 640 : i32
    %mul3A_0 = arith.muli %arg1, %mul3A : i32
    %eq3A = arith.constant 0 : i32
    %eq3A_1 = arith.cmpi eq, %arg0, %eq3A : i32
    %jit3A = arith.constant 80 : i32
    %jit3A_2 = arith.constant 80 : i32
    %select_n3A = arith.select %eq3A_1, %jit3A, %jit3A_2 : i32
    %eq3A_3 = arith.constant 0 : i32
    %eq3A_4 = arith.cmpi eq, %arg0, %eq3A_3 : i32
    %mul3A_5 = arith.constant 80 : i32
    %mul3A_6 = arith.muli %arg1, %mul3A_5 : i32
    %mul3A_7 = arith.constant 80 : i32
    %mul3A_8 = arith.muli %arg1, %mul3A_7 : i32
    %add3A = arith.constant 1280 : i32
    %add3A_9 = arith.addi %add3A, %mul3A_8 : i32
    %select_n3A_10 = arith.select %eq3A_4, %mul3A_6, %add3A_9 : i32
    "tpu.region"() ({
      %run_scoped3A = tpu.sem_alloc : memref<!tpu.dma_semaphore, #tpu.memory_space<semaphore_mem>>
      %dma_start3A_109 = arith.constant 0 : i32
      %dma_start3A_110 = tpu.memref_slice %arg2[%select_n3A_10, %dma_start3A_109] : memref<2720x128xi32, #tpu.memory_space<hbm>> -> memref<80x128xi32, #tpu.memory_space<hbm>>
      %dma_start3A_111 = arith.constant 0 : i32
      %dma_start3A_112 = tpu.memref_slice %arg2[%select_n3A_10, %dma_start3A_111] : memref<2720x128xi32, #tpu.memory_space<hbm>> -> memref<80x128xi32, #tpu.memory_space<hbm>>
      tpu.enqueue_dma source(%dma_start3A_112 : memref<80x128xi32, #tpu.memory_space<hbm>>) target(%arg4 : memref<80x128xi32, #tpu.memory_space<vmem>>) target_semaphore(%run_scoped3A : memref<!tpu.dma_semaphore, #tpu.memory_space<semaphore_mem>>)
      %dma_wait3A_113 = arith.constant 0 : i32
      %dma_wait3A_114 = tpu.memref_slice %arg2[%select_n3A_10, %dma_wait3A_113] : memref<2720x128xi32, #tpu.memory_space<hbm>> -> memref<80x128xi32, #tpu.memory_space<hbm>>
      %dma_wait3A_115 = arith.constant 0 : i32
      %dma_wait3A_116 = tpu.memref_slice %arg2[%select_n3A_10, %dma_wait3A_115] : memref<2720x128xi32, #tpu.memory_space<hbm>> -> memref<80x128xi32, #tpu.memory_space<hbm>>
      tpu.wait_dma2 semaphore(%run_scoped3A : memref<!tpu.dma_semaphore, #tpu.memory_space<semaphore_mem>>) src(%dma_wait3A_116 : memref<80x128xi32, #tpu.memory_space<hbm>>) dst(%arg4 : memref<80x128xi32, #tpu.memory_space<vmem>>)
      tpu.yield
    }) : () -> ()
    %scan3A = arith.constant 0 : i32
    %scan3A_11 = arith.constant 0 : i32
    %scan3A_12 = arith.constant 8 : i32
    %scan3A_13 = arith.addi %scan3A_11, %scan3A_12 : i32
    %scan3A_14 = arith.constant 1 : i32
    %scan3A_15 = scf.for %scan3A_109 = %scan3A_11 to %scan3A_13 step %scan3A_14 iter_args(%scan3A_110 = %scan3A) -> (i32)  : i32 {
      %broadcast_in_dim3A = arith.constant 1.000000e+00 : f32
      %broadcast_in_dim3A_111 = vector.broadcast %broadcast_in_dim3A : f32 to vector<16xf32>
      %mul3A_112 = arith.constant 16 : i32
      %mul3A_113 = arith.muli %scan3A_109, %mul3A_112 : i32
      %swap3A = arith.index_cast %mul3A_113 : i32 to index
      %swap3A_114 = tpu.vector_load %arg5[%swap3A] {strides = array<i32>} : memref<128xf32, #tpu.memory_space<vmem>>, vector<16xf32>,
      %swap3A_115 = vector.shape_cast %swap3A_114 : vector<16xf32> to vector<16xf32>
      %swap3A_116 = vector.shape_cast %broadcast_in_dim3A_111 : vector<16xf32> to vector<16xf32>
      tpu.vector_store %arg5[%swap3A], %swap3A_116 {strides = array<i32>} : memref<128xf32, #tpu.memory_space<vmem>>, vector<16xf32>,
      %scan3A_117 = arith.constant 0 : i32
      scf.yield %scan3A_117 : i32
    }
    %scan3A_16 = arith.constant 8 : i32
    %scan3A_17 = arith.constant 0 : i32
    %scan3A_18 = arith.constant 0 : i32
    %scan3A_19 = arith.constant 40 : i32
    %scan3A_20 = arith.addi %scan3A_18, %scan3A_19 : i32
    %scan3A_21 = arith.constant 1 : i32
    %scan3A_22 = scf.for %scan3A_109 = %scan3A_18 to %scan3A_20 step %scan3A_21 iter_args(%scan3A_110 = %scan3A_17) -> (i32)  : i32 {
      %broadcast_in_dim3A = arith.constant 0.000000e+00 : f32
      %broadcast_in_dim3A_111 = vector.broadcast %broadcast_in_dim3A : f32 to vector<16xf32>
      %mul3A_112 = arith.constant 16 : i32
      %mul3A_113 = arith.muli %scan3A_109, %mul3A_112 : i32
      %swap3A = arith.index_cast %mul3A_113 : i32 to index
      %swap3A_114 = tpu.vector_load %arg6[%swap3A] {strides = array<i32>} : memref<640xf32, #tpu.memory_space<vmem>>, vector<16xf32>,
      %swap3A_115 = vector.shape_cast %swap3A_114 : vector<16xf32> to vector<16xf32>
      %swap3A_116 = vector.shape_cast %broadcast_in_dim3A_111 : vector<16xf32> to vector<16xf32>
      tpu.vector_store %arg6[%swap3A], %swap3A_116 {strides = array<i32>} : memref<640xf32, #tpu.memory_space<vmem>>, vector<16xf32>,
      %scan3A_117 = arith.constant 0 : i32
      scf.yield %scan3A_117 : i32
    }
    %scan3A_23 = arith.constant 40 : i32
    "tpu.region"() ({
      %run_scoped3A = tpu.sem_alloc : memref<!tpu.dma_semaphore, #tpu.memory_space<semaphore_mem>>
      %dma_start3A_109 = tpu.memref_slice %arg7[%mul3A_0] : memref<10240xf32, #tpu.memory_space<vmem_shared>> -> memref<640xf32, #tpu.memory_space<vmem_shared>>
      %dma_start3A_110 = tpu.memref_slice %arg7[%mul3A_0] : memref<10240xf32, #tpu.memory_space<vmem_shared>> -> memref<640xf32, #tpu.memory_space<vmem_shared>>
      tpu.enqueue_dma source(%arg6 : memref<640xf32, #tpu.memory_space<vmem>>) target(%dma_start3A_110 : memref<640xf32, #tpu.memory_space<vmem_shared>>) target_semaphore(%run_scoped3A : memref<!tpu.dma_semaphore, #tpu.memory_space<semaphore_mem>>)
      %dma_wait3A_111 = tpu.memref_slice %arg7[%mul3A_0] : memref<10240xf32, #tpu.memory_space<vmem_shared>> -> memref<640xf32, #tpu.memory_space<vmem_shared>>
      %dma_wait3A_112 = tpu.memref_slice %arg7[%mul3A_0] : memref<10240xf32, #tpu.memory_space<vmem_shared>> -> memref<640xf32, #tpu.memory_space<vmem_shared>>
      tpu.wait_dma2 semaphore(%run_scoped3A : memref<!tpu.dma_semaphore, #tpu.memory_space<semaphore_mem>>) src(%arg6 : memref<640xf32, #tpu.memory_space<vmem>>) dst(%dma_wait3A_112 : memref<640xf32, #tpu.memory_space<vmem_shared>>)
      tpu.yield
    }) : () -> ()
    %barrier3A = arith.constant 0 : index
    tpu.barrier barrier_id(%barrier3A)
    %dma_start3A = arith.constant 0 : i32
    %dma_start3A_24 = arith.constant 0 : i32
    %dma_start3A_25 = tpu.memref_slice %arg4[%dma_start3A, %dma_start3A_24] : memref<80x128xi32, #tpu.memory_space<vmem>> -> memref<1x128xi32, #tpu.memory_space<vmem>>
    %dma_start3A_26 = tpu.memref_squeeze %dma_start3A_25 : memref<1x128xi32, #tpu.memory_space<vmem>> -> memref<128xi32, #tpu.memory_space<vmem>>
    %dma_start3A_27 = arith.constant 0 : i32
    %dma_start3A_28 = tpu.memref_slice %arg7[%dma_start3A_27] : memref<10240xf32, #tpu.memory_space<vmem_shared>> -> memref<10240xf32, #tpu.memory_space<vmem_shared>>
    tpu.enqueue_indirect_dma source(%arg5 : memref<128xf32, #tpu.memory_space<vmem>>) target(%dma_start3A_28 : memref<10240xf32, #tpu.memory_space<vmem_shared>>) offsets(%dma_start3A_26 : memref<128xi32, #tpu.memory_space<vmem>>) semaphore(%arg8 : memref<!tpu.dma_semaphore, #tpu.memory_space<semaphore_mem>>) {add = true}
    %dma_start3A_29 = arith.constant 1 : i32
    %dma_start3A_30 = arith.constant 0 : i32
    %dma_start3A_31 = tpu.memref_slice %arg4[%dma_start3A_29, %dma_start3A_30] : memref<80x128xi32, #tpu.memory_space<vmem>> -> memref<1x128xi32, #tpu.memory_space<vmem>>
    %dma_start3A_32 = tpu.memref_squeeze %dma_start3A_31 : memref<1x128xi32, #tpu.memory_space<vmem>> -> memref<128xi32, #tpu.memory_space<vmem>>
    %dma_start3A_33 = arith.constant 0 : i32
    %dma_start3A_34 = tpu.memref_slice %arg7[%dma_start3A_33] : memref<10240xf32, #tpu.memory_space<vmem_shared>> -> memref<10240xf32, #tpu.memory_space<vmem_shared>>
    tpu.enqueue_indirect_dma source(%arg5 : memref<128xf32, #tpu.memory_space<vmem>>) target(%dma_start3A_34 : memref<10240xf32, #tpu.memory_space<vmem_shared>>) offsets(%dma_start3A_32 : memref<128xi32, #tpu.memory_space<vmem>>) semaphore(%arg9 : memref<!tpu.dma_semaphore, #tpu.memory_space<semaphore_mem>>) {add = true}
    %dma_start3A_35 = arith.constant 2 : i32
    %dma_start3A_36 = arith.constant 0 : i32
    %dma_start3A_37 = tpu.memref_slice %arg4[%dma_start3A_35, %dma_start3A_36] : memref<80x128xi32, #tpu.memory_space<vmem>> -> memref<1x128xi32, #tpu.memory_space<vmem>>
    %dma_start3A_38 = tpu.memref_squeeze %dma_start3A_37 : memref<1x128xi32, #tpu.memory_space<vmem>> -> memref<128xi32, #tpu.memory_space<vmem>>
    %dma_start3A_39 = arith.constant 0 : i32
    %dma_start3A_40 = tpu.memref_slice %arg7[%dma_start3A_39] : memref<10240xf32, #tpu.memory_space<vmem_shared>> -> memref<10240xf32, #tpu.memory_space<vmem_shared>>
    tpu.enqueue_indirect_dma source(%arg5 : memref<128xf32, #tpu.memory_space<vmem>>) target(%dma_start3A_40 : memref<10240xf32, #tpu.memory_space<vmem_shared>>) offsets(%dma_start3A_38 : memref<128xi32, #tpu.memory_space<vmem>>) semaphore(%arg10 : memref<!tpu.dma_semaphore, #tpu.memory_space<semaphore_mem>>) {add = true}
    %dma_start3A_41 = arith.constant 3 : i32
    %dma_start3A_42 = arith.constant 0 : i32
    %dma_start3A_43 = tpu.memref_slice %arg4[%dma_start3A_41, %dma_start3A_42] : memref<80x128xi32, #tpu.memory_space<vmem>> -> memref<1x128xi32, #tpu.memory_space<vmem>>
    %dma_start3A_44 = tpu.memref_squeeze %dma_start3A_43 : memref<1x128xi32, #tpu.memory_space<vmem>> -> memref<128xi32, #tpu.memory_space<vmem>>
    %dma_start3A_45 = arith.constant 0 : i32
    %dma_start3A_46 = tpu.memref_slice %arg7[%dma_start3A_45] : memref<10240xf32, #tpu.memory_space<vmem_shared>> -> memref<10240xf32, #tpu.memory_space<vmem_shared>>
    tpu.enqueue_indirect_dma source(%arg5 : memref<128xf32, #tpu.memory_space<vmem>>) target(%dma_start3A_46 : memref<10240xf32, #tpu.memory_space<vmem_shared>>) offsets(%dma_start3A_44 : memref<128xi32, #tpu.memory_space<vmem>>) semaphore(%arg11 : memref<!tpu.dma_semaphore, #tpu.memory_space<semaphore_mem>>) {add = true}
    %jit3A_47 = arith.constant 4 : i32
    %div3A = arith.divsi %select_n3A, %jit3A_47 : i32
    %sign3A = arith.constant 0 : i32
    %sign3A_48 = arith.cmpi sgt, %select_n3A, %sign3A : i32
    %sign3A_49 = arith.extui %sign3A_48 : i1 to i32
    %sign3A_50 = arith.constant 0 : i32
    %sign3A_51 = arith.cmpi slt, %select_n3A, %sign3A_50 : i32
    %sign3A_52 = arith.extui %sign3A_51 : i1 to i32
    %sign3A_53 = arith.subi %sign3A_49, %sign3A_52 : i32
    %sign3A_54 = arith.constant 0 : i32
    %sign3A_55 = arith.cmpi sgt, %jit3A_47, %sign3A_54 : i32
    %sign3A_56 = arith.extui %sign3A_55 : i1 to i32
    %sign3A_57 = arith.constant 0 : i32
    %sign3A_58 = arith.cmpi slt, %jit3A_47, %sign3A_57 : i32
    %sign3A_59 = arith.extui %sign3A_58 : i1 to i32
    %sign3A_60 = arith.subi %sign3A_56, %sign3A_59 : i32
    %ne3A = arith.cmpi ne, %sign3A_53, %sign3A_60 : i32
    %rem3A = arith.remsi %select_n3A, %jit3A_47 : i32
    %ne3A_61 = arith.constant 0 : i32
    %ne3A_62 = arith.cmpi ne, %rem3A, %ne3A_61 : i32
    %and3A = arith.andi %ne3A, %ne3A_62 : i1
    %sub3A = arith.constant 1 : i32
    %sub3A_63 = arith.subi %div3A, %sub3A : i32
    %select_n3A_64 = arith.select %and3A, %sub3A_63, %div3A : i32
    %sub3A_65 = arith.constant 1 : i32
    %sub3A_66 = arith.subi %select_n3A_64, %sub3A_65 : i32
    %while3A = arith.constant 0 : i32
    %while3A_67 = arith.constant 0 : i32
    %while3A_68 = arith.subi %sub3A_66, %while3A : i32
    %while3A_69 = arith.addi %while3A, %while3A_68 : i32
    %while3A_70 = arith.constant 1 : i32
    %while3A_71 = arith.divsi %while3A_68, %while3A_70 : i32
    %while3A_72 = arith.muli %while3A_71, %while3A_70 : i32
    %while3A_73 = arith.addi %while3A, %while3A_72 : i32
    %while3A_74 = arith.constant 1 : i32
    %while3A_75 = scf.for %while3A_109 = %while3A to %while3A_73 step %while3A_74 iter_args(%while3A_110 = %while3A_67) -> (i32)  : i32 {
      %mul3A_111 = arith.constant 4 : i32
      %mul3A_112 = arith.muli %while3A_109, %mul3A_111 : i32
      %add3A_113 = arith.constant 0 : i32
      %add3A_114 = arith.addi %mul3A_112, %add3A_113 : i32
      %dma_wait3A_115 = arith.constant 0 : i32
      %dma_wait3A_116 = tpu.memref_slice %arg4[%add3A_114, %dma_wait3A_115] : memref<80x128xi32, #tpu.memory_space<vmem>> -> memref<1x128xi32, #tpu.memory_space<vmem>>
      %dma_wait3A_117 = tpu.memref_squeeze %dma_wait3A_116 : memref<1x128xi32, #tpu.memory_space<vmem>> -> memref<128xi32, #tpu.memory_space<vmem>>
      %dma_wait3A_118 = arith.constant 0 : i32
      %dma_wait3A_119 = tpu.memref_slice %arg7[%dma_wait3A_118] : memref<10240xf32, #tpu.memory_space<vmem_shared>> -> memref<10240xf32, #tpu.memory_space<vmem_shared>>
      tpu.wait_indirect_dma semaphore(%arg8 : memref<!tpu.dma_semaphore, #tpu.memory_space<semaphore_mem>>) src(%arg5 : memref<128xf32, #tpu.memory_space<vmem>>) dst(%dma_wait3A_119 : memref<10240xf32, #tpu.memory_space<vmem_shared>>)
      %add3A_120 = arith.constant 4 : i32
      %add3A_121 = arith.addi %add3A_114, %add3A_120 : i32
      %dma_start3A_122 = arith.constant 0 : i32
      %dma_start3A_123 = tpu.memref_slice %arg4[%add3A_121, %dma_start3A_122] : memref<80x128xi32, #tpu.memory_space<vmem>> -> memref<1x128xi32, #tpu.memory_space<vmem>>
      %dma_start3A_124 = tpu.memref_squeeze %dma_start3A_123 : memref<1x128xi32, #tpu.memory_space<vmem>> -> memref<128xi32, #tpu.memory_space<vmem>>
      %dma_start3A_125 = arith.constant 0 : i32
      %dma_start3A_126 = tpu.memref_slice %arg7[%dma_start3A_125] : memref<10240xf32, #tpu.memory_space<vmem_shared>> -> memref<10240xf32, #tpu.memory_space<vmem_shared>>
      tpu.enqueue_indirect_dma source(%arg5 : memref<128xf32, #tpu.memory_space<vmem>>) target(%dma_start3A_126 : memref<10240xf32, #tpu.memory_space<vmem_shared>>) offsets(%dma_start3A_124 : memref<128xi32, #tpu.memory_space<vmem>>) semaphore(%arg8 : memref<!tpu.dma_semaphore, #tpu.memory_space<semaphore_mem>>) {add = true}
      %add3A_127 = arith.constant 1 : i32
      %add3A_128 = arith.addi %mul3A_112, %add3A_127 : i32
      %dma_wait3A_129 = arith.constant 0 : i32
      %dma_wait3A_130 = tpu.memref_slice %arg4[%add3A_128, %dma_wait3A_129] : memref<80x128xi32, #tpu.memory_space<vmem>> -> memref<1x128xi32, #tpu.memory_space<vmem>>
      %dma_wait3A_131 = tpu.memref_squeeze %dma_wait3A_130 : memref<1x128xi32, #tpu.memory_space<vmem>> -> memref<128xi32, #tpu.memory_space<vmem>>
      %dma_wait3A_132 = arith.constant 0 : i32
      %dma_wait3A_133 = tpu.memref_slice %arg7[%dma_wait3A_132] : memref<10240xf32, #tpu.memory_space<vmem_shared>> -> memref<10240xf32, #tpu.memory_space<vmem_shared>>
      tpu.wait_indirect_dma semaphore(%arg9 : memref<!tpu.dma_semaphore, #tpu.memory_space<semaphore_mem>>) src(%arg5 : memref<128xf32, #tpu.memory_space<vmem>>) dst(%dma_wait3A_133 : memref<10240xf32, #tpu.memory_space<vmem_shared>>)
      %add3A_134 = arith.constant 4 : i32
      %add3A_135 = arith.addi %add3A_128, %add3A_134 : i32
      %dma_start3A_136 = arith.constant 0 : i32
      %dma_start3A_137 = tpu.memref_slice %arg4[%add3A_135, %dma_start3A_136] : memref<80x128xi32, #tpu.memory_space<vmem>> -> memref<1x128xi32, #tpu.memory_space<vmem>>
      %dma_start3A_138 = tpu.memref_squeeze %dma_start3A_137 : memref<1x128xi32, #tpu.memory_space<vmem>> -> memref<128xi32, #tpu.memory_space<vmem>>
      %dma_start3A_139 = arith.constant 0 : i32
      %dma_start3A_140 = tpu.memref_slice %arg7[%dma_start3A_139] : memref<10240xf32, #tpu.memory_space<vmem_shared>> -> memref<10240xf32, #tpu.memory_space<vmem_shared>>
      tpu.enqueue_indirect_dma source(%arg5 : memref<128xf32, #tpu.memory_space<vmem>>) target(%dma_start3A_140 : memref<10240xf32, #tpu.memory_space<vmem_shared>>) offsets(%dma_start3A_138 : memref<128xi32, #tpu.memory_space<vmem>>) semaphore(%arg9 : memref<!tpu.dma_semaphore, #tpu.memory_space<semaphore_mem>>) {add = true}
      %add3A_141 = arith.constant 2 : i32
      %add3A_142 = arith.addi %mul3A_112, %add3A_141 : i32
      %dma_wait3A_143 = arith.constant 0 : i32
      %dma_wait3A_144 = tpu.memref_slice %arg4[%add3A_142, %dma_wait3A_143] : memref<80x128xi32, #tpu.memory_space<vmem>> -> memref<1x128xi32, #tpu.memory_space<vmem>>
      %dma_wait3A_145 = tpu.memref_squeeze %dma_wait3A_144 : memref<1x128xi32, #tpu.memory_space<vmem>> -> memref<128xi32, #tpu.memory_space<vmem>>
      %dma_wait3A_146 = arith.constant 0 : i32
      %dma_wait3A_147 = tpu.memref_slice %arg7[%dma_wait3A_146] : memref<10240xf32, #tpu.memory_space<vmem_shared>> -> memref<10240xf32, #tpu.memory_space<vmem_shared>>
      tpu.wait_indirect_dma semaphore(%arg10 : memref<!tpu.dma_semaphore, #tpu.memory_space<semaphore_mem>>) src(%arg5 : memref<128xf32, #tpu.memory_space<vmem>>) dst(%dma_wait3A_147 : memref<10240xf32, #tpu.memory_space<vmem_shared>>)
      %add3A_148 = arith.constant 4 : i32
      %add3A_149 = arith.addi %add3A_142, %add3A_148 : i32
      %dma_start3A_150 = arith.constant 0 : i32
      %dma_start3A_151 = tpu.memref_slice %arg4[%add3A_149, %dma_start3A_150] : memref<80x128xi32, #tpu.memory_space<vmem>> -> memref<1x128xi32, #tpu.memory_space<vmem>>
      %dma_start3A_152 = tpu.memref_squeeze %dma_start3A_151 : memref<1x128xi32, #tpu.memory_space<vmem>> -> memref<128xi32, #tpu.memory_space<vmem>>
      %dma_start3A_153 = arith.constant 0 : i32
      %dma_start3A_154 = tpu.memref_slice %arg7[%dma_start3A_153] : memref<10240xf32, #tpu.memory_space<vmem_shared>> -> memref<10240xf32, #tpu.memory_space<vmem_shared>>
      tpu.enqueue_indirect_dma source(%arg5 : memref<128xf32, #tpu.memory_space<vmem>>) target(%dma_start3A_154 : memref<10240xf32, #tpu.memory_space<vmem_shared>>) offsets(%dma_start3A_152 : memref<128xi32, #tpu.memory_space<vmem>>) semaphore(%arg10 : memref<!tpu.dma_semaphore, #tpu.memory_space<semaphore_mem>>) {add = true}
      %add3A_155 = arith.constant 3 : i32
      %add3A_156 = arith.addi %mul3A_112, %add3A_155 : i32
      %dma_wait3A_157 = arith.constant 0 : i32
      %dma_wait3A_158 = tpu.memref_slice %arg4[%add3A_156, %dma_wait3A_157] : memref<80x128xi32, #tpu.memory_space<vmem>> -> memref<1x128xi32, #tpu.memory_space<vmem>>
      %dma_wait3A_159 = tpu.memref_squeeze %dma_wait3A_158 : memref<1x128xi32, #tpu.memory_space<vmem>> -> memref<128xi32, #tpu.memory_space<vmem>>
      %dma_wait3A_160 = arith.constant 0 : i32
      %dma_wait3A_161 = tpu.memref_slice %arg7[%dma_wait3A_160] : memref<10240xf32, #tpu.memory_space<vmem_shared>> -> memref<10240xf32, #tpu.memory_space<vmem_shared>>
      tpu.wait_indirect_dma semaphore(%arg11 : memref<!tpu.dma_semaphore, #tpu.memory_space<semaphore_mem>>) src(%arg5 : memref<128xf32, #tpu.memory_space<vmem>>) dst(%dma_wait3A_161 : memref<10240xf32, #tpu.memory_space<vmem_shared>>)
      %add3A_162 = arith.constant 4 : i32
      %add3A_163 = arith.addi %add3A_156, %add3A_162 : i32
      %dma_start3A_164 = arith.constant 0 : i32
      %dma_start3A_165 = tpu.memref_slice %arg4[%add3A_163, %dma_start3A_164] : memref<80x128xi32, #tpu.memory_space<vmem>> -> memref<1x128xi32, #tpu.memory_space<vmem>>
      %dma_start3A_166 = tpu.memref_squeeze %dma_start3A_165 : memref<1x128xi32, #tpu.memory_space<vmem>> -> memref<128xi32, #tpu.memory_space<vmem>>
      %dma_start3A_167 = arith.constant 0 : i32
      %dma_start3A_168 = tpu.memref_slice %arg7[%dma_start3A_167] : memref<10240xf32, #tpu.memory_space<vmem_shared>> -> memref<10240xf32, #tpu.memory_space<vmem_shared>>
      tpu.enqueue_indirect_dma source(%arg5 : memref<128xf32, #tpu.memory_space<vmem>>) target(%dma_start3A_168 : memref<10240xf32, #tpu.memory_space<vmem_shared>>) offsets(%dma_start3A_166 : memref<128xi32, #tpu.memory_space<vmem>>) semaphore(%arg11 : memref<!tpu.dma_semaphore, #tpu.memory_space<semaphore_mem>>) {add = true}
      %while3A_169 = arith.constant 0 : i32
      scf.yield %while3A_169 : i32
    }
    %while3A_76 = arith.constant 1 : i32
    %while3A_77 = scf.for %while3A_109 = %while3A_73 to %while3A_69 step %while3A_76 iter_args(%while3A_110 = %while3A_75) -> (i32)  : i32 {
      %mul3A_111 = arith.constant 4 : i32
      %mul3A_112 = arith.muli %while3A_109, %mul3A_111 : i32
      %add3A_113 = arith.constant 0 : i32
      %add3A_114 = arith.addi %mul3A_112, %add3A_113 : i32
      %dma_wait3A_115 = arith.constant 0 : i32
      %dma_wait3A_116 = tpu.memref_slice %arg4[%add3A_114, %dma_wait3A_115] : memref<80x128xi32, #tpu.memory_space<vmem>> -> memref<1x128xi32, #tpu.memory_space<vmem>>
      %dma_wait3A_117 = tpu.memref_squeeze %dma_wait3A_116 : memref<1x128xi32, #tpu.memory_space<vmem>> -> memref<128xi32, #tpu.memory_space<vmem>>
      %dma_wait3A_118 = arith.constant 0 : i32
      %dma_wait3A_119 = tpu.memref_slice %arg7[%dma_wait3A_118] : memref<10240xf32, #tpu.memory_space<vmem_shared>> -> memref<10240xf32, #tpu.memory_space<vmem_shared>>
      tpu.wait_indirect_dma semaphore(%arg8 : memref<!tpu.dma_semaphore, #tpu.memory_space<semaphore_mem>>) src(%arg5 : memref<128xf32, #tpu.memory_space<vmem>>) dst(%dma_wait3A_119 : memref<10240xf32, #tpu.memory_space<vmem_shared>>)
      %add3A_120 = arith.constant 4 : i32
      %add3A_121 = arith.addi %add3A_114, %add3A_120 : i32
      %dma_start3A_122 = arith.constant 0 : i32
      %dma_start3A_123 = tpu.memref_slice %arg4[%add3A_121, %dma_start3A_122] : memref<80x128xi32, #tpu.memory_space<vmem>> -> memref<1x128xi32, #tpu.memory_space<vmem>>
      %dma_start3A_124 = tpu.memref_squeeze %dma_start3A_123 : memref<1x128xi32, #tpu.memory_space<vmem>> -> memref<128xi32, #tpu.memory_space<vmem>>
      %dma_start3A_125 = arith.constant 0 : i32
      %dma_start3A_126 = tpu.memref_slice %arg7[%dma_start3A_125] : memref<10240xf32, #tpu.memory_space<vmem_shared>> -> memref<10240xf32, #tpu.memory_space<vmem_shared>>
      tpu.enqueue_indirect_dma source(%arg5 : memref<128xf32, #tpu.memory_space<vmem>>) target(%dma_start3A_126 : memref<10240xf32, #tpu.memory_space<vmem_shared>>) offsets(%dma_start3A_124 : memref<128xi32, #tpu.memory_space<vmem>>) semaphore(%arg8 : memref<!tpu.dma_semaphore, #tpu.memory_space<semaphore_mem>>) {add = true}
      %add3A_127 = arith.constant 1 : i32
      %add3A_128 = arith.addi %mul3A_112, %add3A_127 : i32
      %dma_wait3A_129 = arith.constant 0 : i32
      %dma_wait3A_130 = tpu.memref_slice %arg4[%add3A_128, %dma_wait3A_129] : memref<80x128xi32, #tpu.memory_space<vmem>> -> memref<1x128xi32, #tpu.memory_space<vmem>>
      %dma_wait3A_131 = tpu.memref_squeeze %dma_wait3A_130 : memref<1x128xi32, #tpu.memory_space<vmem>> -> memref<128xi32, #tpu.memory_space<vmem>>
      %dma_wait3A_132 = arith.constant 0 : i32
      %dma_wait3A_133 = tpu.memref_slice %arg7[%dma_wait3A_132] : memref<10240xf32, #tpu.memory_space<vmem_shared>> -> memref<10240xf32, #tpu.memory_space<vmem_shared>>
      tpu.wait_indirect_dma semaphore(%arg9 : memref<!tpu.dma_semaphore, #tpu.memory_space<semaphore_mem>>) src(%arg5 : memref<128xf32, #tpu.memory_space<vmem>>) dst(%dma_wait3A_133 : memref<10240xf32, #tpu.memory_space<vmem_shared>>)
      %add3A_134 = arith.constant 4 : i32
      %add3A_135 = arith.addi %add3A_128, %add3A_134 : i32
      %dma_start3A_136 = arith.constant 0 : i32
      %dma_start3A_137 = tpu.memref_slice %arg4[%add3A_135, %dma_start3A_136] : memref<80x128xi32, #tpu.memory_space<vmem>> -> memref<1x128xi32, #tpu.memory_space<vmem>>
      %dma_start3A_138 = tpu.memref_squeeze %dma_start3A_137 : memref<1x128xi32, #tpu.memory_space<vmem>> -> memref<128xi32, #tpu.memory_space<vmem>>
      %dma_start3A_139 = arith.constant 0 : i32
      %dma_start3A_140 = tpu.memref_slice %arg7[%dma_start3A_139] : memref<10240xf32, #tpu.memory_space<vmem_shared>> -> memref<10240xf32, #tpu.memory_space<vmem_shared>>
      tpu.enqueue_indirect_dma source(%arg5 : memref<128xf32, #tpu.memory_space<vmem>>) target(%dma_start3A_140 : memref<10240xf32, #tpu.memory_space<vmem_shared>>) offsets(%dma_start3A_138 : memref<128xi32, #tpu.memory_space<vmem>>) semaphore(%arg9 : memref<!tpu.dma_semaphore, #tpu.memory_space<semaphore_mem>>) {add = true}
      %add3A_141 = arith.constant 2 : i32
      %add3A_142 = arith.addi %mul3A_112, %add3A_141 : i32
      %dma_wait3A_143 = arith.constant 0 : i32
      %dma_wait3A_144 = tpu.memref_slice %arg4[%add3A_142, %dma_wait3A_143] : memref<80x128xi32, #tpu.memory_space<vmem>> -> memref<1x128xi32, #tpu.memory_space<vmem>>
      %dma_wait3A_145 = tpu.memref_squeeze %dma_wait3A_144 : memref<1x128xi32, #tpu.memory_space<vmem>> -> memref<128xi32, #tpu.memory_space<vmem>>
      %dma_wait3A_146 = arith.constant 0 : i32
      %dma_wait3A_147 = tpu.memref_slice %arg7[%dma_wait3A_146] : memref<10240xf32, #tpu.memory_space<vmem_shared>> -> memref<10240xf32, #tpu.memory_space<vmem_shared>>
      tpu.wait_indirect_dma semaphore(%arg10 : memref<!tpu.dma_semaphore, #tpu.memory_space<semaphore_mem>>) src(%arg5 : memref<128xf32, #tpu.memory_space<vmem>>) dst(%dma_wait3A_147 : memref<10240xf32, #tpu.memory_space<vmem_shared>>)
      %add3A_148 = arith.constant 4 : i32
      %add3A_149 = arith.addi %add3A_142, %add3A_148 : i32
      %dma_start3A_150 = arith.constant 0 : i32
      %dma_start3A_151 = tpu.memref_slice %arg4[%add3A_149, %dma_start3A_150] : memref<80x128xi32, #tpu.memory_space<vmem>> -> memref<1x128xi32, #tpu.memory_space<vmem>>
      %dma_start3A_152 = tpu.memref_squeeze %dma_start3A_151 : memref<1x128xi32, #tpu.memory_space<vmem>> -> memref<128xi32, #tpu.memory_space<vmem>>
      %dma_start3A_153 = arith.constant 0 : i32
      %dma_start3A_154 = tpu.memref_slice %arg7[%dma_start3A_153] : memref<10240xf32, #tpu.memory_space<vmem_shared>> -> memref<10240xf32, #tpu.memory_space<vmem_shared>>
      tpu.enqueue_indirect_dma source(%arg5 : memref<128xf32, #tpu.memory_space<vmem>>) target(%dma_start3A_154 : memref<10240xf32, #tpu.memory_space<vmem_shared>>) offsets(%dma_start3A_152 : memref<128xi32, #tpu.memory_space<vmem>>) semaphore(%arg10 : memref<!tpu.dma_semaphore, #tpu.memory_space<semaphore_mem>>) {add = true}
      %add3A_155 = arith.constant 3 : i32
      %add3A_156 = arith.addi %mul3A_112, %add3A_155 : i32
      %dma_wait3A_157 = arith.constant 0 : i32
      %dma_wait3A_158 = tpu.memref_slice %arg4[%add3A_156, %dma_wait3A_157] : memref<80x128xi32, #tpu.memory_space<vmem>> -> memref<1x128xi32, #tpu.memory_space<vmem>>
      %dma_wait3A_159 = tpu.memref_squeeze %dma_wait3A_158 : memref<1x128xi32, #tpu.memory_space<vmem>> -> memref<128xi32, #tpu.memory_space<vmem>>
      %dma_wait3A_160 = arith.constant 0 : i32
      %dma_wait3A_161 = tpu.memref_slice %arg7[%dma_wait3A_160] : memref<10240xf32, #tpu.memory_space<vmem_shared>> -> memref<10240xf32, #tpu.memory_space<vmem_shared>>
      tpu.wait_indirect_dma semaphore(%arg11 : memref<!tpu.dma_semaphore, #tpu.memory_space<semaphore_mem>>) src(%arg5 : memref<128xf32, #tpu.memory_space<vmem>>) dst(%dma_wait3A_161 : memref<10240xf32, #tpu.memory_space<vmem_shared>>)
      %add3A_162 = arith.constant 4 : i32
      %add3A_163 = arith.addi %add3A_156, %add3A_162 : i32
      %dma_start3A_164 = arith.constant 0 : i32
      %dma_start3A_165 = tpu.memref_slice %arg4[%add3A_163, %dma_start3A_164] : memref<80x128xi32, #tpu.memory_space<vmem>> -> memref<1x128xi32, #tpu.memory_space<vmem>>
      %dma_start3A_166 = tpu.memref_squeeze %dma_start3A_165 : memref<1x128xi32, #tpu.memory_space<vmem>> -> memref<128xi32, #tpu.memory_space<vmem>>
      %dma_start3A_167 = arith.constant 0 : i32
      %dma_start3A_168 = tpu.memref_slice %arg7[%dma_start3A_167] : memref<10240xf32, #tpu.memory_space<vmem_shared>> -> memref<10240xf32, #tpu.memory_space<vmem_shared>>
      tpu.enqueue_indirect_dma source(%arg5 : memref<128xf32, #tpu.memory_space<vmem>>) target(%dma_start3A_168 : memref<10240xf32, #tpu.memory_space<vmem_shared>>) offsets(%dma_start3A_166 : memref<128xi32, #tpu.memory_space<vmem>>) semaphore(%arg11 : memref<!tpu.dma_semaphore, #tpu.memory_space<semaphore_mem>>) {add = true}
      %while3A_169 = arith.constant 0 : i32
      scf.yield %while3A_169 : i32
    }
    %sub3A_78 = arith.constant 4 : i32
    %sub3A_79 = arith.subi %select_n3A, %sub3A_78 : i32
    %max3A = arith.constant 0 : i32
    %max3A_80 = arith.maxsi %sub3A_79, %max3A : i32
    %add3A_81 = arith.constant 0 : i32
    %add3A_82 = arith.addi %max3A_80, %add3A_81 : i32
    %dma_wait3A = arith.constant 0 : i32
    %dma_wait3A_83 = tpu.memref_slice %arg4[%add3A_82, %dma_wait3A] : memref<80x128xi32, #tpu.memory_space<vmem>> -> memref<1x128xi32, #tpu.memory_space<vmem>>
    %dma_wait3A_84 = tpu.memref_squeeze %dma_wait3A_83 : memref<1x128xi32, #tpu.memory_space<vmem>> -> memref<128xi32, #tpu.memory_space<vmem>>
    %dma_wait3A_85 = arith.constant 0 : i32
    %dma_wait3A_86 = tpu.memref_slice %arg7[%dma_wait3A_85] : memref<10240xf32, #tpu.memory_space<vmem_shared>> -> memref<10240xf32, #tpu.memory_space<vmem_shared>>
    tpu.wait_indirect_dma semaphore(%arg8 : memref<!tpu.dma_semaphore, #tpu.memory_space<semaphore_mem>>) src(%arg5 : memref<128xf32, #tpu.memory_space<vmem>>) dst(%dma_wait3A_86 : memref<10240xf32, #tpu.memory_space<vmem_shared>>)
    %add3A_87 = arith.constant 1 : i32
    %add3A_88 = arith.addi %max3A_80, %add3A_87 : i32
    %dma_wait3A_89 = arith.constant 0 : i32
    %dma_wait3A_90 = tpu.memref_slice %arg4[%add3A_88, %dma_wait3A_89] : memref<80x128xi32, #tpu.memory_space<vmem>> -> memref<1x128xi32, #tpu.memory_space<vmem>>
    %dma_wait3A_91 = tpu.memref_squeeze %dma_wait3A_90 : memref<1x128xi32, #tpu.memory_space<vmem>> -> memref<128xi32, #tpu.memory_space<vmem>>
    %dma_wait3A_92 = arith.constant 0 : i32
    %dma_wait3A_93 = tpu.memref_slice %arg7[%dma_wait3A_92] : memref<10240xf32, #tpu.memory_space<vmem_shared>> -> memref<10240xf32, #tpu.memory_space<vmem_shared>>
    tpu.wait_indirect_dma semaphore(%arg9 : memref<!tpu.dma_semaphore, #tpu.memory_space<semaphore_mem>>) src(%arg5 : memref<128xf32, #tpu.memory_space<vmem>>) dst(%dma_wait3A_93 : memref<10240xf32, #tpu.memory_space<vmem_shared>>)
    %add3A_94 = arith.constant 2 : i32
    %add3A_95 = arith.addi %max3A_80, %add3A_94 : i32
    %dma_wait3A_96 = arith.constant 0 : i32
    %dma_wait3A_97 = tpu.memref_slice %arg4[%add3A_95, %dma_wait3A_96] : memref<80x128xi32, #tpu.memory_space<vmem>> -> memref<1x128xi32, #tpu.memory_space<vmem>>
    %dma_wait3A_98 = tpu.memref_squeeze %dma_wait3A_97 : memref<1x128xi32, #tpu.memory_space<vmem>> -> memref<128xi32, #tpu.memory_space<vmem>>
    %dma_wait3A_99 = arith.constant 0 : i32
    %dma_wait3A_100 = tpu.memref_slice %arg7[%dma_wait3A_99] : memref<10240xf32, #tpu.memory_space<vmem_shared>> -> memref<10240xf32, #tpu.memory_space<vmem_shared>>
    tpu.wait_indirect_dma semaphore(%arg10 : memref<!tpu.dma_semaphore, #tpu.memory_space<semaphore_mem>>) src(%arg5 : memref<128xf32, #tpu.memory_space<vmem>>) dst(%dma_wait3A_100 : memref<10240xf32, #tpu.memory_space<vmem_shared>>)
    %add3A_101 = arith.constant 3 : i32
    %add3A_102 = arith.addi %max3A_80, %add3A_101 : i32
    %dma_wait3A_103 = arith.constant 0 : i32
    %dma_wait3A_104 = tpu.memref_slice %arg4[%add3A_102, %dma_wait3A_103] : memref<80x128xi32, #tpu.memory_space<vmem>> -> memref<1x128xi32, #tpu.memory_space<vmem>>
    %dma_wait3A_105 = tpu.memref_squeeze %dma_wait3A_104 : memref<1x128xi32, #tpu.memory_space<vmem>> -> memref<128xi32, #tpu.memory_space<vmem>>
    %dma_wait3A_106 = arith.constant 0 : i32
    %dma_wait3A_107 = tpu.memref_slice %arg7[%dma_wait3A_106] : memref<10240xf32, #tpu.memory_space<vmem_shared>> -> memref<10240xf32, #tpu.memory_space<vmem_shared>>
    tpu.wait_indirect_dma semaphore(%arg11 : memref<!tpu.dma_semaphore, #tpu.memory_space<semaphore_mem>>) src(%arg5 : memref<128xf32, #tpu.memory_space<vmem>>) dst(%dma_wait3A_107 : memref<10240xf32, #tpu.memory_space<vmem_shared>>)
    %barrier3A_108 = arith.constant 0 : index
    tpu.barrier barrier_id(%barrier3A_108)
    "tpu.region"() ({
      %run_scoped3A = tpu.sem_alloc : memref<!tpu.dma_semaphore, #tpu.memory_space<semaphore_mem>>
      %dma_start3A_109 = tpu.memref_slice %arg3[%arg0, %mul3A_0] : memref<2x10240xf32, #tpu.memory_space<hbm>> -> memref<1x640xf32, #tpu.memory_space<hbm>>
      %dma_start3A_110 = tpu.memref_squeeze %dma_start3A_109 : memref<1x640xf32, #tpu.memory_space<hbm>> -> memref<640xf32, #tpu.memory_space<hbm>>
      %dma_start3A_111 = tpu.memref_slice %arg7[%mul3A_0] : memref<10240xf32, #tpu.memory_space<vmem_shared>> -> memref<640xf32, #tpu.memory_space<vmem_shared>>
      tpu.enqueue_dma source(%dma_start3A_111 : memref<640xf32, #tpu.memory_space<vmem_shared>>) target(%dma_start3A_110 : memref<640xf32, #tpu.memory_space<hbm>>) target_semaphore(%run_scoped3A : memref<!tpu.dma_semaphore, #tpu.memory_space<semaphore_mem>>)
      %dma_wait3A_112 = tpu.memref_slice %arg3[%arg0, %mul3A_0] : memref<2x10240xf32, #tpu.memory_space<hbm>> -> memref<1x640xf32, #tpu.memory_space<hbm>>
      %dma_wait3A_113 = tpu.memref_squeeze %dma_wait3A_112 : memref<1x640xf32, #tpu.memory_space<hbm>> -> memref<640xf32, #tpu.memory_space<hbm>>
      %dma_wait3A_114 = tpu.memref_slice %arg7[%mul3A_0] : memref<10240xf32, #tpu.memory_space<vmem_shared>> -> memref<640xf32, #tpu.memory_space<vmem_shared>>
      tpu.wait_dma2 semaphore(%run_scoped3A : memref<!tpu.dma_semaphore, #tpu.memory_space<semaphore_mem>>) src(%dma_wait3A_114 : memref<640xf32, #tpu.memory_space<vmem_shared>>) dst(%dma_wait3A_113 : memref<640xf32, #tpu.memory_space<hbm>>)
      tpu.yield
    }) : () -> ()
    return
  }
}

#map = affine_map<(d0, d1) -> (0, 0)>
#map1 = affine_map<(d0, d1) -> (0, 0, 0)>
module attributes {stable_mosaic.version = 14 : i64} {
  func.func @k(%arg0: i32, %arg1: i32, %arg2: memref<2720x128xi32, #tpu.memory_space<hbm>>, %arg3: memref<2720x128xi32, #tpu.memory_space<hbm>>, %arg4: memref<10000x128xf32, #tpu.memory_space<hbm>>, %arg5: memref<2x10240x128xf32, #tpu.memory_space<hbm>>, %arg6: memref<2x16x128xi32, #tpu.memory_space<vmem>>, %arg7: memref<2x16x128xi32, #tpu.memory_space<vmem>>, %arg8: memref<128x128xf32, #tpu.memory_space<vmem>>, %arg9: memref<128x128xf32, #tpu.memory_space<vmem>>, %arg10: memref<10240x128xf32, #tpu.memory_space<vmem_shared>>, %arg11: memref<!tpu.dma_semaphore, #tpu.memory_space<semaphore_mem>>, %arg12: memref<!tpu.dma_semaphore, #tpu.memory_space<semaphore_mem>>, %arg13: memref<!tpu.dma_semaphore, #tpu.memory_space<semaphore_mem>>, %arg14: memref<!tpu.dma_semaphore, #tpu.memory_space<semaphore_mem>>) attributes {dimension_semantics = [#tpu.dimension_semantics<core_parallel>, #tpu.dimension_semantics<subcore_parallel>], iteration_bounds = array<i64: 2, 16>, scalar_prefetch = 0 : i64, scratch_operands = 9 : i64, tpu.core_type = #tpu.core_type<sc_vector_subcore>, window_params = [{transform_indices = #map}, {transform_indices = #map}, {transform_indices = #map}, {transform_indices = #map1}]} {
    %mul3A = arith.constant 640 : i32
    %mul3A_0 = arith.muli %arg1, %mul3A : i32
    %eq3A = arith.constant 0 : i32
    %eq3A_1 = arith.cmpi eq, %arg0, %eq3A : i32
    %jit3A = arith.constant 10 : i32
    %jit3A_2 = arith.constant 0 : i32
    %select_n3A = arith.select %eq3A_1, %jit3A, %jit3A_2 : i32
    %eq3A_3 = arith.constant 0 : i32
    %eq3A_4 = arith.cmpi eq, %arg0, %eq3A_3 : i32
    %mul3A_5 = arith.constant 160 : i32
    %mul3A_6 = arith.muli %arg1, %mul3A_5 : i32
    %mul3A_7 = arith.constant 0 : i32
    %mul3A_8 = arith.muli %arg1, %mul3A_7 : i32
    %add3A = arith.constant 2560 : i32
    %add3A_9 = arith.addi %add3A, %mul3A_8 : i32
    %select_n3A_10 = arith.select %eq3A_4, %mul3A_6, %add3A_9 : i32
    %run_scoped3A = arith.constant 0 : i32
    "tpu.region"() ({
      %run_scoped3A_40 = tpu.sem_alloc : memref<!tpu.dma_semaphore, #tpu.memory_space<semaphore_mem>>
      %dma_start3A = arith.constant 0 : i32
      %dma_start3A_41 = arith.constant 0 : i32
      %dma_start3A_42 = tpu.memref_slice %arg6[%run_scoped3A, %dma_start3A, %dma_start3A_41] : memref<2x16x128xi32, #tpu.memory_space<vmem>> -> memref<1x16x128xi32, #tpu.memory_space<vmem>>
      %dma_start3A_43 = tpu.memref_squeeze %dma_start3A_42 : memref<1x16x128xi32, #tpu.memory_space<vmem>> -> memref<16x128xi32, #tpu.memory_space<vmem>>
      %dma_start3A_44 = arith.constant 0 : i32
      %dma_start3A_45 = tpu.memref_slice %arg2[%select_n3A_10, %dma_start3A_44] : memref<2720x128xi32, #tpu.memory_space<hbm>> -> memref<16x128xi32, #tpu.memory_space<hbm>>
      %dma_start3A_46 = arith.constant 0 : i32
      %dma_start3A_47 = arith.constant 0 : i32
      %dma_start3A_48 = tpu.memref_slice %arg6[%run_scoped3A, %dma_start3A_46, %dma_start3A_47] : memref<2x16x128xi32, #tpu.memory_space<vmem>> -> memref<1x16x128xi32, #tpu.memory_space<vmem>>
      %dma_start3A_49 = tpu.memref_squeeze %dma_start3A_48 : memref<1x16x128xi32, #tpu.memory_space<vmem>> -> memref<16x128xi32, #tpu.memory_space<vmem>>
      %dma_start3A_50 = arith.constant 0 : i32
      %dma_start3A_51 = tpu.memref_slice %arg2[%select_n3A_10, %dma_start3A_50] : memref<2720x128xi32, #tpu.memory_space<hbm>> -> memref<16x128xi32, #tpu.memory_space<hbm>>
      tpu.enqueue_dma source(%dma_start3A_51 : memref<16x128xi32, #tpu.memory_space<hbm>>) target(%dma_start3A_49 : memref<16x128xi32, #tpu.memory_space<vmem>>) target_semaphore(%run_scoped3A_40 : memref<!tpu.dma_semaphore, #tpu.memory_space<semaphore_mem>>)
      %dma_wait3A = arith.constant 0 : i32
      %dma_wait3A_52 = arith.constant 0 : i32
      %dma_wait3A_53 = tpu.memref_slice %arg6[%run_scoped3A, %dma_wait3A, %dma_wait3A_52] : memref<2x16x128xi32, #tpu.memory_space<vmem>> -> memref<1x16x128xi32, #tpu.memory_space<vmem>>
      %dma_wait3A_54 = tpu.memref_squeeze %dma_wait3A_53 : memref<1x16x128xi32, #tpu.memory_space<vmem>> -> memref<16x128xi32, #tpu.memory_space<vmem>>
      %dma_wait3A_55 = arith.constant 0 : i32
      %dma_wait3A_56 = tpu.memref_slice %arg2[%select_n3A_10, %dma_wait3A_55] : memref<2720x128xi32, #tpu.memory_space<hbm>> -> memref<16x128xi32, #tpu.memory_space<hbm>>
      %dma_wait3A_57 = arith.constant 0 : i32
      %dma_wait3A_58 = arith.constant 0 : i32
      %dma_wait3A_59 = tpu.memref_slice %arg6[%run_scoped3A, %dma_wait3A_57, %dma_wait3A_58] : memref<2x16x128xi32, #tpu.memory_space<vmem>> -> memref<1x16x128xi32, #tpu.memory_space<vmem>>
      %dma_wait3A_60 = tpu.memref_squeeze %dma_wait3A_59 : memref<1x16x128xi32, #tpu.memory_space<vmem>> -> memref<16x128xi32, #tpu.memory_space<vmem>>
      %dma_wait3A_61 = arith.constant 0 : i32
      %dma_wait3A_62 = tpu.memref_slice %arg2[%select_n3A_10, %dma_wait3A_61] : memref<2720x128xi32, #tpu.memory_space<hbm>> -> memref<16x128xi32, #tpu.memory_space<hbm>>
      tpu.wait_dma2 semaphore(%run_scoped3A_40 : memref<!tpu.dma_semaphore, #tpu.memory_space<semaphore_mem>>) src(%dma_wait3A_62 : memref<16x128xi32, #tpu.memory_space<hbm>>) dst(%dma_wait3A_60 : memref<16x128xi32, #tpu.memory_space<vmem>>)
      tpu.yield
    }) : () -> ()
    %run_scoped3A_11 = arith.constant 0 : i32
    "tpu.region"() ({
      %run_scoped3A_40 = tpu.sem_alloc : memref<!tpu.dma_semaphore, #tpu.memory_space<semaphore_mem>>
      %dma_start3A = arith.constant 0 : i32
      %dma_start3A_41 = arith.constant 0 : i32
      %dma_start3A_42 = tpu.memref_slice %arg7[%run_scoped3A_11, %dma_start3A, %dma_start3A_41] : memref<2x16x128xi32, #tpu.memory_space<vmem>> -> memref<1x16x128xi32, #tpu.memory_space<vmem>>
      %dma_start3A_43 = tpu.memref_squeeze %dma_start3A_42 : memref<1x16x128xi32, #tpu.memory_space<vmem>> -> memref<16x128xi32, #tpu.memory_space<vmem>>
      %dma_start3A_44 = arith.constant 0 : i32
      %dma_start3A_45 = tpu.memref_slice %arg3[%select_n3A_10, %dma_start3A_44] : memref<2720x128xi32, #tpu.memory_space<hbm>> -> memref<16x128xi32, #tpu.memory_space<hbm>>
      %dma_start3A_46 = arith.constant 0 : i32
      %dma_start3A_47 = arith.constant 0 : i32
      %dma_start3A_48 = tpu.memref_slice %arg7[%run_scoped3A_11, %dma_start3A_46, %dma_start3A_47] : memref<2x16x128xi32, #tpu.memory_space<vmem>> -> memref<1x16x128xi32, #tpu.memory_space<vmem>>
      %dma_start3A_49 = tpu.memref_squeeze %dma_start3A_48 : memref<1x16x128xi32, #tpu.memory_space<vmem>> -> memref<16x128xi32, #tpu.memory_space<vmem>>
      %dma_start3A_50 = arith.constant 0 : i32
      %dma_start3A_51 = tpu.memref_slice %arg3[%select_n3A_10, %dma_start3A_50] : memref<2720x128xi32, #tpu.memory_space<hbm>> -> memref<16x128xi32, #tpu.memory_space<hbm>>
      tpu.enqueue_dma source(%dma_start3A_51 : memref<16x128xi32, #tpu.memory_space<hbm>>) target(%dma_start3A_49 : memref<16x128xi32, #tpu.memory_space<vmem>>) target_semaphore(%run_scoped3A_40 : memref<!tpu.dma_semaphore, #tpu.memory_space<semaphore_mem>>)
      %dma_wait3A = arith.constant 0 : i32
      %dma_wait3A_52 = arith.constant 0 : i32
      %dma_wait3A_53 = tpu.memref_slice %arg7[%run_scoped3A_11, %dma_wait3A, %dma_wait3A_52] : memref<2x16x128xi32, #tpu.memory_space<vmem>> -> memref<1x16x128xi32, #tpu.memory_space<vmem>>
      %dma_wait3A_54 = tpu.memref_squeeze %dma_wait3A_53 : memref<1x16x128xi32, #tpu.memory_space<vmem>> -> memref<16x128xi32, #tpu.memory_space<vmem>>
      %dma_wait3A_55 = arith.constant 0 : i32
      %dma_wait3A_56 = tpu.memref_slice %arg3[%select_n3A_10, %dma_wait3A_55] : memref<2720x128xi32, #tpu.memory_space<hbm>> -> memref<16x128xi32, #tpu.memory_space<hbm>>
      %dma_wait3A_57 = arith.constant 0 : i32
      %dma_wait3A_58 = arith.constant 0 : i32
      %dma_wait3A_59 = tpu.memref_slice %arg7[%run_scoped3A_11, %dma_wait3A_57, %dma_wait3A_58] : memref<2x16x128xi32, #tpu.memory_space<vmem>> -> memref<1x16x128xi32, #tpu.memory_space<vmem>>
      %dma_wait3A_60 = tpu.memref_squeeze %dma_wait3A_59 : memref<1x16x128xi32, #tpu.memory_space<vmem>> -> memref<16x128xi32, #tpu.memory_space<vmem>>
      %dma_wait3A_61 = arith.constant 0 : i32
      %dma_wait3A_62 = tpu.memref_slice %arg3[%select_n3A_10, %dma_wait3A_61] : memref<2720x128xi32, #tpu.memory_space<hbm>> -> memref<16x128xi32, #tpu.memory_space<hbm>>
      tpu.wait_dma2 semaphore(%run_scoped3A_40 : memref<!tpu.dma_semaphore, #tpu.memory_space<semaphore_mem>>) src(%dma_wait3A_62 : memref<16x128xi32, #tpu.memory_space<hbm>>) dst(%dma_wait3A_60 : memref<16x128xi32, #tpu.memory_space<vmem>>)
      tpu.yield
    }) : () -> ()
    %scan3A = arith.constant 0 : i32
    %scan3A_12 = arith.constant 0 : i32
    %scan3A_13 = arith.constant 128 : i32
    %scan3A_14 = arith.addi %scan3A_12, %scan3A_13 : i32
    %scan3A_15 = arith.constant 1 : i32
    %scan3A_16 = scf.for %scan3A_40 = %scan3A_12 to %scan3A_14 step %scan3A_15 iter_args(%scan3A_41 = %scan3A) -> (i32)  : i32 {
      %broadcast_in_dim3A = arith.constant 0.000000e+00 : f32
      %broadcast_in_dim3A_42 = vector.broadcast %broadcast_in_dim3A : f32 to vector<16xf32>
      %swap3A = arith.index_cast %scan3A_40 : i32 to index
      %swap3A_43 = arith.constant 0 : index
      %swap3A_44 = tpu.vector_load %arg8[%swap3A, %swap3A_43] {strides = array<i32>} : memref<128x128xf32, #tpu.memory_space<vmem>>, vector<1x16xf32>,
      %swap3A_45 = vector.shape_cast %swap3A_44 : vector<1x16xf32> to vector<16xf32>
      %swap3A_46 = vector.shape_cast %broadcast_in_dim3A_42 : vector<16xf32> to vector<1x16xf32>
      tpu.vector_store %arg8[%swap3A, %swap3A_43], %swap3A_46 {strides = array<i32>} : memref<128x128xf32, #tpu.memory_space<vmem>>, vector<1x16xf32>,
      %broadcast_in_dim3A_47 = arith.constant 0.000000e+00 : f32
      %broadcast_in_dim3A_48 = vector.broadcast %broadcast_in_dim3A_47 : f32 to vector<16xf32>
      %swap3A_49 = arith.index_cast %scan3A_40 : i32 to index
      %swap3A_50 = arith.constant 16 : index
      %swap3A_51 = tpu.vector_load %arg8[%swap3A_49, %swap3A_50] {strides = array<i32>} : memref<128x128xf32, #tpu.memory_space<vmem>>, vector<1x16xf32>,
      %swap3A_52 = vector.shape_cast %swap3A_51 : vector<1x16xf32> to vector<16xf32>
      %swap3A_53 = vector.shape_cast %broadcast_in_dim3A_48 : vector<16xf32> to vector<1x16xf32>
      tpu.vector_store %arg8[%swap3A_49, %swap3A_50], %swap3A_53 {strides = array<i32>} : memref<128x128xf32, #tpu.memory_space<vmem>>, vector<1x16xf32>,
      %broadcast_in_dim3A_54 = arith.constant 0.000000e+00 : f32
      %broadcast_in_dim3A_55 = vector.broadcast %broadcast_in_dim3A_54 : f32 to vector<16xf32>
      %swap3A_56 = arith.index_cast %scan3A_40 : i32 to index
      %swap3A_57 = arith.constant 32 : index
      %swap3A_58 = tpu.vector_load %arg8[%swap3A_56, %swap3A_57] {strides = array<i32>} : memref<128x128xf32, #tpu.memory_space<vmem>>, vector<1x16xf32>,
      %swap3A_59 = vector.shape_cast %swap3A_58 : vector<1x16xf32> to vector<16xf32>
      %swap3A_60 = vector.shape_cast %broadcast_in_dim3A_55 : vector<16xf32> to vector<1x16xf32>
      tpu.vector_store %arg8[%swap3A_56, %swap3A_57], %swap3A_60 {strides = array<i32>} : memref<128x128xf32, #tpu.memory_space<vmem>>, vector<1x16xf32>,
      %broadcast_in_dim3A_61 = arith.constant 0.000000e+00 : f32
      %broadcast_in_dim3A_62 = vector.broadcast %broadcast_in_dim3A_61 : f32 to vector<16xf32>
      %swap3A_63 = arith.index_cast %scan3A_40 : i32 to index
      %swap3A_64 = arith.constant 48 : index
      %swap3A_65 = tpu.vector_load %arg8[%swap3A_63, %swap3A_64] {strides = array<i32>} : memref<128x128xf32, #tpu.memory_space<vmem>>, vector<1x16xf32>,
      %swap3A_66 = vector.shape_cast %swap3A_65 : vector<1x16xf32> to vector<16xf32>
      %swap3A_67 = vector.shape_cast %broadcast_in_dim3A_62 : vector<16xf32> to vector<1x16xf32>
      tpu.vector_store %arg8[%swap3A_63, %swap3A_64], %swap3A_67 {strides = array<i32>} : memref<128x128xf32, #tpu.memory_space<vmem>>, vector<1x16xf32>,
      %broadcast_in_dim3A_68 = arith.constant 0.000000e+00 : f32
      %broadcast_in_dim3A_69 = vector.broadcast %broadcast_in_dim3A_68 : f32 to vector<16xf32>
      %swap3A_70 = arith.index_cast %scan3A_40 : i32 to index
      %swap3A_71 = arith.constant 64 : index
      %swap3A_72 = tpu.vector_load %arg8[%swap3A_70, %swap3A_71] {strides = array<i32>} : memref<128x128xf32, #tpu.memory_space<vmem>>, vector<1x16xf32>,
      %swap3A_73 = vector.shape_cast %swap3A_72 : vector<1x16xf32> to vector<16xf32>
      %swap3A_74 = vector.shape_cast %broadcast_in_dim3A_69 : vector<16xf32> to vector<1x16xf32>
      tpu.vector_store %arg8[%swap3A_70, %swap3A_71], %swap3A_74 {strides = array<i32>} : memref<128x128xf32, #tpu.memory_space<vmem>>, vector<1x16xf32>,
      %broadcast_in_dim3A_75 = arith.constant 0.000000e+00 : f32
      %broadcast_in_dim3A_76 = vector.broadcast %broadcast_in_dim3A_75 : f32 to vector<16xf32>
      %swap3A_77 = arith.index_cast %scan3A_40 : i32 to index
      %swap3A_78 = arith.constant 80 : index
      %swap3A_79 = tpu.vector_load %arg8[%swap3A_77, %swap3A_78] {strides = array<i32>} : memref<128x128xf32, #tpu.memory_space<vmem>>, vector<1x16xf32>,
      %swap3A_80 = vector.shape_cast %swap3A_79 : vector<1x16xf32> to vector<16xf32>
      %swap3A_81 = vector.shape_cast %broadcast_in_dim3A_76 : vector<16xf32> to vector<1x16xf32>
      tpu.vector_store %arg8[%swap3A_77, %swap3A_78], %swap3A_81 {strides = array<i32>} : memref<128x128xf32, #tpu.memory_space<vmem>>, vector<1x16xf32>,
      %broadcast_in_dim3A_82 = arith.constant 0.000000e+00 : f32
      %broadcast_in_dim3A_83 = vector.broadcast %broadcast_in_dim3A_82 : f32 to vector<16xf32>
      %swap3A_84 = arith.index_cast %scan3A_40 : i32 to index
      %swap3A_85 = arith.constant 96 : index
      %swap3A_86 = tpu.vector_load %arg8[%swap3A_84, %swap3A_85] {strides = array<i32>} : memref<128x128xf32, #tpu.memory_space<vmem>>, vector<1x16xf32>,
      %swap3A_87 = vector.shape_cast %swap3A_86 : vector<1x16xf32> to vector<16xf32>
      %swap3A_88 = vector.shape_cast %broadcast_in_dim3A_83 : vector<16xf32> to vector<1x16xf32>
      tpu.vector_store %arg8[%swap3A_84, %swap3A_85], %swap3A_88 {strides = array<i32>} : memref<128x128xf32, #tpu.memory_space<vmem>>, vector<1x16xf32>,
      %broadcast_in_dim3A_89 = arith.constant 0.000000e+00 : f32
      %broadcast_in_dim3A_90 = vector.broadcast %broadcast_in_dim3A_89 : f32 to vector<16xf32>
      %swap3A_91 = arith.index_cast %scan3A_40 : i32 to index
      %swap3A_92 = arith.constant 112 : index
      %swap3A_93 = tpu.vector_load %arg8[%swap3A_91, %swap3A_92] {strides = array<i32>} : memref<128x128xf32, #tpu.memory_space<vmem>>, vector<1x16xf32>,
      %swap3A_94 = vector.shape_cast %swap3A_93 : vector<1x16xf32> to vector<16xf32>
      %swap3A_95 = vector.shape_cast %broadcast_in_dim3A_90 : vector<16xf32> to vector<1x16xf32>
      tpu.vector_store %arg8[%swap3A_91, %swap3A_92], %swap3A_95 {strides = array<i32>} : memref<128x128xf32, #tpu.memory_space<vmem>>, vector<1x16xf32>,
      %scan3A_96 = arith.constant 0 : i32
      scf.yield %scan3A_96 : i32
    }
    %scan3A_17 = arith.constant 128 : i32
    %add3A_18 = arith.constant 0 : i32
    %add3A_19 = arith.addi %mul3A_0, %add3A_18 : i32
    "tpu.region"() ({
      %run_scoped3A_40 = tpu.sem_alloc : memref<!tpu.dma_semaphore, #tpu.memory_space<semaphore_mem>>
      %dma_start3A = arith.constant 0 : i32
      %dma_start3A_41 = tpu.memref_slice %arg10[%add3A_19, %dma_start3A] : memref<10240x128xf32, #tpu.memory_space<vmem_shared>> -> memref<128x128xf32, #tpu.memory_space<vmem_shared>>
      %dma_start3A_42 = arith.constant 0 : i32
      %dma_start3A_43 = tpu.memref_slice %arg10[%add3A_19, %dma_start3A_42] : memref<10240x128xf32, #tpu.memory_space<vmem_shared>> -> memref<128x128xf32, #tpu.memory_space<vmem_shared>>
      tpu.enqueue_dma source(%arg8 : memref<128x128xf32, #tpu.memory_space<vmem>>) target(%dma_start3A_43 : memref<128x128xf32, #tpu.memory_space<vmem_shared>>) target_semaphore(%run_scoped3A_40 : memref<!tpu.dma_semaphore, #tpu.memory_space<semaphore_mem>>)
      %dma_wait3A = arith.constant 0 : i32
      %dma_wait3A_44 = tpu.memref_slice %arg10[%add3A_19, %dma_wait3A] : memref<10240x128xf32, #tpu.memory_space<vmem_shared>> -> memref<128x128xf32, #tpu.memory_space<vmem_shared>>
      %dma_wait3A_45 = arith.constant 0 : i32
      %dma_wait3A_46 = tpu.memref_slice %arg10[%add3A_19, %dma_wait3A_45] : memref<10240x128xf32, #tpu.memory_space<vmem_shared>> -> memref<128x128xf32, #tpu.memory_space<vmem_shared>>
      tpu.wait_dma2 semaphore(%run_scoped3A_40 : memref<!tpu.dma_semaphore, #tpu.memory_space<semaphore_mem>>) src(%arg8 : memref<128x128xf32, #tpu.memory_space<vmem>>) dst(%dma_wait3A_46 : memref<128x128xf32, #tpu.memory_space<vmem_shared>>)
      tpu.yield
    }) : () -> ()
    %add3A_20 = arith.constant 128 : i32
    %add3A_21 = arith.addi %mul3A_0, %add3A_20 : i32
    "tpu.region"() ({
      %run_scoped3A_40 = tpu.sem_alloc : memref<!tpu.dma_semaphore, #tpu.memory_space<semaphore_mem>>
      %dma_start3A = arith.constant 0 : i32
      %dma_start3A_41 = tpu.memref_slice %arg10[%add3A_21, %dma_start3A] : memref<10240x128xf32, #tpu.memory_space<vmem_shared>> -> memref<128x128xf32, #tpu.memory_space<vmem_shared>>
      %dma_start3A_42 = arith.constant 0 : i32
      %dma_start3A_43 = tpu.memref_slice %arg10[%add3A_21, %dma_start3A_42] : memref<10240x128xf32, #tpu.memory_space<vmem_shared>> -> memref<128x128xf32, #tpu.memory_space<vmem_shared>>
      tpu.enqueue_dma source(%arg8 : memref<128x128xf32, #tpu.memory_space<vmem>>) target(%dma_start3A_43 : memref<128x128xf32, #tpu.memory_space<vmem_shared>>) target_semaphore(%run_scoped3A_40 : memref<!tpu.dma_semaphore, #tpu.memory_space<semaphore_mem>>)
      %dma_wait3A = arith.constant 0 : i32
      %dma_wait3A_44 = tpu.memref_slice %arg10[%add3A_21, %dma_wait3A] : memref<10240x128xf32, #tpu.memory_space<vmem_shared>> -> memref<128x128xf32, #tpu.memory_space<vmem_shared>>
      %dma_wait3A_45 = arith.constant 0 : i32
      %dma_wait3A_46 = tpu.memref_slice %arg10[%add3A_21, %dma_wait3A_45] : memref<10240x128xf32, #tpu.memory_space<vmem_shared>> -> memref<128x128xf32, #tpu.memory_space<vmem_shared>>
      tpu.wait_dma2 semaphore(%run_scoped3A_40 : memref<!tpu.dma_semaphore, #tpu.memory_space<semaphore_mem>>) src(%arg8 : memref<128x128xf32, #tpu.memory_space<vmem>>) dst(%dma_wait3A_46 : memref<128x128xf32, #tpu.memory_space<vmem_shared>>)
      tpu.yield
    }) : () -> ()
    %add3A_22 = arith.constant 256 : i32
    %add3A_23 = arith.addi %mul3A_0, %add3A_22 : i32
    "tpu.region"() ({
      %run_scoped3A_40 = tpu.sem_alloc : memref<!tpu.dma_semaphore, #tpu.memory_space<semaphore_mem>>
      %dma_start3A = arith.constant 0 : i32
      %dma_start3A_41 = tpu.memref_slice %arg10[%add3A_23, %dma_start3A] : memref<10240x128xf32, #tpu.memory_space<vmem_shared>> -> memref<128x128xf32, #tpu.memory_space<vmem_shared>>
      %dma_start3A_42 = arith.constant 0 : i32
      %dma_start3A_43 = tpu.memref_slice %arg10[%add3A_23, %dma_start3A_42] : memref<10240x128xf32, #tpu.memory_space<vmem_shared>> -> memref<128x128xf32, #tpu.memory_space<vmem_shared>>
      tpu.enqueue_dma source(%arg8 : memref<128x128xf32, #tpu.memory_space<vmem>>) target(%dma_start3A_43 : memref<128x128xf32, #tpu.memory_space<vmem_shared>>) target_semaphore(%run_scoped3A_40 : memref<!tpu.dma_semaphore, #tpu.memory_space<semaphore_mem>>)
      %dma_wait3A = arith.constant 0 : i32
      %dma_wait3A_44 = tpu.memref_slice %arg10[%add3A_23, %dma_wait3A] : memref<10240x128xf32, #tpu.memory_space<vmem_shared>> -> memref<128x128xf32, #tpu.memory_space<vmem_shared>>
      %dma_wait3A_45 = arith.constant 0 : i32
      %dma_wait3A_46 = tpu.memref_slice %arg10[%add3A_23, %dma_wait3A_45] : memref<10240x128xf32, #tpu.memory_space<vmem_shared>> -> memref<128x128xf32, #tpu.memory_space<vmem_shared>>
      tpu.wait_dma2 semaphore(%run_scoped3A_40 : memref<!tpu.dma_semaphore, #tpu.memory_space<semaphore_mem>>) src(%arg8 : memref<128x128xf32, #tpu.memory_space<vmem>>) dst(%dma_wait3A_46 : memref<128x128xf32, #tpu.memory_space<vmem_shared>>)
      tpu.yield
    }) : () -> ()
    %add3A_24 = arith.constant 384 : i32
    %add3A_25 = arith.addi %mul3A_0, %add3A_24 : i32
    "tpu.region"() ({
      %run_scoped3A_40 = tpu.sem_alloc : memref<!tpu.dma_semaphore, #tpu.memory_space<semaphore_mem>>
      %dma_start3A = arith.constant 0 : i32
      %dma_start3A_41 = tpu.memref_slice %arg10[%add3A_25, %dma_start3A] : memref<10240x128xf32, #tpu.memory_space<vmem_shared>> -> memref<128x128xf32, #tpu.memory_space<vmem_shared>>
      %dma_start3A_42 = arith.constant 0 : i32
      %dma_start3A_43 = tpu.memref_slice %arg10[%add3A_25, %dma_start3A_42] : memref<10240x128xf32, #tpu.memory_space<vmem_shared>> -> memref<128x128xf32, #tpu.memory_space<vmem_shared>>
      tpu.enqueue_dma source(%arg8 : memref<128x128xf32, #tpu.memory_space<vmem>>) target(%dma_start3A_43 : memref<128x128xf32, #tpu.memory_space<vmem_shared>>) target_semaphore(%run_scoped3A_40 : memref<!tpu.dma_semaphore, #tpu.memory_space<semaphore_mem>>)
      %dma_wait3A = arith.constant 0 : i32
      %dma_wait3A_44 = tpu.memref_slice %arg10[%add3A_25, %dma_wait3A] : memref<10240x128xf32, #tpu.memory_space<vmem_shared>> -> memref<128x128xf32, #tpu.memory_space<vmem_shared>>
      %dma_wait3A_45 = arith.constant 0 : i32
      %dma_wait3A_46 = tpu.memref_slice %arg10[%add3A_25, %dma_wait3A_45] : memref<10240x128xf32, #tpu.memory_space<vmem_shared>> -> memref<128x128xf32, #tpu.memory_space<vmem_shared>>
      tpu.wait_dma2 semaphore(%run_scoped3A_40 : memref<!tpu.dma_semaphore, #tpu.memory_space<semaphore_mem>>) src(%arg8 : memref<128x128xf32, #tpu.memory_space<vmem>>) dst(%dma_wait3A_46 : memref<128x128xf32, #tpu.memory_space<vmem_shared>>)
      tpu.yield
    }) : () -> ()
    %add3A_26 = arith.constant 512 : i32
    %add3A_27 = arith.addi %mul3A_0, %add3A_26 : i32
    "tpu.region"() ({
      %run_scoped3A_40 = tpu.sem_alloc : memref<!tpu.dma_semaphore, #tpu.memory_space<semaphore_mem>>
      %dma_start3A = arith.constant 0 : i32
      %dma_start3A_41 = tpu.memref_slice %arg10[%add3A_27, %dma_start3A] : memref<10240x128xf32, #tpu.memory_space<vmem_shared>> -> memref<128x128xf32, #tpu.memory_space<vmem_shared>>
      %dma_start3A_42 = arith.constant 0 : i32
      %dma_start3A_43 = tpu.memref_slice %arg10[%add3A_27, %dma_start3A_42] : memref<10240x128xf32, #tpu.memory_space<vmem_shared>> -> memref<128x128xf32, #tpu.memory_space<vmem_shared>>
      tpu.enqueue_dma source(%arg8 : memref<128x128xf32, #tpu.memory_space<vmem>>) target(%dma_start3A_43 : memref<128x128xf32, #tpu.memory_space<vmem_shared>>) target_semaphore(%run_scoped3A_40 : memref<!tpu.dma_semaphore, #tpu.memory_space<semaphore_mem>>)
      %dma_wait3A = arith.constant 0 : i32
      %dma_wait3A_44 = tpu.memref_slice %arg10[%add3A_27, %dma_wait3A] : memref<10240x128xf32, #tpu.memory_space<vmem_shared>> -> memref<128x128xf32, #tpu.memory_space<vmem_shared>>
      %dma_wait3A_45 = arith.constant 0 : i32
      %dma_wait3A_46 = tpu.memref_slice %arg10[%add3A_27, %dma_wait3A_45] : memref<10240x128xf32, #tpu.memory_space<vmem_shared>> -> memref<128x128xf32, #tpu.memory_space<vmem_shared>>
      tpu.wait_dma2 semaphore(%run_scoped3A_40 : memref<!tpu.dma_semaphore, #tpu.memory_space<semaphore_mem>>) src(%arg8 : memref<128x128xf32, #tpu.memory_space<vmem>>) dst(%dma_wait3A_46 : memref<128x128xf32, #tpu.memory_space<vmem_shared>>)
      tpu.yield
    }) : () -> ()
    %barrier3A = arith.constant 0 : index
    tpu.barrier barrier_id(%barrier3A)
    %while3A = arith.constant 0 : i32
    %while3A_28 = arith.constant 0 : i32
    %while3A_29 = arith.subi %select_n3A, %while3A : i32
    %while3A_30 = arith.addi %while3A, %while3A_29 : i32
    %while3A_31 = arith.constant 1 : i32
    %while3A_32 = arith.divsi %while3A_29, %while3A_31 : i32
    %while3A_33 = arith.muli %while3A_32, %while3A_31 : i32
    %while3A_34 = arith.addi %while3A, %while3A_33 : i32
    %while3A_35 = arith.constant 1 : i32
    %while3A_36 = scf.for %while3A_40 = %while3A to %while3A_34 step %while3A_35 iter_args(%while3A_41 = %while3A_28) -> (i32)  : i32 {
      %jit3A_42 = arith.constant 2 : i32
      %eq3A_43 = arith.constant 0 : i32
      %eq3A_44 = arith.cmpi eq, %jit3A_42, %eq3A_43 : i32
      %jit3A_45 = arith.constant 1 : i32
      %select_n3A_46 = arith.select %eq3A_44, %jit3A_45, %jit3A_42 : i32
      %rem3A = arith.remsi %while3A_40, %select_n3A_46 : i32
      %ne3A = arith.constant 0 : i32
      %ne3A_47 = arith.cmpi ne, %rem3A, %ne3A : i32
      %lt3A = arith.constant 0 : i32
      %lt3A_48 = arith.cmpi slt, %rem3A, %lt3A : i32
      %lt3A_49 = arith.constant 0 : i32
      %lt3A_50 = arith.cmpi slt, %select_n3A_46, %lt3A_49 : i32
      %ne3A_51 = arith.xori %lt3A_48, %lt3A_50 : i1
      %and3A = arith.andi %ne3A_51, %ne3A_47 : i1
      %add3A_52 = arith.addi %rem3A, %select_n3A_46 : i32
      %select_n3A_53 = arith.select %and3A, %add3A_52, %rem3A : i32
      %gt3A = arith.constant 0 : i32
      %gt3A_54 = arith.cmpi sgt, %while3A_40, %gt3A : i32
      %convert_element_type3A = arith.extui %gt3A_54 : i1 to i32
      %cond3A = arith.constant 0 : i32
      %cond3A_55 = arith.cmpi ne, %convert_element_type3A, %cond3A : i32
      scf.if %cond3A_55 {
        %mul3A_97 = arith.constant 16 : i32
        %mul3A_98 = arith.muli %while3A_40, %mul3A_97 : i32
        %add3A_99 = arith.addi %select_n3A_10, %mul3A_98 : i32
        %dma_wait3A_100 = arith.constant 0 : i32
        %dma_wait3A_101 = arith.constant 0 : i32
        %dma_wait3A_102 = tpu.memref_slice %arg6[%select_n3A_53, %dma_wait3A_100, %dma_wait3A_101] : memref<2x16x128xi32, #tpu.memory_space<vmem>> -> memref<1x16x128xi32, #tpu.memory_space<vmem>>
        %dma_wait3A_103 = tpu.memref_squeeze %dma_wait3A_102 : memref<1x16x128xi32, #tpu.memory_space<vmem>> -> memref<16x128xi32, #tpu.memory_space<vmem>>
        %dma_wait3A_104 = arith.constant 0 : i32
        %dma_wait3A_105 = tpu.memref_slice %arg2[%add3A_99, %dma_wait3A_104] : memref<2720x128xi32, #tpu.memory_space<hbm>> -> memref<16x128xi32, #tpu.memory_space<hbm>>
        %dma_wait3A_106 = arith.constant 0 : i32
        %dma_wait3A_107 = arith.constant 0 : i32
        %dma_wait3A_108 = tpu.memref_slice %arg6[%select_n3A_53, %dma_wait3A_106, %dma_wait3A_107] : memref<2x16x128xi32, #tpu.memory_space<vmem>> -> memref<1x16x128xi32, #tpu.memory_space<vmem>>
        %dma_wait3A_109 = tpu.memref_squeeze %dma_wait3A_108 : memref<1x16x128xi32, #tpu.memory_space<vmem>> -> memref<16x128xi32, #tpu.memory_space<vmem>>
        %dma_wait3A_110 = arith.constant 0 : i32
        %dma_wait3A_111 = tpu.memref_slice %arg2[%add3A_99, %dma_wait3A_110] : memref<2720x128xi32, #tpu.memory_space<hbm>> -> memref<16x128xi32, #tpu.memory_space<hbm>>
        tpu.wait_dma2 semaphore(%arg13 : memref<!tpu.dma_semaphore, #tpu.memory_space<semaphore_mem>>) src(%dma_wait3A_111 : memref<16x128xi32, #tpu.memory_space<hbm>>) dst(%dma_wait3A_109 : memref<16x128xi32, #tpu.memory_space<vmem>>)
        %mul3A_112 = arith.constant 16 : i32
        %mul3A_113 = arith.muli %while3A_40, %mul3A_112 : i32
        %add3A_114 = arith.addi %select_n3A_10, %mul3A_113 : i32
        %dma_wait3A_115 = arith.constant 0 : i32
        %dma_wait3A_116 = arith.constant 0 : i32
        %dma_wait3A_117 = tpu.memref_slice %arg7[%select_n3A_53, %dma_wait3A_115, %dma_wait3A_116] : memref<2x16x128xi32, #tpu.memory_space<vmem>> -> memref<1x16x128xi32, #tpu.memory_space<vmem>>
        %dma_wait3A_118 = tpu.memref_squeeze %dma_wait3A_117 : memref<1x16x128xi32, #tpu.memory_space<vmem>> -> memref<16x128xi32, #tpu.memory_space<vmem>>
        %dma_wait3A_119 = arith.constant 0 : i32
        %dma_wait3A_120 = tpu.memref_slice %arg3[%add3A_114, %dma_wait3A_119] : memref<2720x128xi32, #tpu.memory_space<hbm>> -> memref<16x128xi32, #tpu.memory_space<hbm>>
        %dma_wait3A_121 = arith.constant 0 : i32
        %dma_wait3A_122 = arith.constant 0 : i32
        %dma_wait3A_123 = tpu.memref_slice %arg7[%select_n3A_53, %dma_wait3A_121, %dma_wait3A_122] : memref<2x16x128xi32, #tpu.memory_space<vmem>> -> memref<1x16x128xi32, #tpu.memory_space<vmem>>
        %dma_wait3A_124 = tpu.memref_squeeze %dma_wait3A_123 : memref<1x16x128xi32, #tpu.memory_space<vmem>> -> memref<16x128xi32, #tpu.memory_space<vmem>>
        %dma_wait3A_125 = arith.constant 0 : i32
        %dma_wait3A_126 = tpu.memref_slice %arg3[%add3A_114, %dma_wait3A_125] : memref<2720x128xi32, #tpu.memory_space<hbm>> -> memref<16x128xi32, #tpu.memory_space<hbm>>
        tpu.wait_dma2 semaphore(%arg14 : memref<!tpu.dma_semaphore, #tpu.memory_space<semaphore_mem>>) src(%dma_wait3A_126 : memref<16x128xi32, #tpu.memory_space<hbm>>) dst(%dma_wait3A_124 : memref<16x128xi32, #tpu.memory_space<vmem>>)
      } else {
      }
      %sub3A = arith.constant 1 : i32
      %sub3A_56 = arith.subi %select_n3A, %sub3A : i32
      %lt3A_57 = arith.cmpi slt, %while3A_40, %sub3A_56 : i32
      %convert_element_type3A_58 = arith.extui %lt3A_57 : i1 to i32
      %cond3A_59 = arith.constant 0 : i32
      %cond3A_60 = arith.cmpi ne, %convert_element_type3A_58, %cond3A_59 : i32
      scf.if %cond3A_60 {
        %add3A_97 = arith.constant 1 : i32
        %add3A_98 = arith.addi %while3A_40, %add3A_97 : i32
        %mul3A_99 = arith.constant 16 : i32
        %mul3A_100 = arith.muli %add3A_98, %mul3A_99 : i32
        %add3A_101 = arith.addi %select_n3A_10, %mul3A_100 : i32
        %sub3A_102 = arith.constant 1 : i32
        %sub3A_103 = arith.subi %sub3A_102, %select_n3A_53 : i32
        %dma_start3A_104 = arith.constant 0 : i32
        %dma_start3A_105 = arith.constant 0 : i32
        %dma_start3A_106 = tpu.memref_slice %arg6[%sub3A_103, %dma_start3A_104, %dma_start3A_105] : memref<2x16x128xi32, #tpu.memory_space<vmem>> -> memref<1x16x128xi32, #tpu.memory_space<vmem>>
        %dma_start3A_107 = tpu.memref_squeeze %dma_start3A_106 : memref<1x16x128xi32, #tpu.memory_space<vmem>> -> memref<16x128xi32, #tpu.memory_space<vmem>>
        %dma_start3A_108 = arith.constant 0 : i32
        %dma_start3A_109 = tpu.memref_slice %arg2[%add3A_101, %dma_start3A_108] : memref<2720x128xi32, #tpu.memory_space<hbm>> -> memref<16x128xi32, #tpu.memory_space<hbm>>
        %dma_start3A_110 = arith.constant 0 : i32
        %dma_start3A_111 = arith.constant 0 : i32
        %dma_start3A_112 = tpu.memref_slice %arg6[%sub3A_103, %dma_start3A_110, %dma_start3A_111] : memref<2x16x128xi32, #tpu.memory_space<vmem>> -> memref<1x16x128xi32, #tpu.memory_space<vmem>>
        %dma_start3A_113 = tpu.memref_squeeze %dma_start3A_112 : memref<1x16x128xi32, #tpu.memory_space<vmem>> -> memref<16x128xi32, #tpu.memory_space<vmem>>
        %dma_start3A_114 = arith.constant 0 : i32
        %dma_start3A_115 = tpu.memref_slice %arg2[%add3A_101, %dma_start3A_114] : memref<2720x128xi32, #tpu.memory_space<hbm>> -> memref<16x128xi32, #tpu.memory_space<hbm>>
        tpu.enqueue_dma source(%dma_start3A_115 : memref<16x128xi32, #tpu.memory_space<hbm>>) target(%dma_start3A_113 : memref<16x128xi32, #tpu.memory_space<vmem>>) target_semaphore(%arg13 : memref<!tpu.dma_semaphore, #tpu.memory_space<semaphore_mem>>)
        %add3A_116 = arith.constant 1 : i32
        %add3A_117 = arith.addi %while3A_40, %add3A_116 : i32
        %mul3A_118 = arith.constant 16 : i32
        %mul3A_119 = arith.muli %add3A_117, %mul3A_118 : i32
        %add3A_120 = arith.addi %select_n3A_10, %mul3A_119 : i32
        %sub3A_121 = arith.constant 1 : i32
        %sub3A_122 = arith.subi %sub3A_121, %select_n3A_53 : i32
        %dma_start3A_123 = arith.constant 0 : i32
        %dma_start3A_124 = arith.constant 0 : i32
        %dma_start3A_125 = tpu.memref_slice %arg7[%sub3A_122, %dma_start3A_123, %dma_start3A_124] : memref<2x16x128xi32, #tpu.memory_space<vmem>> -> memref<1x16x128xi32, #tpu.memory_space<vmem>>
        %dma_start3A_126 = tpu.memref_squeeze %dma_start3A_125 : memref<1x16x128xi32, #tpu.memory_space<vmem>> -> memref<16x128xi32, #tpu.memory_space<vmem>>
        %dma_start3A_127 = arith.constant 0 : i32
        %dma_start3A_128 = tpu.memref_slice %arg3[%add3A_120, %dma_start3A_127] : memref<2720x128xi32, #tpu.memory_space<hbm>> -> memref<16x128xi32, #tpu.memory_space<hbm>>
        %dma_start3A_129 = arith.constant 0 : i32
        %dma_start3A_130 = arith.constant 0 : i32
        %dma_start3A_131 = tpu.memref_slice %arg7[%sub3A_122, %dma_start3A_129, %dma_start3A_130] : memref<2x16x128xi32, #tpu.memory_space<vmem>> -> memref<1x16x128xi32, #tpu.memory_space<vmem>>
        %dma_start3A_132 = tpu.memref_squeeze %dma_start3A_131 : memref<1x16x128xi32, #tpu.memory_space<vmem>> -> memref<16x128xi32, #tpu.memory_space<vmem>>
        %dma_start3A_133 = arith.constant 0 : i32
        %dma_start3A_134 = tpu.memref_slice %arg3[%add3A_120, %dma_start3A_133] : memref<2720x128xi32, #tpu.memory_space<hbm>> -> memref<16x128xi32, #tpu.memory_space<hbm>>
        tpu.enqueue_dma source(%dma_start3A_134 : memref<16x128xi32, #tpu.memory_space<hbm>>) target(%dma_start3A_132 : memref<16x128xi32, #tpu.memory_space<vmem>>) target_semaphore(%arg14 : memref<!tpu.dma_semaphore, #tpu.memory_space<semaphore_mem>>)
      } else {
      }
      %dma_start3A = arith.constant 0 : i32
      %dma_start3A_61 = arith.constant 0 : i32
      %dma_start3A_62 = tpu.memref_slice %arg6[%select_n3A_53, %dma_start3A, %dma_start3A_61] : memref<2x16x128xi32, #tpu.memory_space<vmem>> -> memref<1x1x128xi32, #tpu.memory_space<vmem>>
      %dma_start3A_63 = tpu.memref_squeeze %dma_start3A_62 : memref<1x1x128xi32, #tpu.memory_space<vmem>> -> memref<128xi32, #tpu.memory_space<vmem>>
      %dma_start3A_64 = arith.constant 0 : i32
      %dma_start3A_65 = arith.constant 0 : i32
      %dma_start3A_66 = tpu.memref_slice %arg4[%dma_start3A_64, %dma_start3A_65] : memref<10000x128xf32, #tpu.memory_space<hbm>> -> memref<10000x128xf32, #tpu.memory_space<hbm>>
      tpu.enqueue_indirect_dma source(%dma_start3A_66 : memref<10000x128xf32, #tpu.memory_space<hbm>>) target(%arg8 : memref<128x128xf32, #tpu.memory_space<vmem>>) offsets(%dma_start3A_63 : memref<128xi32, #tpu.memory_space<vmem>>) semaphore(%arg11 : memref<!tpu.dma_semaphore, #tpu.memory_space<semaphore_mem>>)
      %dma_start3A_67 = arith.constant 1 : i32
      %dma_start3A_68 = arith.constant 0 : i32
      %dma_start3A_69 = tpu.memref_slice %arg6[%select_n3A_53, %dma_start3A_67, %dma_start3A_68] : memref<2x16x128xi32, #tpu.memory_space<vmem>> -> memref<1x1x128xi32, #tpu.memory_space<vmem>>
      %dma_start3A_70 = tpu.memref_squeeze %dma_start3A_69 : memref<1x1x128xi32, #tpu.memory_space<vmem>> -> memref<128xi32, #tpu.memory_space<vmem>>
      %dma_start3A_71 = arith.constant 0 : i32
      %dma_start3A_72 = arith.constant 0 : i32
      %dma_start3A_73 = tpu.memref_slice %arg4[%dma_start3A_71, %dma_start3A_72] : memref<10000x128xf32, #tpu.memory_space<hbm>> -> memref<10000x128xf32, #tpu.memory_space<hbm>>
      tpu.enqueue_indirect_dma source(%dma_start3A_73 : memref<10000x128xf32, #tpu.memory_space<hbm>>) target(%arg9 : memref<128x128xf32, #tpu.memory_space<vmem>>) offsets(%dma_start3A_70 : memref<128xi32, #tpu.memory_space<vmem>>) semaphore(%arg12 : memref<!tpu.dma_semaphore, #tpu.memory_space<semaphore_mem>>)
      %scan3A_74 = arith.constant 0 : i32
      %scan3A_75 = arith.constant 0 : i32
      %scan3A_76 = arith.constant 7 : i32
      %scan3A_77 = arith.addi %scan3A_75, %scan3A_76 : i32
      %scan3A_78 = arith.constant 1 : i32
      %scan3A_79 = scf.for %scan3A_97 = %scan3A_75 to %scan3A_77 step %scan3A_78 iter_args(%scan3A_98 = %scan3A_74) -> (i32)  : i32 {
        %mul3A_99 = arith.constant 2 : i32
        %mul3A_100 = arith.muli %scan3A_97, %mul3A_99 : i32
        %add3A_101 = arith.constant 0 : i32
        %add3A_102 = arith.addi %mul3A_100, %add3A_101 : i32
        %dma_wait3A_103 = arith.constant 0 : i32
        %dma_wait3A_104 = tpu.memref_slice %arg6[%select_n3A_53, %add3A_102, %dma_wait3A_103] : memref<2x16x128xi32, #tpu.memory_space<vmem>> -> memref<1x1x128xi32, #tpu.memory_space<vmem>>
        %dma_wait3A_105 = tpu.memref_squeeze %dma_wait3A_104 : memref<1x1x128xi32, #tpu.memory_space<vmem>> -> memref<128xi32, #tpu.memory_space<vmem>>
        %dma_wait3A_106 = arith.constant 0 : i32
        %dma_wait3A_107 = arith.constant 0 : i32
        %dma_wait3A_108 = tpu.memref_slice %arg4[%dma_wait3A_106, %dma_wait3A_107] : memref<10000x128xf32, #tpu.memory_space<hbm>> -> memref<10000x128xf32, #tpu.memory_space<hbm>>
        tpu.wait_indirect_dma semaphore(%arg11 : memref<!tpu.dma_semaphore, #tpu.memory_space<semaphore_mem>>) src(%dma_wait3A_108 : memref<10000x128xf32, #tpu.memory_space<hbm>>) dst(%arg8 : memref<128x128xf32, #tpu.memory_space<vmem>>)
        "tpu.region"() ({
          %run_scoped3A_136 = tpu.sem_alloc : memref<!tpu.dma_semaphore, #tpu.memory_space<semaphore_mem>>
          %dma_start3A_137 = arith.constant 0 : i32
          %dma_start3A_138 = tpu.memref_slice %arg7[%select_n3A_53, %add3A_102, %dma_start3A_137] : memref<2x16x128xi32, #tpu.memory_space<vmem>> -> memref<1x1x128xi32, #tpu.memory_space<vmem>>
          %dma_start3A_139 = tpu.memref_squeeze %dma_start3A_138 : memref<1x1x128xi32, #tpu.memory_space<vmem>> -> memref<128xi32, #tpu.memory_space<vmem>>
          %dma_start3A_140 = arith.constant 0 : i32
          %dma_start3A_141 = arith.constant 0 : i32
          %dma_start3A_142 = tpu.memref_slice %arg10[%dma_start3A_140, %dma_start3A_141] : memref<10240x128xf32, #tpu.memory_space<vmem_shared>> -> memref<10240x128xf32, #tpu.memory_space<vmem_shared>>
          tpu.enqueue_indirect_dma source(%arg8 : memref<128x128xf32, #tpu.memory_space<vmem>>) target(%dma_start3A_142 : memref<10240x128xf32, #tpu.memory_space<vmem_shared>>) offsets(%dma_start3A_139 : memref<128xi32, #tpu.memory_space<vmem>>) semaphore(%run_scoped3A_136 : memref<!tpu.dma_semaphore, #tpu.memory_space<semaphore_mem>>) {add = true}
          %dma_wait3A_143 = arith.constant 0 : i32
          %dma_wait3A_144 = tpu.memref_slice %arg7[%select_n3A_53, %add3A_102, %dma_wait3A_143] : memref<2x16x128xi32, #tpu.memory_space<vmem>> -> memref<1x1x128xi32, #tpu.memory_space<vmem>>
          %dma_wait3A_145 = tpu.memref_squeeze %dma_wait3A_144 : memref<1x1x128xi32, #tpu.memory_space<vmem>> -> memref<128xi32, #tpu.memory_space<vmem>>
          %dma_wait3A_146 = arith.constant 0 : i32
          %dma_wait3A_147 = arith.constant 0 : i32
          %dma_wait3A_148 = tpu.memref_slice %arg10[%dma_wait3A_146, %dma_wait3A_147] : memref<10240x128xf32, #tpu.memory_space<vmem_shared>> -> memref<10240x128xf32, #tpu.memory_space<vmem_shared>>
          tpu.wait_indirect_dma semaphore(%run_scoped3A_136 : memref<!tpu.dma_semaphore, #tpu.memory_space<semaphore_mem>>) src(%arg8 : memref<128x128xf32, #tpu.memory_space<vmem>>) dst(%dma_wait3A_148 : memref<10240x128xf32, #tpu.memory_space<vmem_shared>>)
          tpu.yield
        }) : () -> ()
        %add3A_109 = arith.constant 2 : i32
        %add3A_110 = arith.addi %add3A_102, %add3A_109 : i32
        %dma_start3A_111 = arith.constant 0 : i32
        %dma_start3A_112 = tpu.memref_slice %arg6[%select_n3A_53, %add3A_110, %dma_start3A_111] : memref<2x16x128xi32, #tpu.memory_space<vmem>> -> memref<1x1x128xi32, #tpu.memory_space<vmem>>
        %dma_start3A_113 = tpu.memref_squeeze %dma_start3A_112 : memref<1x1x128xi32, #tpu.memory_space<vmem>> -> memref<128xi32, #tpu.memory_space<vmem>>
        %dma_start3A_114 = arith.constant 0 : i32
        %dma_start3A_115 = arith.constant 0 : i32
        %dma_start3A_116 = tpu.memref_slice %arg4[%dma_start3A_114, %dma_start3A_115] : memref<10000x128xf32, #tpu.memory_space<hbm>> -> memref<10000x128xf32, #tpu.memory_space<hbm>>
        tpu.enqueue_indirect_dma source(%dma_start3A_116 : memref<10000x128xf32, #tpu.memory_space<hbm>>) target(%arg8 : memref<128x128xf32, #tpu.memory_space<vmem>>) offsets(%dma_start3A_113 : memref<128xi32, #tpu.memory_space<vmem>>) semaphore(%arg11 : memref<!tpu.dma_semaphore, #tpu.memory_space<semaphore_mem>>)
        %mul3A_117 = arith.constant 2 : i32
        %mul3A_118 = arith.muli %scan3A_97, %mul3A_117 : i32
        %add3A_119 = arith.constant 1 : i32
        %add3A_120 = arith.addi %mul3A_118, %add3A_119 : i32
        %dma_wait3A_121 = arith.constant 0 : i32
        %dma_wait3A_122 = tpu.memref_slice %arg6[%select_n3A_53, %add3A_120, %dma_wait3A_121] : memref<2x16x128xi32, #tpu.memory_space<vmem>> -> memref<1x1x128xi32, #tpu.memory_space<vmem>>
        %dma_wait3A_123 = tpu.memref_squeeze %dma_wait3A_122 : memref<1x1x128xi32, #tpu.memory_space<vmem>> -> memref<128xi32, #tpu.memory_space<vmem>>
        %dma_wait3A_124 = arith.constant 0 : i32
        %dma_wait3A_125 = arith.constant 0 : i32
        %dma_wait3A_126 = tpu.memref_slice %arg4[%dma_wait3A_124, %dma_wait3A_125] : memref<10000x128xf32, #tpu.memory_space<hbm>> -> memref<10000x128xf32, #tpu.memory_space<hbm>>
        tpu.wait_indirect_dma semaphore(%arg12 : memref<!tpu.dma_semaphore, #tpu.memory_space<semaphore_mem>>) src(%dma_wait3A_126 : memref<10000x128xf32, #tpu.memory_space<hbm>>) dst(%arg9 : memref<128x128xf32, #tpu.memory_space<vmem>>)
        "tpu.region"() ({
          %run_scoped3A_136 = tpu.sem_alloc : memref<!tpu.dma_semaphore, #tpu.memory_space<semaphore_mem>>
          %dma_start3A_137 = arith.constant 0 : i32
          %dma_start3A_138 = tpu.memref_slice %arg7[%select_n3A_53, %add3A_120, %dma_start3A_137] : memref<2x16x128xi32, #tpu.memory_space<vmem>> -> memref<1x1x128xi32, #tpu.memory_space<vmem>>
          %dma_start3A_139 = tpu.memref_squeeze %dma_start3A_138 : memref<1x1x128xi32, #tpu.memory_space<vmem>> -> memref<128xi32, #tpu.memory_space<vmem>>
          %dma_start3A_140 = arith.constant 0 : i32
          %dma_start3A_141 = arith.constant 0 : i32
          %dma_start3A_142 = tpu.memref_slice %arg10[%dma_start3A_140, %dma_start3A_141] : memref<10240x128xf32, #tpu.memory_space<vmem_shared>> -> memref<10240x128xf32, #tpu.memory_space<vmem_shared>>
          tpu.enqueue_indirect_dma source(%arg9 : memref<128x128xf32, #tpu.memory_space<vmem>>) target(%dma_start3A_142 : memref<10240x128xf32, #tpu.memory_space<vmem_shared>>) offsets(%dma_start3A_139 : memref<128xi32, #tpu.memory_space<vmem>>) semaphore(%run_scoped3A_136 : memref<!tpu.dma_semaphore, #tpu.memory_space<semaphore_mem>>) {add = true}
          %dma_wait3A_143 = arith.constant 0 : i32
          %dma_wait3A_144 = tpu.memref_slice %arg7[%select_n3A_53, %add3A_120, %dma_wait3A_143] : memref<2x16x128xi32, #tpu.memory_space<vmem>> -> memref<1x1x128xi32, #tpu.memory_space<vmem>>
          %dma_wait3A_145 = tpu.memref_squeeze %dma_wait3A_144 : memref<1x1x128xi32, #tpu.memory_space<vmem>> -> memref<128xi32, #tpu.memory_space<vmem>>
          %dma_wait3A_146 = arith.constant 0 : i32
          %dma_wait3A_147 = arith.constant 0 : i32
          %dma_wait3A_148 = tpu.memref_slice %arg10[%dma_wait3A_146, %dma_wait3A_147] : memref<10240x128xf32, #tpu.memory_space<vmem_shared>> -> memref<10240x128xf32, #tpu.memory_space<vmem_shared>>
          tpu.wait_indirect_dma semaphore(%run_scoped3A_136 : memref<!tpu.dma_semaphore, #tpu.memory_space<semaphore_mem>>) src(%arg9 : memref<128x128xf32, #tpu.memory_space<vmem>>) dst(%dma_wait3A_148 : memref<10240x128xf32, #tpu.memory_space<vmem_shared>>)
          tpu.yield
        }) : () -> ()
        %add3A_127 = arith.constant 2 : i32
        %add3A_128 = arith.addi %add3A_120, %add3A_127 : i32
        %dma_start3A_129 = arith.constant 0 : i32
        %dma_start3A_130 = tpu.memref_slice %arg6[%select_n3A_53, %add3A_128, %dma_start3A_129] : memref<2x16x128xi32, #tpu.memory_space<vmem>> -> memref<1x1x128xi32, #tpu.memory_space<vmem>>
        %dma_start3A_131 = tpu.memref_squeeze %dma_start3A_130 : memref<1x1x128xi32, #tpu.memory_space<vmem>> -> memref<128xi32, #tpu.memory_space<vmem>>
        %dma_start3A_132 = arith.constant 0 : i32
        %dma_start3A_133 = arith.constant 0 : i32
        %dma_start3A_134 = tpu.memref_slice %arg4[%dma_start3A_132, %dma_start3A_133] : memref<10000x128xf32, #tpu.memory_space<hbm>> -> memref<10000x128xf32, #tpu.memory_space<hbm>>
        tpu.enqueue_indirect_dma source(%dma_start3A_134 : memref<10000x128xf32, #tpu.memory_space<hbm>>) target(%arg9 : memref<128x128xf32, #tpu.memory_space<vmem>>) offsets(%dma_start3A_131 : memref<128xi32, #tpu.memory_space<vmem>>) semaphore(%arg12 : memref<!tpu.dma_semaphore, #tpu.memory_space<semaphore_mem>>)
        %scan3A_135 = arith.constant 0 : i32
        scf.yield %scan3A_135 : i32
      }
      %scan3A_80 = arith.constant 7 : i32
      %dma_wait3A = arith.constant 14 : i32
      %dma_wait3A_81 = arith.constant 0 : i32
      %dma_wait3A_82 = tpu.memref_slice %arg6[%select_n3A_53, %dma_wait3A, %dma_wait3A_81] : memref<2x16x128xi32, #tpu.memory_space<vmem>> -> memref<1x1x128xi32, #tpu.memory_space<vmem>>
      %dma_wait3A_83 = tpu.memref_squeeze %dma_wait3A_82 : memref<1x1x128xi32, #tpu.memory_space<vmem>> -> memref<128xi32, #tpu.memory_space<vmem>>
      %dma_wait3A_84 = arith.constant 0 : i32
      %dma_wait3A_85 = arith.constant 0 : i32
      %dma_wait3A_86 = tpu.memref_slice %arg4[%dma_wait3A_84, %dma_wait3A_85] : memref<10000x128xf32, #tpu.memory_space<hbm>> -> memref<10000x128xf32, #tpu.memory_space<hbm>>
      tpu.wait_indirect_dma semaphore(%arg11 : memref<!tpu.dma_semaphore, #tpu.memory_space<semaphore_mem>>) src(%dma_wait3A_86 : memref<10000x128xf32, #tpu.memory_space<hbm>>) dst(%arg8 : memref<128x128xf32, #tpu.memory_space<vmem>>)
      %run_scoped3A_87 = arith.constant 14 : i32
      "tpu.region"() ({
        %run_scoped3A_97 = tpu.sem_alloc : memref<!tpu.dma_semaphore, #tpu.memory_space<semaphore_mem>>
        %dma_start3A_98 = arith.constant 0 : i32
        %dma_start3A_99 = tpu.memref_slice %arg7[%select_n3A_53, %run_scoped3A_87, %dma_start3A_98] : memref<2x16x128xi32, #tpu.memory_space<vmem>> -> memref<1x1x128xi32, #tpu.memory_space<vmem>>
        %dma_start3A_100 = tpu.memref_squeeze %dma_start3A_99 : memref<1x1x128xi32, #tpu.memory_space<vmem>> -> memref<128xi32, #tpu.memory_space<vmem>>
        %dma_start3A_101 = arith.constant 0 : i32
        %dma_start3A_102 = arith.constant 0 : i32
        %dma_start3A_103 = tpu.memref_slice %arg10[%dma_start3A_101, %dma_start3A_102] : memref<10240x128xf32, #tpu.memory_space<vmem_shared>> -> memref<10240x128xf32, #tpu.memory_space<vmem_shared>>
        tpu.enqueue_indirect_dma source(%arg8 : memref<128x128xf32, #tpu.memory_space<vmem>>) target(%dma_start3A_103 : memref<10240x128xf32, #tpu.memory_space<vmem_shared>>) offsets(%dma_start3A_100 : memref<128xi32, #tpu.memory_space<vmem>>) semaphore(%run_scoped3A_97 : memref<!tpu.dma_semaphore, #tpu.memory_space<semaphore_mem>>) {add = true}
        %dma_wait3A_104 = arith.constant 0 : i32
        %dma_wait3A_105 = tpu.memref_slice %arg7[%select_n3A_53, %run_scoped3A_87, %dma_wait3A_104] : memref<2x16x128xi32, #tpu.memory_space<vmem>> -> memref<1x1x128xi32, #tpu.memory_space<vmem>>
        %dma_wait3A_106 = tpu.memref_squeeze %dma_wait3A_105 : memref<1x1x128xi32, #tpu.memory_space<vmem>> -> memref<128xi32, #tpu.memory_space<vmem>>
        %dma_wait3A_107 = arith.constant 0 : i32
        %dma_wait3A_108 = arith.constant 0 : i32
        %dma_wait3A_109 = tpu.memref_slice %arg10[%dma_wait3A_107, %dma_wait3A_108] : memref<10240x128xf32, #tpu.memory_space<vmem_shared>> -> memref<10240x128xf32, #tpu.memory_space<vmem_shared>>
        tpu.wait_indirect_dma semaphore(%run_scoped3A_97 : memref<!tpu.dma_semaphore, #tpu.memory_space<semaphore_mem>>) src(%arg8 : memref<128x128xf32, #tpu.memory_space<vmem>>) dst(%dma_wait3A_109 : memref<10240x128xf32, #tpu.memory_space<vmem_shared>>)
        tpu.yield
      }) : () -> ()
      %dma_wait3A_88 = arith.constant 15 : i32
      %dma_wait3A_89 = arith.constant 0 : i32
      %dma_wait3A_90 = tpu.memref_slice %arg6[%select_n3A_53, %dma_wait3A_88, %dma_wait3A_89] : memref<2x16x128xi32, #tpu.memory_space<vmem>> -> memref<1x1x128xi32, #tpu.memory_space<vmem>>
      %dma_wait3A_91 = tpu.memref_squeeze %dma_wait3A_90 : memref<1x1x128xi32, #tpu.memory_space<vmem>> -> memref<128xi32, #tpu.memory_space<vmem>>
      %dma_wait3A_92 = arith.constant 0 : i32
      %dma_wait3A_93 = arith.constant 0 : i32
      %dma_wait3A_94 = tpu.memref_slice %arg4[%dma_wait3A_92, %dma_wait3A_93] : memref<10000x128xf32, #tpu.memory_space<hbm>> -> memref<10000x128xf32, #tpu.memory_space<hbm>>
      tpu.wait_indirect_dma semaphore(%arg12 : memref<!tpu.dma_semaphore, #tpu.memory_space<semaphore_mem>>) src(%dma_wait3A_94 : memref<10000x128xf32, #tpu.memory_space<hbm>>) dst(%arg9 : memref<128x128xf32, #tpu.memory_space<vmem>>)
      %run_scoped3A_95 = arith.constant 15 : i32
      "tpu.region"() ({
        %run_scoped3A_97 = tpu.sem_alloc : memref<!tpu.dma_semaphore, #tpu.memory_space<semaphore_mem>>
        %dma_start3A_98 = arith.constant 0 : i32
        %dma_start3A_99 = tpu.memref_slice %arg7[%select_n3A_53, %run_scoped3A_95, %dma_start3A_98] : memref<2x16x128xi32, #tpu.memory_space<vmem>> -> memref<1x1x128xi32, #tpu.memory_space<vmem>>
        %dma_start3A_100 = tpu.memref_squeeze %dma_start3A_99 : memref<1x1x128xi32, #tpu.memory_space<vmem>> -> memref<128xi32, #tpu.memory_space<vmem>>
        %dma_start3A_101 = arith.constant 0 : i32
        %dma_start3A_102 = arith.constant 0 : i32
        %dma_start3A_103 = tpu.memref_slice %arg10[%dma_start3A_101, %dma_start3A_102] : memref<10240x128xf32, #tpu.memory_space<vmem_shared>> -> memref<10240x128xf32, #tpu.memory_space<vmem_shared>>
        tpu.enqueue_indirect_dma source(%arg9 : memref<128x128xf32, #tpu.memory_space<vmem>>) target(%dma_start3A_103 : memref<10240x128xf32, #tpu.memory_space<vmem_shared>>) offsets(%dma_start3A_100 : memref<128xi32, #tpu.memory_space<vmem>>) semaphore(%run_scoped3A_97 : memref<!tpu.dma_semaphore, #tpu.memory_space<semaphore_mem>>) {add = true}
        %dma_wait3A_104 = arith.constant 0 : i32
        %dma_wait3A_105 = tpu.memref_slice %arg7[%select_n3A_53, %run_scoped3A_95, %dma_wait3A_104] : memref<2x16x128xi32, #tpu.memory_space<vmem>> -> memref<1x1x128xi32, #tpu.memory_space<vmem>>
        %dma_wait3A_106 = tpu.memref_squeeze %dma_wait3A_105 : memref<1x1x128xi32, #tpu.memory_space<vmem>> -> memref<128xi32, #tpu.memory_space<vmem>>
        %dma_wait3A_107 = arith.constant 0 : i32
        %dma_wait3A_108 = arith.constant 0 : i32
        %dma_wait3A_109 = tpu.memref_slice %arg10[%dma_wait3A_107, %dma_wait3A_108] : memref<10240x128xf32, #tpu.memory_space<vmem_shared>> -> memref<10240x128xf32, #tpu.memory_space<vmem_shared>>
        tpu.wait_indirect_dma semaphore(%run_scoped3A_97 : memref<!tpu.dma_semaphore, #tpu.memory_space<semaphore_mem>>) src(%arg9 : memref<128x128xf32, #tpu.memory_space<vmem>>) dst(%dma_wait3A_109 : memref<10240x128xf32, #tpu.memory_space<vmem_shared>>)
        tpu.yield
      }) : () -> ()
      %while3A_96 = arith.constant 0 : i32
      scf.yield %while3A_96 : i32
    }
    %while3A_37 = arith.constant 1 : i32
    %while3A_38 = scf.for %while3A_40 = %while3A_34 to %while3A_30 step %while3A_37 iter_args(%while3A_41 = %while3A_36) -> (i32)  : i32 {
      %jit3A_42 = arith.constant 2 : i32
      %eq3A_43 = arith.constant 0 : i32
      %eq3A_44 = arith.cmpi eq, %jit3A_42, %eq3A_43 : i32
      %jit3A_45 = arith.constant 1 : i32
      %select_n3A_46 = arith.select %eq3A_44, %jit3A_45, %jit3A_42 : i32
      %rem3A = arith.remsi %while3A_40, %select_n3A_46 : i32
      %ne3A = arith.constant 0 : i32
      %ne3A_47 = arith.cmpi ne, %rem3A, %ne3A : i32
      %lt3A = arith.constant 0 : i32
      %lt3A_48 = arith.cmpi slt, %rem3A, %lt3A : i32
      %lt3A_49 = arith.constant 0 : i32
      %lt3A_50 = arith.cmpi slt, %select_n3A_46, %lt3A_49 : i32
      %ne3A_51 = arith.xori %lt3A_48, %lt3A_50 : i1
      %and3A = arith.andi %ne3A_51, %ne3A_47 : i1
      %add3A_52 = arith.addi %rem3A, %select_n3A_46 : i32
      %select_n3A_53 = arith.select %and3A, %add3A_52, %rem3A : i32
      %gt3A = arith.constant 0 : i32
      %gt3A_54 = arith.cmpi sgt, %while3A_40, %gt3A : i32
      %convert_element_type3A = arith.extui %gt3A_54 : i1 to i32
      %cond3A = arith.constant 0 : i32
      %cond3A_55 = arith.cmpi ne, %convert_element_type3A, %cond3A : i32
      scf.if %cond3A_55 {
        %mul3A_97 = arith.constant 16 : i32
        %mul3A_98 = arith.muli %while3A_40, %mul3A_97 : i32
        %add3A_99 = arith.addi %select_n3A_10, %mul3A_98 : i32
        %dma_wait3A_100 = arith.constant 0 : i32
        %dma_wait3A_101 = arith.constant 0 : i32
        %dma_wait3A_102 = tpu.memref_slice %arg6[%select_n3A_53, %dma_wait3A_100, %dma_wait3A_101] : memref<2x16x128xi32, #tpu.memory_space<vmem>> -> memref<1x16x128xi32, #tpu.memory_space<vmem>>
        %dma_wait3A_103 = tpu.memref_squeeze %dma_wait3A_102 : memref<1x16x128xi32, #tpu.memory_space<vmem>> -> memref<16x128xi32, #tpu.memory_space<vmem>>
        %dma_wait3A_104 = arith.constant 0 : i32
        %dma_wait3A_105 = tpu.memref_slice %arg2[%add3A_99, %dma_wait3A_104] : memref<2720x128xi32, #tpu.memory_space<hbm>> -> memref<16x128xi32, #tpu.memory_space<hbm>>
        %dma_wait3A_106 = arith.constant 0 : i32
        %dma_wait3A_107 = arith.constant 0 : i32
        %dma_wait3A_108 = tpu.memref_slice %arg6[%select_n3A_53, %dma_wait3A_106, %dma_wait3A_107] : memref<2x16x128xi32, #tpu.memory_space<vmem>> -> memref<1x16x128xi32, #tpu.memory_space<vmem>>
        %dma_wait3A_109 = tpu.memref_squeeze %dma_wait3A_108 : memref<1x16x128xi32, #tpu.memory_space<vmem>> -> memref<16x128xi32, #tpu.memory_space<vmem>>
        %dma_wait3A_110 = arith.constant 0 : i32
        %dma_wait3A_111 = tpu.memref_slice %arg2[%add3A_99, %dma_wait3A_110] : memref<2720x128xi32, #tpu.memory_space<hbm>> -> memref<16x128xi32, #tpu.memory_space<hbm>>
        tpu.wait_dma2 semaphore(%arg13 : memref<!tpu.dma_semaphore, #tpu.memory_space<semaphore_mem>>) src(%dma_wait3A_111 : memref<16x128xi32, #tpu.memory_space<hbm>>) dst(%dma_wait3A_109 : memref<16x128xi32, #tpu.memory_space<vmem>>)
        %mul3A_112 = arith.constant 16 : i32
        %mul3A_113 = arith.muli %while3A_40, %mul3A_112 : i32
        %add3A_114 = arith.addi %select_n3A_10, %mul3A_113 : i32
        %dma_wait3A_115 = arith.constant 0 : i32
        %dma_wait3A_116 = arith.constant 0 : i32
        %dma_wait3A_117 = tpu.memref_slice %arg7[%select_n3A_53, %dma_wait3A_115, %dma_wait3A_116] : memref<2x16x128xi32, #tpu.memory_space<vmem>> -> memref<1x16x128xi32, #tpu.memory_space<vmem>>
        %dma_wait3A_118 = tpu.memref_squeeze %dma_wait3A_117 : memref<1x16x128xi32, #tpu.memory_space<vmem>> -> memref<16x128xi32, #tpu.memory_space<vmem>>
        %dma_wait3A_119 = arith.constant 0 : i32
        %dma_wait3A_120 = tpu.memref_slice %arg3[%add3A_114, %dma_wait3A_119] : memref<2720x128xi32, #tpu.memory_space<hbm>> -> memref<16x128xi32, #tpu.memory_space<hbm>>
        %dma_wait3A_121 = arith.constant 0 : i32
        %dma_wait3A_122 = arith.constant 0 : i32
        %dma_wait3A_123 = tpu.memref_slice %arg7[%select_n3A_53, %dma_wait3A_121, %dma_wait3A_122] : memref<2x16x128xi32, #tpu.memory_space<vmem>> -> memref<1x16x128xi32, #tpu.memory_space<vmem>>
        %dma_wait3A_124 = tpu.memref_squeeze %dma_wait3A_123 : memref<1x16x128xi32, #tpu.memory_space<vmem>> -> memref<16x128xi32, #tpu.memory_space<vmem>>
        %dma_wait3A_125 = arith.constant 0 : i32
        %dma_wait3A_126 = tpu.memref_slice %arg3[%add3A_114, %dma_wait3A_125] : memref<2720x128xi32, #tpu.memory_space<hbm>> -> memref<16x128xi32, #tpu.memory_space<hbm>>
        tpu.wait_dma2 semaphore(%arg14 : memref<!tpu.dma_semaphore, #tpu.memory_space<semaphore_mem>>) src(%dma_wait3A_126 : memref<16x128xi32, #tpu.memory_space<hbm>>) dst(%dma_wait3A_124 : memref<16x128xi32, #tpu.memory_space<vmem>>)
      } else {
      }
      %sub3A = arith.constant 1 : i32
      %sub3A_56 = arith.subi %select_n3A, %sub3A : i32
      %lt3A_57 = arith.cmpi slt, %while3A_40, %sub3A_56 : i32
      %convert_element_type3A_58 = arith.extui %lt3A_57 : i1 to i32
      %cond3A_59 = arith.constant 0 : i32
      %cond3A_60 = arith.cmpi ne, %convert_element_type3A_58, %cond3A_59 : i32
      scf.if %cond3A_60 {
        %add3A_97 = arith.constant 1 : i32
        %add3A_98 = arith.addi %while3A_40, %add3A_97 : i32
        %mul3A_99 = arith.constant 16 : i32
        %mul3A_100 = arith.muli %add3A_98, %mul3A_99 : i32
        %add3A_101 = arith.addi %select_n3A_10, %mul3A_100 : i32
        %sub3A_102 = arith.constant 1 : i32
        %sub3A_103 = arith.subi %sub3A_102, %select_n3A_53 : i32
        %dma_start3A_104 = arith.constant 0 : i32
        %dma_start3A_105 = arith.constant 0 : i32
        %dma_start3A_106 = tpu.memref_slice %arg6[%sub3A_103, %dma_start3A_104, %dma_start3A_105] : memref<2x16x128xi32, #tpu.memory_space<vmem>> -> memref<1x16x128xi32, #tpu.memory_space<vmem>>
        %dma_start3A_107 = tpu.memref_squeeze %dma_start3A_106 : memref<1x16x128xi32, #tpu.memory_space<vmem>> -> memref<16x128xi32, #tpu.memory_space<vmem>>
        %dma_start3A_108 = arith.constant 0 : i32
        %dma_start3A_109 = tpu.memref_slice %arg2[%add3A_101, %dma_start3A_108] : memref<2720x128xi32, #tpu.memory_space<hbm>> -> memref<16x128xi32, #tpu.memory_space<hbm>>
        %dma_start3A_110 = arith.constant 0 : i32
        %dma_start3A_111 = arith.constant 0 : i32
        %dma_start3A_112 = tpu.memref_slice %arg6[%sub3A_103, %dma_start3A_110, %dma_start3A_111] : memref<2x16x128xi32, #tpu.memory_space<vmem>> -> memref<1x16x128xi32, #tpu.memory_space<vmem>>
        %dma_start3A_113 = tpu.memref_squeeze %dma_start3A_112 : memref<1x16x128xi32, #tpu.memory_space<vmem>> -> memref<16x128xi32, #tpu.memory_space<vmem>>
        %dma_start3A_114 = arith.constant 0 : i32
        %dma_start3A_115 = tpu.memref_slice %arg2[%add3A_101, %dma_start3A_114] : memref<2720x128xi32, #tpu.memory_space<hbm>> -> memref<16x128xi32, #tpu.memory_space<hbm>>
        tpu.enqueue_dma source(%dma_start3A_115 : memref<16x128xi32, #tpu.memory_space<hbm>>) target(%dma_start3A_113 : memref<16x128xi32, #tpu.memory_space<vmem>>) target_semaphore(%arg13 : memref<!tpu.dma_semaphore, #tpu.memory_space<semaphore_mem>>)
        %add3A_116 = arith.constant 1 : i32
        %add3A_117 = arith.addi %while3A_40, %add3A_116 : i32
        %mul3A_118 = arith.constant 16 : i32
        %mul3A_119 = arith.muli %add3A_117, %mul3A_118 : i32
        %add3A_120 = arith.addi %select_n3A_10, %mul3A_119 : i32
        %sub3A_121 = arith.constant 1 : i32
        %sub3A_122 = arith.subi %sub3A_121, %select_n3A_53 : i32
        %dma_start3A_123 = arith.constant 0 : i32
        %dma_start3A_124 = arith.constant 0 : i32
        %dma_start3A_125 = tpu.memref_slice %arg7[%sub3A_122, %dma_start3A_123, %dma_start3A_124] : memref<2x16x128xi32, #tpu.memory_space<vmem>> -> memref<1x16x128xi32, #tpu.memory_space<vmem>>
        %dma_start3A_126 = tpu.memref_squeeze %dma_start3A_125 : memref<1x16x128xi32, #tpu.memory_space<vmem>> -> memref<16x128xi32, #tpu.memory_space<vmem>>
        %dma_start3A_127 = arith.constant 0 : i32
        %dma_start3A_128 = tpu.memref_slice %arg3[%add3A_120, %dma_start3A_127] : memref<2720x128xi32, #tpu.memory_space<hbm>> -> memref<16x128xi32, #tpu.memory_space<hbm>>
        %dma_start3A_129 = arith.constant 0 : i32
        %dma_start3A_130 = arith.constant 0 : i32
        %dma_start3A_131 = tpu.memref_slice %arg7[%sub3A_122, %dma_start3A_129, %dma_start3A_130] : memref<2x16x128xi32, #tpu.memory_space<vmem>> -> memref<1x16x128xi32, #tpu.memory_space<vmem>>
        %dma_start3A_132 = tpu.memref_squeeze %dma_start3A_131 : memref<1x16x128xi32, #tpu.memory_space<vmem>> -> memref<16x128xi32, #tpu.memory_space<vmem>>
        %dma_start3A_133 = arith.constant 0 : i32
        %dma_start3A_134 = tpu.memref_slice %arg3[%add3A_120, %dma_start3A_133] : memref<2720x128xi32, #tpu.memory_space<hbm>> -> memref<16x128xi32, #tpu.memory_space<hbm>>
        tpu.enqueue_dma source(%dma_start3A_134 : memref<16x128xi32, #tpu.memory_space<hbm>>) target(%dma_start3A_132 : memref<16x128xi32, #tpu.memory_space<vmem>>) target_semaphore(%arg14 : memref<!tpu.dma_semaphore, #tpu.memory_space<semaphore_mem>>)
      } else {
      }
      %dma_start3A = arith.constant 0 : i32
      %dma_start3A_61 = arith.constant 0 : i32
      %dma_start3A_62 = tpu.memref_slice %arg6[%select_n3A_53, %dma_start3A, %dma_start3A_61] : memref<2x16x128xi32, #tpu.memory_space<vmem>> -> memref<1x1x128xi32, #tpu.memory_space<vmem>>
      %dma_start3A_63 = tpu.memref_squeeze %dma_start3A_62 : memref<1x1x128xi32, #tpu.memory_space<vmem>> -> memref<128xi32, #tpu.memory_space<vmem>>
      %dma_start3A_64 = arith.constant 0 : i32
      %dma_start3A_65 = arith.constant 0 : i32
      %dma_start3A_66 = tpu.memref_slice %arg4[%dma_start3A_64, %dma_start3A_65] : memref<10000x128xf32, #tpu.memory_space<hbm>> -> memref<10000x128xf32, #tpu.memory_space<hbm>>
      tpu.enqueue_indirect_dma source(%dma_start3A_66 : memref<10000x128xf32, #tpu.memory_space<hbm>>) target(%arg8 : memref<128x128xf32, #tpu.memory_space<vmem>>) offsets(%dma_start3A_63 : memref<128xi32, #tpu.memory_space<vmem>>) semaphore(%arg11 : memref<!tpu.dma_semaphore, #tpu.memory_space<semaphore_mem>>)
      %dma_start3A_67 = arith.constant 1 : i32
      %dma_start3A_68 = arith.constant 0 : i32
      %dma_start3A_69 = tpu.memref_slice %arg6[%select_n3A_53, %dma_start3A_67, %dma_start3A_68] : memref<2x16x128xi32, #tpu.memory_space<vmem>> -> memref<1x1x128xi32, #tpu.memory_space<vmem>>
      %dma_start3A_70 = tpu.memref_squeeze %dma_start3A_69 : memref<1x1x128xi32, #tpu.memory_space<vmem>> -> memref<128xi32, #tpu.memory_space<vmem>>
      %dma_start3A_71 = arith.constant 0 : i32
      %dma_start3A_72 = arith.constant 0 : i32
      %dma_start3A_73 = tpu.memref_slice %arg4[%dma_start3A_71, %dma_start3A_72] : memref<10000x128xf32, #tpu.memory_space<hbm>> -> memref<10000x128xf32, #tpu.memory_space<hbm>>
      tpu.enqueue_indirect_dma source(%dma_start3A_73 : memref<10000x128xf32, #tpu.memory_space<hbm>>) target(%arg9 : memref<128x128xf32, #tpu.memory_space<vmem>>) offsets(%dma_start3A_70 : memref<128xi32, #tpu.memory_space<vmem>>) semaphore(%arg12 : memref<!tpu.dma_semaphore, #tpu.memory_space<semaphore_mem>>)
      %scan3A_74 = arith.constant 0 : i32
      %scan3A_75 = arith.constant 0 : i32
      %scan3A_76 = arith.constant 7 : i32
      %scan3A_77 = arith.addi %scan3A_75, %scan3A_76 : i32
      %scan3A_78 = arith.constant 1 : i32
      %scan3A_79 = scf.for %scan3A_97 = %scan3A_75 to %scan3A_77 step %scan3A_78 iter_args(%scan3A_98 = %scan3A_74) -> (i32)  : i32 {
        %mul3A_99 = arith.constant 2 : i32
        %mul3A_100 = arith.muli %scan3A_97, %mul3A_99 : i32
        %add3A_101 = arith.constant 0 : i32
        %add3A_102 = arith.addi %mul3A_100, %add3A_101 : i32
        %dma_wait3A_103 = arith.constant 0 : i32
        %dma_wait3A_104 = tpu.memref_slice %arg6[%select_n3A_53, %add3A_102, %dma_wait3A_103] : memref<2x16x128xi32, #tpu.memory_space<vmem>> -> memref<1x1x128xi32, #tpu.memory_space<vmem>>
        %dma_wait3A_105 = tpu.memref_squeeze %dma_wait3A_104 : memref<1x1x128xi32, #tpu.memory_space<vmem>> -> memref<128xi32, #tpu.memory_space<vmem>>
        %dma_wait3A_106 = arith.constant 0 : i32
        %dma_wait3A_107 = arith.constant 0 : i32
        %dma_wait3A_108 = tpu.memref_slice %arg4[%dma_wait3A_106, %dma_wait3A_107] : memref<10000x128xf32, #tpu.memory_space<hbm>> -> memref<10000x128xf32, #tpu.memory_space<hbm>>
        tpu.wait_indirect_dma semaphore(%arg11 : memref<!tpu.dma_semaphore, #tpu.memory_space<semaphore_mem>>) src(%dma_wait3A_108 : memref<10000x128xf32, #tpu.memory_space<hbm>>) dst(%arg8 : memref<128x128xf32, #tpu.memory_space<vmem>>)
        "tpu.region"() ({
          %run_scoped3A_136 = tpu.sem_alloc : memref<!tpu.dma_semaphore, #tpu.memory_space<semaphore_mem>>
          %dma_start3A_137 = arith.constant 0 : i32
          %dma_start3A_138 = tpu.memref_slice %arg7[%select_n3A_53, %add3A_102, %dma_start3A_137] : memref<2x16x128xi32, #tpu.memory_space<vmem>> -> memref<1x1x128xi32, #tpu.memory_space<vmem>>
          %dma_start3A_139 = tpu.memref_squeeze %dma_start3A_138 : memref<1x1x128xi32, #tpu.memory_space<vmem>> -> memref<128xi32, #tpu.memory_space<vmem>>
          %dma_start3A_140 = arith.constant 0 : i32
          %dma_start3A_141 = arith.constant 0 : i32
          %dma_start3A_142 = tpu.memref_slice %arg10[%dma_start3A_140, %dma_start3A_141] : memref<10240x128xf32, #tpu.memory_space<vmem_shared>> -> memref<10240x128xf32, #tpu.memory_space<vmem_shared>>
          tpu.enqueue_indirect_dma source(%arg8 : memref<128x128xf32, #tpu.memory_space<vmem>>) target(%dma_start3A_142 : memref<10240x128xf32, #tpu.memory_space<vmem_shared>>) offsets(%dma_start3A_139 : memref<128xi32, #tpu.memory_space<vmem>>) semaphore(%run_scoped3A_136 : memref<!tpu.dma_semaphore, #tpu.memory_space<semaphore_mem>>) {add = true}
          %dma_wait3A_143 = arith.constant 0 : i32
          %dma_wait3A_144 = tpu.memref_slice %arg7[%select_n3A_53, %add3A_102, %dma_wait3A_143] : memref<2x16x128xi32, #tpu.memory_space<vmem>> -> memref<1x1x128xi32, #tpu.memory_space<vmem>>
          %dma_wait3A_145 = tpu.memref_squeeze %dma_wait3A_144 : memref<1x1x128xi32, #tpu.memory_space<vmem>> -> memref<128xi32, #tpu.memory_space<vmem>>
          %dma_wait3A_146 = arith.constant 0 : i32
          %dma_wait3A_147 = arith.constant 0 : i32
          %dma_wait3A_148 = tpu.memref_slice %arg10[%dma_wait3A_146, %dma_wait3A_147] : memref<10240x128xf32, #tpu.memory_space<vmem_shared>> -> memref<10240x128xf32, #tpu.memory_space<vmem_shared>>
          tpu.wait_indirect_dma semaphore(%run_scoped3A_136 : memref<!tpu.dma_semaphore, #tpu.memory_space<semaphore_mem>>) src(%arg8 : memref<128x128xf32, #tpu.memory_space<vmem>>) dst(%dma_wait3A_148 : memref<10240x128xf32, #tpu.memory_space<vmem_shared>>)
          tpu.yield
        }) : () -> ()
        %add3A_109 = arith.constant 2 : i32
        %add3A_110 = arith.addi %add3A_102, %add3A_109 : i32
        %dma_start3A_111 = arith.constant 0 : i32
        %dma_start3A_112 = tpu.memref_slice %arg6[%select_n3A_53, %add3A_110, %dma_start3A_111] : memref<2x16x128xi32, #tpu.memory_space<vmem>> -> memref<1x1x128xi32, #tpu.memory_space<vmem>>
        %dma_start3A_113 = tpu.memref_squeeze %dma_start3A_112 : memref<1x1x128xi32, #tpu.memory_space<vmem>> -> memref<128xi32, #tpu.memory_space<vmem>>
        %dma_start3A_114 = arith.constant 0 : i32
        %dma_start3A_115 = arith.constant 0 : i32
        %dma_start3A_116 = tpu.memref_slice %arg4[%dma_start3A_114, %dma_start3A_115] : memref<10000x128xf32, #tpu.memory_space<hbm>> -> memref<10000x128xf32, #tpu.memory_space<hbm>>
        tpu.enqueue_indirect_dma source(%dma_start3A_116 : memref<10000x128xf32, #tpu.memory_space<hbm>>) target(%arg8 : memref<128x128xf32, #tpu.memory_space<vmem>>) offsets(%dma_start3A_113 : memref<128xi32, #tpu.memory_space<vmem>>) semaphore(%arg11 : memref<!tpu.dma_semaphore, #tpu.memory_space<semaphore_mem>>)
        %mul3A_117 = arith.constant 2 : i32
        %mul3A_118 = arith.muli %scan3A_97, %mul3A_117 : i32
        %add3A_119 = arith.constant 1 : i32
        %add3A_120 = arith.addi %mul3A_118, %add3A_119 : i32
        %dma_wait3A_121 = arith.constant 0 : i32
        %dma_wait3A_122 = tpu.memref_slice %arg6[%select_n3A_53, %add3A_120, %dma_wait3A_121] : memref<2x16x128xi32, #tpu.memory_space<vmem>> -> memref<1x1x128xi32, #tpu.memory_space<vmem>>
        %dma_wait3A_123 = tpu.memref_squeeze %dma_wait3A_122 : memref<1x1x128xi32, #tpu.memory_space<vmem>> -> memref<128xi32, #tpu.memory_space<vmem>>
        %dma_wait3A_124 = arith.constant 0 : i32
        %dma_wait3A_125 = arith.constant 0 : i32
        %dma_wait3A_126 = tpu.memref_slice %arg4[%dma_wait3A_124, %dma_wait3A_125] : memref<10000x128xf32, #tpu.memory_space<hbm>> -> memref<10000x128xf32, #tpu.memory_space<hbm>>
        tpu.wait_indirect_dma semaphore(%arg12 : memref<!tpu.dma_semaphore, #tpu.memory_space<semaphore_mem>>) src(%dma_wait3A_126 : memref<10000x128xf32, #tpu.memory_space<hbm>>) dst(%arg9 : memref<128x128xf32, #tpu.memory_space<vmem>>)
        "tpu.region"() ({
          %run_scoped3A_136 = tpu.sem_alloc : memref<!tpu.dma_semaphore, #tpu.memory_space<semaphore_mem>>
          %dma_start3A_137 = arith.constant 0 : i32
          %dma_start3A_138 = tpu.memref_slice %arg7[%select_n3A_53, %add3A_120, %dma_start3A_137] : memref<2x16x128xi32, #tpu.memory_space<vmem>> -> memref<1x1x128xi32, #tpu.memory_space<vmem>>
          %dma_start3A_139 = tpu.memref_squeeze %dma_start3A_138 : memref<1x1x128xi32, #tpu.memory_space<vmem>> -> memref<128xi32, #tpu.memory_space<vmem>>
          %dma_start3A_140 = arith.constant 0 : i32
          %dma_start3A_141 = arith.constant 0 : i32
          %dma_start3A_142 = tpu.memref_slice %arg10[%dma_start3A_140, %dma_start3A_141] : memref<10240x128xf32, #tpu.memory_space<vmem_shared>> -> memref<10240x128xf32, #tpu.memory_space<vmem_shared>>
          tpu.enqueue_indirect_dma source(%arg9 : memref<128x128xf32, #tpu.memory_space<vmem>>) target(%dma_start3A_142 : memref<10240x128xf32, #tpu.memory_space<vmem_shared>>) offsets(%dma_start3A_139 : memref<128xi32, #tpu.memory_space<vmem>>) semaphore(%run_scoped3A_136 : memref<!tpu.dma_semaphore, #tpu.memory_space<semaphore_mem>>) {add = true}
          %dma_wait3A_143 = arith.constant 0 : i32
          %dma_wait3A_144 = tpu.memref_slice %arg7[%select_n3A_53, %add3A_120, %dma_wait3A_143] : memref<2x16x128xi32, #tpu.memory_space<vmem>> -> memref<1x1x128xi32, #tpu.memory_space<vmem>>
          %dma_wait3A_145 = tpu.memref_squeeze %dma_wait3A_144 : memref<1x1x128xi32, #tpu.memory_space<vmem>> -> memref<128xi32, #tpu.memory_space<vmem>>
          %dma_wait3A_146 = arith.constant 0 : i32
          %dma_wait3A_147 = arith.constant 0 : i32
          %dma_wait3A_148 = tpu.memref_slice %arg10[%dma_wait3A_146, %dma_wait3A_147] : memref<10240x128xf32, #tpu.memory_space<vmem_shared>> -> memref<10240x128xf32, #tpu.memory_space<vmem_shared>>
          tpu.wait_indirect_dma semaphore(%run_scoped3A_136 : memref<!tpu.dma_semaphore, #tpu.memory_space<semaphore_mem>>) src(%arg9 : memref<128x128xf32, #tpu.memory_space<vmem>>) dst(%dma_wait3A_148 : memref<10240x128xf32, #tpu.memory_space<vmem_shared>>)
          tpu.yield
        }) : () -> ()
        %add3A_127 = arith.constant 2 : i32
        %add3A_128 = arith.addi %add3A_120, %add3A_127 : i32
        %dma_start3A_129 = arith.constant 0 : i32
        %dma_start3A_130 = tpu.memref_slice %arg6[%select_n3A_53, %add3A_128, %dma_start3A_129] : memref<2x16x128xi32, #tpu.memory_space<vmem>> -> memref<1x1x128xi32, #tpu.memory_space<vmem>>
        %dma_start3A_131 = tpu.memref_squeeze %dma_start3A_130 : memref<1x1x128xi32, #tpu.memory_space<vmem>> -> memref<128xi32, #tpu.memory_space<vmem>>
        %dma_start3A_132 = arith.constant 0 : i32
        %dma_start3A_133 = arith.constant 0 : i32
        %dma_start3A_134 = tpu.memref_slice %arg4[%dma_start3A_132, %dma_start3A_133] : memref<10000x128xf32, #tpu.memory_space<hbm>> -> memref<10000x128xf32, #tpu.memory_space<hbm>>
        tpu.enqueue_indirect_dma source(%dma_start3A_134 : memref<10000x128xf32, #tpu.memory_space<hbm>>) target(%arg9 : memref<128x128xf32, #tpu.memory_space<vmem>>) offsets(%dma_start3A_131 : memref<128xi32, #tpu.memory_space<vmem>>) semaphore(%arg12 : memref<!tpu.dma_semaphore, #tpu.memory_space<semaphore_mem>>)
        %scan3A_135 = arith.constant 0 : i32
        scf.yield %scan3A_135 : i32
      }
      %scan3A_80 = arith.constant 7 : i32
      %dma_wait3A = arith.constant 14 : i32
      %dma_wait3A_81 = arith.constant 0 : i32
      %dma_wait3A_82 = tpu.memref_slice %arg6[%select_n3A_53, %dma_wait3A, %dma_wait3A_81] : memref<2x16x128xi32, #tpu.memory_space<vmem>> -> memref<1x1x128xi32, #tpu.memory_space<vmem>>
      %dma_wait3A_83 = tpu.memref_squeeze %dma_wait3A_82 : memref<1x1x128xi32, #tpu.memory_space<vmem>> -> memref<128xi32, #tpu.memory_space<vmem>>
      %dma_wait3A_84 = arith.constant 0 : i32
      %dma_wait3A_85 = arith.constant 0 : i32
      %dma_wait3A_86 = tpu.memref_slice %arg4[%dma_wait3A_84, %dma_wait3A_85] : memref<10000x128xf32, #tpu.memory_space<hbm>> -> memref<10000x128xf32, #tpu.memory_space<hbm>>
      tpu.wait_indirect_dma semaphore(%arg11 : memref<!tpu.dma_semaphore, #tpu.memory_space<semaphore_mem>>) src(%dma_wait3A_86 : memref<10000x128xf32, #tpu.memory_space<hbm>>) dst(%arg8 : memref<128x128xf32, #tpu.memory_space<vmem>>)
      %run_scoped3A_87 = arith.constant 14 : i32
      "tpu.region"() ({
        %run_scoped3A_97 = tpu.sem_alloc : memref<!tpu.dma_semaphore, #tpu.memory_space<semaphore_mem>>
        %dma_start3A_98 = arith.constant 0 : i32
        %dma_start3A_99 = tpu.memref_slice %arg7[%select_n3A_53, %run_scoped3A_87, %dma_start3A_98] : memref<2x16x128xi32, #tpu.memory_space<vmem>> -> memref<1x1x128xi32, #tpu.memory_space<vmem>>
        %dma_start3A_100 = tpu.memref_squeeze %dma_start3A_99 : memref<1x1x128xi32, #tpu.memory_space<vmem>> -> memref<128xi32, #tpu.memory_space<vmem>>
        %dma_start3A_101 = arith.constant 0 : i32
        %dma_start3A_102 = arith.constant 0 : i32
        %dma_start3A_103 = tpu.memref_slice %arg10[%dma_start3A_101, %dma_start3A_102] : memref<10240x128xf32, #tpu.memory_space<vmem_shared>> -> memref<10240x128xf32, #tpu.memory_space<vmem_shared>>
        tpu.enqueue_indirect_dma source(%arg8 : memref<128x128xf32, #tpu.memory_space<vmem>>) target(%dma_start3A_103 : memref<10240x128xf32, #tpu.memory_space<vmem_shared>>) offsets(%dma_start3A_100 : memref<128xi32, #tpu.memory_space<vmem>>) semaphore(%run_scoped3A_97 : memref<!tpu.dma_semaphore, #tpu.memory_space<semaphore_mem>>) {add = true}
        %dma_wait3A_104 = arith.constant 0 : i32
        %dma_wait3A_105 = tpu.memref_slice %arg7[%select_n3A_53, %run_scoped3A_87, %dma_wait3A_104] : memref<2x16x128xi32, #tpu.memory_space<vmem>> -> memref<1x1x128xi32, #tpu.memory_space<vmem>>
        %dma_wait3A_106 = tpu.memref_squeeze %dma_wait3A_105 : memref<1x1x128xi32, #tpu.memory_space<vmem>> -> memref<128xi32, #tpu.memory_space<vmem>>
        %dma_wait3A_107 = arith.constant 0 : i32
        %dma_wait3A_108 = arith.constant 0 : i32
        %dma_wait3A_109 = tpu.memref_slice %arg10[%dma_wait3A_107, %dma_wait3A_108] : memref<10240x128xf32, #tpu.memory_space<vmem_shared>> -> memref<10240x128xf32, #tpu.memory_space<vmem_shared>>
        tpu.wait_indirect_dma semaphore(%run_scoped3A_97 : memref<!tpu.dma_semaphore, #tpu.memory_space<semaphore_mem>>) src(%arg8 : memref<128x128xf32, #tpu.memory_space<vmem>>) dst(%dma_wait3A_109 : memref<10240x128xf32, #tpu.memory_space<vmem_shared>>)
        tpu.yield
      }) : () -> ()
      %dma_wait3A_88 = arith.constant 15 : i32
      %dma_wait3A_89 = arith.constant 0 : i32
      %dma_wait3A_90 = tpu.memref_slice %arg6[%select_n3A_53, %dma_wait3A_88, %dma_wait3A_89] : memref<2x16x128xi32, #tpu.memory_space<vmem>> -> memref<1x1x128xi32, #tpu.memory_space<vmem>>
      %dma_wait3A_91 = tpu.memref_squeeze %dma_wait3A_90 : memref<1x1x128xi32, #tpu.memory_space<vmem>> -> memref<128xi32, #tpu.memory_space<vmem>>
      %dma_wait3A_92 = arith.constant 0 : i32
      %dma_wait3A_93 = arith.constant 0 : i32
      %dma_wait3A_94 = tpu.memref_slice %arg4[%dma_wait3A_92, %dma_wait3A_93] : memref<10000x128xf32, #tpu.memory_space<hbm>> -> memref<10000x128xf32, #tpu.memory_space<hbm>>
      tpu.wait_indirect_dma semaphore(%arg12 : memref<!tpu.dma_semaphore, #tpu.memory_space<semaphore_mem>>) src(%dma_wait3A_94 : memref<10000x128xf32, #tpu.memory_space<hbm>>) dst(%arg9 : memref<128x128xf32, #tpu.memory_space<vmem>>)
      %run_scoped3A_95 = arith.constant 15 : i32
      "tpu.region"() ({
        %run_scoped3A_97 = tpu.sem_alloc : memref<!tpu.dma_semaphore, #tpu.memory_space<semaphore_mem>>
        %dma_start3A_98 = arith.constant 0 : i32
        %dma_start3A_99 = tpu.memref_slice %arg7[%select_n3A_53, %run_scoped3A_95, %dma_start3A_98] : memref<2x16x128xi32, #tpu.memory_space<vmem>> -> memref<1x1x128xi32, #tpu.memory_space<vmem>>
        %dma_start3A_100 = tpu.memref_squeeze %dma_start3A_99 : memref<1x1x128xi32, #tpu.memory_space<vmem>> -> memref<128xi32, #tpu.memory_space<vmem>>
        %dma_start3A_101 = arith.constant 0 : i32
        %dma_start3A_102 = arith.constant 0 : i32
        %dma_start3A_103 = tpu.memref_slice %arg10[%dma_start3A_101, %dma_start3A_102] : memref<10240x128xf32, #tpu.memory_space<vmem_shared>> -> memref<10240x128xf32, #tpu.memory_space<vmem_shared>>
        tpu.enqueue_indirect_dma source(%arg9 : memref<128x128xf32, #tpu.memory_space<vmem>>) target(%dma_start3A_103 : memref<10240x128xf32, #tpu.memory_space<vmem_shared>>) offsets(%dma_start3A_100 : memref<128xi32, #tpu.memory_space<vmem>>) semaphore(%run_scoped3A_97 : memref<!tpu.dma_semaphore, #tpu.memory_space<semaphore_mem>>) {add = true}
        %dma_wait3A_104 = arith.constant 0 : i32
        %dma_wait3A_105 = tpu.memref_slice %arg7[%select_n3A_53, %run_scoped3A_95, %dma_wait3A_104] : memref<2x16x128xi32, #tpu.memory_space<vmem>> -> memref<1x1x128xi32, #tpu.memory_space<vmem>>
        %dma_wait3A_106 = tpu.memref_squeeze %dma_wait3A_105 : memref<1x1x128xi32, #tpu.memory_space<vmem>> -> memref<128xi32, #tpu.memory_space<vmem>>
        %dma_wait3A_107 = arith.constant 0 : i32
        %dma_wait3A_108 = arith.constant 0 : i32
        %dma_wait3A_109 = tpu.memref_slice %arg10[%dma_wait3A_107, %dma_wait3A_108] : memref<10240x128xf32, #tpu.memory_space<vmem_shared>> -> memref<10240x128xf32, #tpu.memory_space<vmem_shared>>
        tpu.wait_indirect_dma semaphore(%run_scoped3A_97 : memref<!tpu.dma_semaphore, #tpu.memory_space<semaphore_mem>>) src(%arg9 : memref<128x128xf32, #tpu.memory_space<vmem>>) dst(%dma_wait3A_109 : memref<10240x128xf32, #tpu.memory_space<vmem_shared>>)
        tpu.yield
      }) : () -> ()
      %while3A_96 = arith.constant 0 : i32
      scf.yield %while3A_96 : i32
    }
    %barrier3A_39 = arith.constant 0 : index
    tpu.barrier barrier_id(%barrier3A_39)
    "tpu.region"() ({
      %run_scoped3A_40 = tpu.sem_alloc : memref<!tpu.dma_semaphore, #tpu.memory_space<semaphore_mem>>
      %dma_start3A = arith.constant 0 : i32
      %dma_start3A_41 = tpu.memref_slice %arg5[%arg0, %mul3A_0, %dma_start3A] : memref<2x10240x128xf32, #tpu.memory_space<hbm>> -> memref<1x640x128xf32, #tpu.memory_space<hbm>>
      %dma_start3A_42 = tpu.memref_squeeze %dma_start3A_41 : memref<1x640x128xf32, #tpu.memory_space<hbm>> -> memref<640x128xf32, #tpu.memory_space<hbm>>
      %dma_start3A_43 = arith.constant 0 : i32
      %dma_start3A_44 = tpu.memref_slice %arg10[%mul3A_0, %dma_start3A_43] : memref<10240x128xf32, #tpu.memory_space<vmem_shared>> -> memref<640x128xf32, #tpu.memory_space<vmem_shared>>
      tpu.enqueue_dma source(%dma_start3A_44 : memref<640x128xf32, #tpu.memory_space<vmem_shared>>) target(%dma_start3A_42 : memref<640x128xf32, #tpu.memory_space<hbm>>) target_semaphore(%run_scoped3A_40 : memref<!tpu.dma_semaphore, #tpu.memory_space<semaphore_mem>>)
      %dma_wait3A = arith.constant 0 : i32
      %dma_wait3A_45 = tpu.memref_slice %arg5[%arg0, %mul3A_0, %dma_wait3A] : memref<2x10240x128xf32, #tpu.memory_space<hbm>> -> memref<1x640x128xf32, #tpu.memory_space<hbm>>
      %dma_wait3A_46 = tpu.memref_squeeze %dma_wait3A_45 : memref<1x640x128xf32, #tpu.memory_space<hbm>> -> memref<640x128xf32, #tpu.memory_space<hbm>>
      %dma_wait3A_47 = arith.constant 0 : i32
      %dma_wait3A_48 = tpu.memref_slice %arg10[%mul3A_0, %dma_wait3A_47] : memref<10240x128xf32, #tpu.memory_space<vmem_shared>> -> memref<640x128xf32, #tpu.memory_space<vmem_shared>>
      tpu.wait_dma2 semaphore(%run_scoped3A_40 : memref<!tpu.dma_semaphore, #tpu.memory_space<semaphore_mem>>) src(%dma_wait3A_48 : memref<640x128xf32, #tpu.memory_space<vmem_shared>>) dst(%dma_wait3A_46 : memref<640x128xf32, #tpu.memory_space<hbm>>)
      tpu.yield
    }) : () -> ()
    return
  }
}

module attributes {stable_mosaic.version = 14 : i64} {
  func.func @_scale_body(%arg0: i32, %arg1: memref<400x2xf32, #tpu.memory_space<vmem>>, %arg2: memref<400x128xf32, #tpu.memory_space<vmem>>, %arg3: memref<400x1xf32, #tpu.memory_space<vmem>>, %arg4: memref<400x128xf32, #tpu.memory_space<vmem>>) attributes {dimension_semantics = [#tpu.dimension_semantics<arbitrary>], iteration_bounds = array<i64: 25>, scalar_prefetch = 0 : i64, scratch_operands = 0 : i64, tpu.core_type = #tpu.core_type<tc>, window_params = [{transform_indices = @transform_0, window_bounds = array<i64: 400, 2>}, {transform_indices = @transform_1, window_bounds = array<i64: 400, 128>}, {transform_indices = @transform_2, window_bounds = array<i64: 400, 1>}, {transform_indices = @transform_3, window_bounds = array<i64: 400, 128>}]} {
    %get3A = arith.constant 0 : index
    %get3A_0 = arith.constant 0 : index
    %get3A_1 = vector.load %arg1[%get3A, %get3A_0] : memref<400x2xf32, #tpu.memory_space<vmem>>, vector<400x1xf32>
    %get3A_2 = arith.constant 0 : index
    %get3A_3 = arith.constant 1 : index
    %get3A_4 = vector.load %arg1[%get3A_2, %get3A_3] : memref<400x2xf32, #tpu.memory_space<vmem>>, vector<400x1xf32>
    %add3A = arith.addf %get3A_1, %get3A_4 : vector<400x1xf32>
    %add3A_5 = arith.constant 1.000000e+00 : f32
    %add3A_6 = vector.broadcast %add3A_5 : f32 to vector<400x1xf32>
    %add3A_7 = arith.addf %add3A, %add3A_6 : vector<400x1xf32>
    %rsqrt3A = math.rsqrt %add3A_7 : vector<400x1xf32>
    %swap3A = arith.constant 0 : index
    %swap3A_8 = arith.constant 0 : index
    %swap3A_9 = vector.load %arg3[%swap3A, %swap3A_8] : memref<400x1xf32, #tpu.memory_space<vmem>>, vector<400x1xf32>
    tpu.vector_store %arg3[%swap3A, %swap3A_8], %rsqrt3A {strides = array<i32>} : memref<400x1xf32, #tpu.memory_space<vmem>>, vector<400x1xf32>,
    %get3A_10 = arith.constant 0 : index
    %get3A_11 = arith.constant 0 : index
    %get3A_12 = vector.load %arg2[%get3A_10, %get3A_11] : memref<400x128xf32, #tpu.memory_space<vmem>>, vector<400x128xf32>
    %mul3A = vector.broadcast %rsqrt3A : vector<400x1xf32> to vector<400x128xf32>
    %mul3A_13 = arith.mulf %get3A_12, %mul3A : vector<400x128xf32>
    %swap3A_14 = arith.constant 0 : index
    %swap3A_15 = arith.constant 0 : index
    %swap3A_16 = vector.load %arg4[%swap3A_14, %swap3A_15] : memref<400x128xf32, #tpu.memory_space<vmem>>, vector<400x128xf32>
    tpu.vector_store %arg4[%swap3A_14, %swap3A_15], %mul3A_13 {strides = array<i32>} : memref<400x128xf32, #tpu.memory_space<vmem>>, vector<400x128xf32>,
    return
  }
  func.func @transform_0(%arg0: i32) -> (i32, i32) {
    %c0_i32 = arith.constant 0 : i32
    %c0_i32_0 = arith.constant 0 : i32
    return %arg0, %c0_i32 : i32, i32
  }
  func.func @transform_1(%arg0: i32) -> (i32, i32) {
    %c0_i32 = arith.constant 0 : i32
    %c0_i32_0 = arith.constant 0 : i32
    return %arg0, %c0_i32 : i32, i32
  }
  func.func @transform_2(%arg0: i32) -> (i32, i32) {
    %c0_i32 = arith.constant 0 : i32
    %c0_i32_0 = arith.constant 0 : i32
    return %arg0, %c0_i32 : i32, i32
  }
  func.func @transform_3(%arg0: i32) -> (i32, i32) {
    %c0_i32 = arith.constant 0 : i32
    %c0_i32_0 = arith.constant 0 : i32
    return %arg0, %c0_i32 : i32, i32
  }
}

module attributes {stable_mosaic.version = 14 : i64} {
  func.func @_fused_body(%arg0: i32, %arg1: memref<2x400x128xf32, #tpu.memory_space<vmem>>, %arg2: memref<400x128xf32, #tpu.memory_space<vmem>>, %arg3: memref<400x1xf32, #tpu.memory_space<vmem>>, %arg4: memref<128x256xf32, #tpu.memory_space<vmem>>, %arg5: memref<1x256xf32, #tpu.memory_space<vmem>>, %arg6: memref<256x64xf32, #tpu.memory_space<vmem>>, %arg7: memref<400x128xf32, #tpu.memory_space<vmem>>) attributes {dimension_semantics = [#tpu.dimension_semantics<arbitrary>], iteration_bounds = array<i64: 25>, scalar_prefetch = 0 : i64, scratch_operands = 0 : i64, tpu.core_type = #tpu.core_type<tc>, window_params = [{transform_indices = @transform_0, window_bounds = array<i64: 2, 400, 128>}, {transform_indices = @transform_1, window_bounds = array<i64: 400, 128>}, {transform_indices = @transform_2, window_bounds = array<i64: 400, 1>}, {pipeline_mode = #tpu.pipeline_mode<synchronous>, transform_indices = @transform_3, window_bounds = array<i64: 128, 256>}, {pipeline_mode = #tpu.pipeline_mode<synchronous>, transform_indices = @transform_4, window_bounds = array<i64: 1, 256>}, {pipeline_mode = #tpu.pipeline_mode<synchronous>, transform_indices = @transform_5, window_bounds = array<i64: 256, 64>}, {transform_indices = @transform_6, window_bounds = array<i64: 400, 128>}]} {
    %get3A = arith.constant 0 : index
    %get3A_0 = arith.constant 0 : index
    %get3A_1 = vector.load %arg3[%get3A, %get3A_0] : memref<400x1xf32, #tpu.memory_space<vmem>>, vector<400x1xf32>
    %get3A_2 = arith.constant 0 : index
    %get3A_3 = arith.constant 0 : index
    %get3A_4 = arith.constant 0 : index
    %get3A_5 = vector.load %arg1[%get3A_2, %get3A_3, %get3A_4] : memref<2x400x128xf32, #tpu.memory_space<vmem>>, vector<1x400x128xf32>
    %get3A_6 = vector.shape_cast %get3A_5 : vector<1x400x128xf32> to vector<400x128xf32>
    %get3A_7 = arith.constant 1 : index
    %get3A_8 = arith.constant 0 : index
    %get3A_9 = arith.constant 0 : index
    %get3A_10 = vector.load %arg1[%get3A_7, %get3A_8, %get3A_9] : memref<2x400x128xf32, #tpu.memory_space<vmem>>, vector<1x400x128xf32>
    %get3A_11 = vector.shape_cast %get3A_10 : vector<1x400x128xf32> to vector<400x128xf32>
    %add3A = arith.addf %get3A_6, %get3A_11 : vector<400x128xf32>
    %get3A_12 = arith.constant 0 : index
    %get3A_13 = arith.constant 0 : index
    %get3A_14 = vector.load %arg2[%get3A_12, %get3A_13] : memref<400x128xf32, #tpu.memory_space<vmem>>, vector<400x128xf32>
    %add3A_15 = arith.addf %add3A, %get3A_14 : vector<400x128xf32>
    %mul3A = vector.broadcast %get3A_1 : vector<400x1xf32> to vector<400x128xf32>
    %mul3A_16 = arith.mulf %add3A_15, %mul3A : vector<400x128xf32>
    %get3A_17 = arith.constant 0 : index
    %get3A_18 = arith.constant 0 : index
    %get3A_19 = vector.load %arg4[%get3A_17, %get3A_18] : memref<128x256xf32, #tpu.memory_space<vmem>>, vector<128x256xf32>
    %dot_general3A = arith.constant dense<0.000000e+00> : vector<400x256xf32>
    %dot_general3A_20 = tpu.matmul %mul3A_16, %get3A_19, %dot_general3A {dimension_numbers = #tpu.dot_dimension_numbers<[1], [0], [0], [1], [0, 0, 1, 1], [], []>, transpose_lhs_hint = false} : vector<400x128xf32>, vector<128x256xf32>, vector<400x256xf32> -> vector<400x256xf32>
    %get3A_21 = arith.constant 0 : index
    %get3A_22 = arith.constant 0 : index
    %get3A_23 = vector.load %arg5[%get3A_21, %get3A_22] : memref<1x256xf32, #tpu.memory_space<vmem>>, vector<1x256xf32>
    %add3A_24 = vector.broadcast %get3A_23 : vector<1x256xf32> to vector<400x256xf32>
    %add3A_25 = arith.addf %dot_general3A_20, %add3A_24 : vector<400x256xf32>
    %max3A = arith.constant 0.000000e+00 : f32
    %max3A_26 = vector.broadcast %max3A : f32 to vector<400x256xf32>
    %max3A_27 = arith.maximumf %add3A_25, %max3A_26 : vector<400x256xf32>
    %mul3A_28 = vector.broadcast %get3A_1 : vector<400x1xf32> to vector<400x256xf32>
    %mul3A_29 = arith.mulf %max3A_27, %mul3A_28 : vector<400x256xf32>
    %get3A_30 = arith.constant 0 : index
    %get3A_31 = arith.constant 0 : index
    %get3A_32 = vector.load %arg6[%get3A_30, %get3A_31] : memref<256x64xf32, #tpu.memory_space<vmem>>, vector<256x64xf32>
    %dot_general3A_33 = arith.constant dense<0.000000e+00> : vector<400x64xf32>
    %dot_general3A_34 = tpu.matmul %mul3A_29, %get3A_32, %dot_general3A_33 {dimension_numbers = #tpu.dot_dimension_numbers<[1], [0], [0], [1], [0, 0, 1, 1], [], []>, transpose_lhs_hint = false} : vector<400x256xf32>, vector<256x64xf32>, vector<400x64xf32> -> vector<400x64xf32>
    %broadcast_in_dim3A = arith.constant 0.000000e+00 : f32
    %broadcast_in_dim3A_35 = vector.broadcast %broadcast_in_dim3A : f32 to vector<400x64xf32>
    %concatenate3A = tpu.concatenate %dot_general3A_34, %broadcast_in_dim3A_35 in 1 : vector<400x64xf32>, vector<400x64xf32> -> vector<400x128xf32>
    %swap3A = arith.constant 0 : index
    %swap3A_36 = arith.constant 0 : index
    %swap3A_37 = vector.load %arg7[%swap3A, %swap3A_36] : memref<400x128xf32, #tpu.memory_space<vmem>>, vector<400x128xf32>
    tpu.vector_store %arg7[%swap3A, %swap3A_36], %concatenate3A {strides = array<i32>} : memref<400x128xf32, #tpu.memory_space<vmem>>, vector<400x128xf32>,
    return
  }
  func.func @transform_0(%arg0: i32) -> (i32, i32, i32) {
    %c0_i32 = arith.constant 0 : i32
    %c0_i32_0 = arith.constant 0 : i32
    %c0_i32_1 = arith.constant 0 : i32
    return %c0_i32, %arg0, %c0_i32_0 : i32, i32, i32
  }
  func.func @transform_1(%arg0: i32) -> (i32, i32) {
    %c0_i32 = arith.constant 0 : i32
    %c0_i32_0 = arith.constant 0 : i32
    return %arg0, %c0_i32 : i32, i32
  }
  func.func @transform_2(%arg0: i32) -> (i32, i32) {
    %c0_i32 = arith.constant 0 : i32
    %c0_i32_0 = arith.constant 0 : i32
    return %arg0, %c0_i32 : i32, i32
  }
  func.func @transform_3(%arg0: i32) -> (i32, i32) {
    %c0_i32 = arith.constant 0 : i32
    %c0_i32_0 = arith.constant 0 : i32
    %c0_i32_1 = arith.constant 0 : i32
    return %c0_i32, %c0_i32_0 : i32, i32
  }
  func.func @transform_4(%arg0: i32) -> (i32, i32) {
    %c0_i32 = arith.constant 0 : i32
    %c0_i32_0 = arith.constant 0 : i32
    %c0_i32_1 = arith.constant 0 : i32
    return %c0_i32, %c0_i32_0 : i32, i32
  }
  func.func @transform_5(%arg0: i32) -> (i32, i32) {
    %c0_i32 = arith.constant 0 : i32
    %c0_i32_0 = arith.constant 0 : i32
    %c0_i32_1 = arith.constant 0 : i32
    return %c0_i32, %c0_i32_0 : i32, i32
  }
  func.func @transform_6(%arg0: i32) -> (i32, i32) {
    %c0_i32 = arith.constant 0 : i32
    %c0_i32_0 = arith.constant 0 : i32
    return %arg0, %c0_i32 : i32, i32
  }
}

module attributes {stable_mosaic.version = 14 : i64} {
  func.func @_logsmax_body(%arg0: i32, %arg1: memref<2x400x128xf32, #tpu.memory_space<vmem>>, %arg2: memref<400x128xf32, #tpu.memory_space<vmem>>, %arg3: memref<400x1xf32, #tpu.memory_space<vmem>>, %arg4: memref<1x64xf32, #tpu.memory_space<vmem>>, %arg5: memref<400x64xf32, #tpu.memory_space<vmem>>) attributes {dimension_semantics = [#tpu.dimension_semantics<arbitrary>], iteration_bounds = array<i64: 25>, scalar_prefetch = 0 : i64, scratch_operands = 0 : i64, tpu.core_type = #tpu.core_type<tc>, window_params = [{transform_indices = @transform_0, window_bounds = array<i64: 2, 400, 128>}, {transform_indices = @transform_1, window_bounds = array<i64: 400, 128>}, {transform_indices = @transform_2, window_bounds = array<i64: 400, 1>}, {pipeline_mode = #tpu.pipeline_mode<synchronous>, transform_indices = @transform_3, window_bounds = array<i64: 1, 64>}, {transform_indices = @transform_4, window_bounds = array<i64: 400, 64>}]} {
    %get3A = arith.constant 0 : index
    %get3A_0 = arith.constant 0 : index
    %get3A_1 = arith.constant 0 : index
    %get3A_2 = vector.load %arg1[%get3A, %get3A_0, %get3A_1] : memref<2x400x128xf32, #tpu.memory_space<vmem>>, vector<1x400x64xf32>
    %get3A_3 = vector.shape_cast %get3A_2 : vector<1x400x64xf32> to vector<400x64xf32>
    %get3A_4 = arith.constant 1 : index
    %get3A_5 = arith.constant 0 : index
    %get3A_6 = arith.constant 0 : index
    %get3A_7 = vector.load %arg1[%get3A_4, %get3A_5, %get3A_6] : memref<2x400x128xf32, #tpu.memory_space<vmem>>, vector<1x400x64xf32>
    %get3A_8 = vector.shape_cast %get3A_7 : vector<1x400x64xf32> to vector<400x64xf32>
    %add3A = arith.addf %get3A_3, %get3A_8 : vector<400x64xf32>
    %get3A_9 = arith.constant 0 : index
    %get3A_10 = arith.constant 0 : index
    %get3A_11 = vector.load %arg2[%get3A_9, %get3A_10] : memref<400x128xf32, #tpu.memory_space<vmem>>, vector<400x64xf32>
    %add3A_12 = arith.addf %add3A, %get3A_11 : vector<400x64xf32>
    %get3A_13 = arith.constant 0 : index
    %get3A_14 = arith.constant 0 : index
    %get3A_15 = vector.load %arg3[%get3A_13, %get3A_14] : memref<400x1xf32, #tpu.memory_space<vmem>>, vector<400x1xf32>
    %mul3A = vector.broadcast %get3A_15 : vector<400x1xf32> to vector<400x64xf32>
    %mul3A_16 = arith.mulf %add3A_12, %mul3A : vector<400x64xf32>
    %get3A_17 = arith.constant 0 : index
    %get3A_18 = arith.constant 0 : index
    %get3A_19 = vector.load %arg4[%get3A_17, %get3A_18] : memref<1x64xf32, #tpu.memory_space<vmem>>, vector<1x64xf32>
    %add3A_20 = vector.broadcast %get3A_19 : vector<1x64xf32> to vector<400x64xf32>
    %add3A_21 = arith.addf %mul3A_16, %add3A_20 : vector<400x64xf32>
    %reduce_max3A = arith.constant dense<0xFF800000> : vector<400xf32>
    %reduce_max3A_22 = vector.multi_reduction <maximumf>, %add3A_21, %reduce_max3A [1] : vector<400x64xf32> to vector<400xf32>
    %broadcast_in_dim3A = vector.shape_cast %reduce_max3A_22 : vector<400xf32> to vector<400x1xf32>
    %sub3A = vector.broadcast %broadcast_in_dim3A : vector<400x1xf32> to vector<400x64xf32>
    %sub3A_23 = arith.subf %add3A_21, %sub3A : vector<400x64xf32>
    %exp3A = math.exp %sub3A_23 : vector<400x64xf32>
    %sub3A_24 = vector.broadcast %broadcast_in_dim3A : vector<400x1xf32> to vector<400x64xf32>
    %sub3A_25 = arith.subf %add3A_21, %sub3A_24 : vector<400x64xf32>
    %reduce_sum3A = arith.constant dense<0.000000e+00> : vector<400xf32>
    %reduce_sum3A_26 = vector.multi_reduction <add>, %exp3A, %reduce_sum3A [1] : vector<400x64xf32> to vector<400xf32>
    %broadcast_in_dim3A_27 = vector.shape_cast %reduce_sum3A_26 : vector<400xf32> to vector<400x1xf32>
    %log3A = math.log %broadcast_in_dim3A_27 : vector<400x1xf32>
    %sub3A_28 = vector.broadcast %log3A : vector<400x1xf32> to vector<400x64xf32>
    %sub3A_29 = arith.subf %sub3A_25, %sub3A_28 : vector<400x64xf32>
    %swap3A = arith.constant 0 : index
    %swap3A_30 = arith.constant 0 : index
    %swap3A_31 = vector.load %arg5[%swap3A, %swap3A_30] : memref<400x64xf32, #tpu.memory_space<vmem>>, vector<400x64xf32>
    tpu.vector_store %arg5[%swap3A, %swap3A_30], %sub3A_29 {strides = array<i32>} : memref<400x64xf32, #tpu.memory_space<vmem>>, vector<400x64xf32>,
    return
  }
  func.func @transform_0(%arg0: i32) -> (i32, i32, i32) {
    %c0_i32 = arith.constant 0 : i32
    %c0_i32_0 = arith.constant 0 : i32
    %c0_i32_1 = arith.constant 0 : i32
    return %c0_i32, %arg0, %c0_i32_0 : i32, i32, i32
  }
  func.func @transform_1(%arg0: i32) -> (i32, i32) {
    %c0_i32 = arith.constant 0 : i32
    %c0_i32_0 = arith.constant 0 : i32
    return %arg0, %c0_i32 : i32, i32
  }
  func.func @transform_2(%arg0: i32) -> (i32, i32) {
    %c0_i32 = arith.constant 0 : i32
    %c0_i32_0 = arith.constant 0 : i32
    return %arg0, %c0_i32 : i32, i32
  }
  func.func @transform_3(%arg0: i32) -> (i32, i32) {
    %c0_i32 = arith.constant 0 : i32
    %c0_i32_0 = arith.constant 0 : i32
    %c0_i32_1 = arith.constant 0 : i32
    return %c0_i32, %c0_i32_0 : i32, i32
  }
  func.func @transform_4(%arg0: i32) -> (i32, i32) {
    %c0_i32 = arith.constant 0 : i32
    %c0_i32_0 = arith.constant 0 : i32
    return %arg0, %c0_i32 : i32, i32
  }
}

</mosaic_0001>

<sc_bundles>
// kernel: kernel.11.cloned.1.call-start
scs
__scs_entry_jumppad:
0x0: {  	(pc) =	sbr.rel $0x88, $3  }
0x1: {  	(tag) =	ssettag $0x0;
	lr =	simm.s32 $0x1  }
0x2: {  	[smem:$0x3F9B] =	sst lr;
	_ =	strace $0xD0000000  }
0x3: {  	_ = 	snop  }
0x4: {  	_ = 	snop  }
0x5: {  	_ = 	snop  }
0x6: {  	_ = 	snop  }
0x7: {  	_ = 	snop  }
__scs_overlays_trampoline_lowered:
0x8: {  	[smem:$0x3FAA] =	sst s0  }
0x9: {  	[smem:$0x3FAB] =	sst s1  }
0xa: {  	[smem:$0x3FAC] =	sst s2  }
0xb: {  	[smem:$0x3FAD] =	sst s3  }
0xc: {  	[smem:$0x3FAE] =	sst s4  }
0xd: {  	[smem:$0x3FAF] =	sst s5  }
0xe: {  	[smem:$0x3FB0] =	sst s6  }
0xf: {  	[smem:$0x3FB1] =	sst s7  }
0x10: {  	[smem:$0x3FB2] =	sst s8  }
0x11: {  	[smem:$0x3FB3] =	sst s9;
	s0 =	simm.s32 @!p0 $0x0  }
0x12: {  	s1 =	sld [smem:$0x3F99];
	s0 =	simm.s32 @p0 $0x1  }
0x13: {  	[smem:$0x3FB4] =	sst s0;
	s0 =	simm.s32 @!p1 $0x0  }
0x14: {  	s2 =	sld [smem:$0x3F98];
	s0 =	simm.s32 @p1 $0x1  }
0x15: {  	[smem:$0x3FB5] =	sst s0;
	s0 =	simm.s32 @!p2 $0x0  }
0x16: {  	s3 =	sld [smem:$0x3FDB];
	s0 =	simm.s32 @p2 $0x1  }
0x17: {  	s4 =	simm.s32 $0x1BF5;
	[smem:$0x3FB7] =	sst s0  }
0x18: {  	s0 =	sld [smem:$0x3F9A];
	_ =	swait.ge [sflag:s4], $0x0  }
0x19: {  	s7 =	sld [smem:$0x3F9B]  }
0x1a: {  	s8 =	sadd.s32 $0xFFFFE003, lr  }
0x1b: {  	s9 =	sadd.s32 $0xFFFFFEF7, lr;
	s5 =	simm.s32 $0xFFFFFFFF;
	p2 =	slt.u32 s8, $0xFFFFF086  }
0x1c: {  	p1 =	slt.u32 s9, $0xF7A;
	s5 =	simm.s32 @!p2 $0x0  }
0x1d: {  	s5 =	simm.s32 @p1 $0x1;
	p0 =	seq.s32 s7, s2  }
0x1e: {  	s7 =	smul.u32 @!p0 $0xF7A, s2;
	p2 =	seq.s32 @!p0 s5, $0x0  }
0x1f: {  	s9 =	smul.u32 $0xF7A, s1;
	s8 =	simm.s32 @!p0 $0x1BF5;
	p2 =	por !p2, p0  }
0x20: {  	[sflag:s8] =	ssyncset.s32 @!p0 $0xFFFFF086;
	s6 =	sadd.s32 @!p0 s3, s7;
	s7 =	simm.s32 @!p0 $0x108  }
0x21: {  	s3 =	sadd.s32 s3, s9;
	s6 =	sadd.s32 @!p0 $0x88, s6;
	s7 =	simm.s32 @p2 $0x1082  }
0x22: {  	[simem:s7], [sflag:s8] =	dma.local @!p0 [hbm:s6], $0xF7A  }
0x23: {  	s9 =	sor.u32 $0xD0000000, s2;
	s6 =	simm.s32 $0x108;
	_ =	swait.ge @!p0 [sflag:s8], $0x0  }
0x24: {  	s3 =	sadd.s32 $0x88, s3;
	s6 =	simm.s32 @!p1 $0x1082;
	[sflag:s4] =	ssyncset.s32 $0xFFFFF086  }
0x25: {  	[simem:s6], [sflag:s4] =	dma.local [hbm:s3], $0xF7A  }
0x26: {  	[smem:$0x3F9B] =	sst s1;
	(tag) =	ssettag s2;
	_ =	strace s9  }
0x27: {  	s1 =	sld [smem:$0x3FAB]  }
0x28: {  	s2 =	sld [smem:$0x3FAC]  }
0x29: {  	s4 =	sld [smem:$0x3FAE]  }
0x2a: {  	p0 =	seq.s32 s5, $0x0;
	s5 =	sld [smem:$0x3FAF]  }
0x2b: {  	s6 =	sld [smem:$0x3FB0]  }
0x2c: {  	s7 =	sld [smem:$0x3FB1]  }
0x2d: {  	s3 =	simm.s32 $0x108;
	s8 =	sld [smem:$0x3FB2]  }
0x2e: {  	s3 =	simm.s32 @!p0 $0x1082;
	s9 =	sld [smem:$0x3FB3]  }
0x2f: {  	lr =	sadd.s32 s0, s3;
	s0 =	sld [smem:$0x3FAA]  }
0x30: {  	s3 =	sld [smem:$0x3FAD]  }
0x31: {  	[smem:$0x3FB6] =	sst s10  }
0x32: {  	s10 =	sld [smem:$0x3FB4];
	_ =	sdelay $0x3  }
0x33: {  	p0 =	seq.s32 s10, $0x1;
	s10 =	sld [smem:$0x3FB6];
	_ =	sdelay $0x3  }
0x34: {  	[smem:$0x3FB6] =	sst s10  }
0x35: {  	s10 =	sld [smem:$0x3FB5];
	_ =	sdelay $0x3  }
0x36: {  	p1 =	seq.s32 s10, $0x1;
	s10 =	sld [smem:$0x3FB6];
	_ =	sdelay $0x3  }
0x37: {  	[smem:$0x3FB6] =	sst s10  }
0x38: {  	s10 =	sld [smem:$0x3FB7]  }
0x39: {  	_ = 	snop;
	(pc) =	sbr.ind lr, $3  }
0x3a: {  	_ = 	snop  }
0x3b: {  	_ = 	snop  }
0x3c: {  	p2 =	seq.s32 s10, $0x1;
	s10 =	sld [smem:$0x3FB6]  }
0x3d: {  	_ =	shalt  }
0x3e: {  	_ =	shalt  }
0x3f: {  	_ =	shalt  }
0x40: {  	_ =	shalt  }
0x41: {  	_ =	shalt  }
0x42: {  	_ =	shalt  }
0x43: {  	_ =	shalt  }
0x44: {  	_ =	shalt  }
0x45: {  	_ =	shalt  }
0x46: {  	_ =	shalt  }
0x47: {  	_ =	shalt  }
0x48: {  	_ =	shalt  }
0x49: {  	_ =	shalt  }
0x4a: {  	_ =	shalt  }
0x4b: {  	_ =	shalt  }
0x4c: {  	_ =	shalt  }
0x4d: {  	_ =	shalt  }
0x4e: {  	_ =	shalt  }
0x4f: {  	_ =	shalt  }
0x50: {  	_ =	shalt  }
0x51: {  	_ =	shalt  }
0x52: {  	_ =	shalt  }
0x53: {  	_ =	shalt  }
0x54: {  	_ =	shalt  }
0x55: {  	_ =	shalt  }
0x56: {  	_ =	shalt  }
0x57: {  	_ =	shalt  }
0x58: {  	_ =	shalt  }
0x59: {  	_ =	shalt  }
0x5a: {  	_ =	shalt  }
0x5b: {  	_ =	shalt  }
0x5c: {  	_ =	shalt  }
0x5d: {  	_ =	shalt  }
0x5e: {  	_ =	shalt  }
0x5f: {  	_ =	shalt  }
0x60: {  	_ =	shalt  }
0x61: {  	_ =	shalt  }
0x62: {  	_ =	shalt  }
0x63: {  	_ =	shalt  }
0x64: {  	_ =	shalt  }
0x65: {  	_ =	shalt  }
0x66: {  	_ =	shalt  }
0x67: {  	_ =	shalt  }
0x68: {  	_ =	shalt  }
0x69: {  	_ =	shalt  }
0x6a: {  	_ =	shalt  }
0x6b: {  	_ =	shalt  }
0x6c: {  	_ =	shalt  }
0x6d: {  	_ =	shalt  }
0x6e: {  	_ =	shalt  }
0x6f: {  	_ =	shalt  }
0x70: {  	_ =	shalt  }
0x71: {  	_ =	shalt  }
0x72: {  	_ =	shalt  }
0x73: {  	_ =	shalt  }
0x74: {  	_ =	shalt  }
0x75: {  	_ =	shalt  }
0x76: {  	_ =	shalt  }
0x77: {  	_ =	shalt  }
0x78: {  	_ =	shalt  }
0x79: {  	_ =	shalt  }
0x7a: {  	_ =	shalt  }
0x7b: {  	_ =	shalt  }
0x7c: {  	_ =	shalt  }
0x7d: {  	_ =	shalt  }
0x7e: {  	_ =	shalt  }
0x7f: {  	_ =	shalt  }
0x80: {  	_ =	shalt  }
0x81: {  	_ =	shalt  }
0x82: {  	_ =	shalt  }
0x83: {  	_ =	shalt  }
0x84: {  	_ =	shalt  }
0x85: {  	_ =	shalt  }
0x86: {  	_ =	shalt  }
0x87: {  	_ =	shalt  }
.Lfunc_end0:
.L_simem_size_0:
called_computation.1_lowered:
.L_overlay_start_0:
0x88: {  	s2 =	sld [smem:$0x3FD9]  }
0x89: {  	s3 =	sld [smem:$0x3FFE];
	_ =	sdelay $0x1  }
0x8a: {  	s1 =	srdreg.scid  }
0x8b: {  	s0 =	sand.u32 $0x1, s1  }
0x8c: {  	s17 =	sshll.u32 s0, $0xA;
	s2 =	sadd.s32 s3, s2  }
0x8d: {  	s2 =	sadd.s32 s2, s17  }
0x8e: {  	[smem:$0x3FC2] =	sst s2  }
0x8f: {  	_ = 	snop  }
0x90: {  	s2 =	sld [smem:$0x3FD0];
	(tm) =	ssettm $0x1  }
0x91: {  	s18 =	sld [smem:$0x3FFB];
	_ =	sdelay $0x3  }
0x92: {  	_ =	strace s18  }
0x93: {  	s3 =	sld [smem:$0x3FFC];
	_ =	sdelay $0x3  }
0x94: {  	_ =	strace s3  }
0x95: {  	s3 =	sld [smem:$0x3FFD];
	_ =	sdelay $0x3  }
0x96: {  	_ =	strace s3  }
0x97: {  	_ =	strace $0x8FFFFFFF  }
0x98: {  	s19 =	sld [smem:$0x3FDB];
	_ =	sdelay $0x1  }
0x99: {  	s4 =	simm.s32 $_scs_section_size  }
0x9a: {  	s5 =	simm.s32 $_size__tile_overlayer_lowered;
	s6 =	simm.s32 $_tile_overlayer_lowered  }
0x9b: {  	s22 =	simm.s32 $0x1BFF;
	s21 =	sshll.u32 s6, $0x1;
	s3 =	sadd.s32 s4, s19  }
0x9c: {  	s7 =	simm.s32 $0x0;
	s20 =	sshll.u32 s5, $0x1;
	s5 =	sadd.s32 s21, s3  }
0x9d: {  	[timem:s7], [sflag:s22] =	dma.local [hbm:s5], s20  }
0x9e: {  	_ =	swait.ge [sflag:s22], s20  }
0x9f: {  	s4 =	ssub.s32 $0x0, s20;
	[sflag:s22] =	ssyncset.done $0x0  }
0xa0: {  	[sflag:s22] =	ssyncadd.s32 s4;
	_ =	sdelay $0x1  }
0xa1: {  	s23 =	simm.s32 $0x1B8B  }
0xa2: {  	_ =	swait.ge [sflag:s23], $0x1  }
0xa3: {  	[sflag:s23] =	ssyncset.done $0x0  }
0xa4: {  	s25 =	simm.s32 $0x1B8E;
	s24 =	sld [smem:$0x3FFE];
	[sflag:s23] =	ssyncadd.s32 $0xFFFFFFFF  }
0xa5: {  	s26 =	simm.s32 $execute0_lowered;
	[smem:$0x3FD2] =	sst s25  }
0xa6: {  	s5 =	sshll.u32 s26, $0x1;
	_ =	strace $0x80000049;
	[dreg:$0x1] =	wrdreg $0xFFFFFFFF  }
0xa7: {  	s28 =	simm.s32 $_size_execute0_lowered;
	s3 =	sadd.s32 s3, s5;
	[dreg:$0x0] =	wrdreg $0x0  }
0xa8: {  	s5 =	sshll.u32 s28, $0x1;
	[dreg:$0x2] =	wrdreg s3  }
0xa9: {  	[dreg:$0x3] =	wrdreg s5  }
0xaa: {  	[dreg:$0x4] =	wrdreg $0xC0  }
0xab: {  	_ =	task [dreg:s7], $0x5FFFF  }
0xac: {  	[dreg:$0x1] =	wrdreg $0xFFFFFFFF  }
0xad: {  	[dreg:$0x0] =	wrdreg $0x60  }
0xae: {  	[dreg:$0x2] =	wrdreg s24  }
0xaf: {  	[dreg:$0x3] =	wrdreg s2  }
0xb0: {  	[dreg:$0x4] =	wrdreg $0xA0000  }
0xb1: {  	[dreg:$0x5] =	wrdreg $0x9  }
0xb2: {  	_ =	task.clear_ibuf [dreg:s7], $0x6FFFF;
	_ =	strace $0x90000049  }
0xb3: {  	s29 =	simm.s32 $0x9;
	_ =	strace $0x8000004B  }
0xb4: {  	_ =	swait.ge [sflag:s29], $0x1  }
0xb5: {  	[sflag:s29] =	ssyncadd.s32 $0xFFFFFFFF  }
0xb6: {  	_ =	strace $0x9000004B  }
0xb7: {  	_ =	sfence  }
0xb8: {  	s30 =	sld [smem:$0x0];
	_ =	sdelay $0x2  }
0xb9: {  	s31 =	sshll.u32 s1, $0xD;
	s1 =	sshrl.u32 s1, $0x2  }
0xba: {  	s3 =	sand.u32 $0x4000, s31;
	s1 =	sadd.s32 s1, s30  }
0xbb: {  	s0 =	sor.u32 s3, s0;
	s1 =	sshll.u32 s1, $0x11  }
0xbc: {  	s0 =	sor.u32 s1, s0  }
0xbd: {  	s0 =	sadd.s32 $0x8F2B, s0  }
0xbe: {  	[sflag:s0] =	ssyncadd.remote.s32 $0x1  }
0xbf: {  	_ =	sfence.sel $0xFFFF  }
0xc0: {  	[dreg:$0x0] =	wrdreg $0xFFFFFFFF;
	(pc) =	sbr.abs _section_cstart, $3  }
0xc1: {  	[dreg:$0x1] =	wrdreg $0xFFFFFFFF  }
0xc2: {  	_ =	task.clear_ibuf [dreg:s7], $0x2FFFF;
	_ =	strace $0x9FFFFFFF  }
0xc3: {  	(tm) =	ssettm $0x7FFFFFFF  }
tec
execute0_lowered:
.L_overlay_start_1:
0x0: {  	(tag) =	ssettag $0x1  }
0x1: {  	s5 =	rddreg [dreg:$0x0]  }
0x2: {  	s1 =	srdreg.scid;
	s7 =	rddreg [dreg:$0x1]  }
0x3: {  	s0 =	stileid.u32;
	s2 =	rddreg [dreg:$0x2]  }
0x4: {  	s3 =	simm.s32 $0x0;
	s13 =	simm.s32 $0xA;
	s17 =	simm.s32 $0x1000  }
0x5: {  	s19 =	simm.s32 $0x80;
	s20 =	simm.s32 $0x6000;
	s8 =	smul.u32 $0xA00, s0  }
0x6: {  	s21 =	simm.s32 $0x1;
	s22 =	simm.s32 $0x2;
	s6 =	smul.u32 $0x14000, s0  }
0x7: {  	s18 =	sand.u32 $0x1, s1;
	s1 =	rddreg [dreg:$0x3];
	s9 =	smul.u32 $0x50000, s0  }
0x8: {  	s23 =	simm.s32 $0x0;
	[smem:$0x7FF] =	sst s3;
	s4 =	smul.u32 $0x140000, s18  }
0x9: {  	p0 =	seq.s32 s18, $0x0;
	_ =	strace $0x8000004A;
	s29 =	ssub.s32 $0x2, s18  }
0xa: {  	s8 =	simm.s32 @!p0 $0xA000;
	s30 =	sshrl.u32 s29, $0x1;
	s9 =	sshrl.u32 s9, $0x2  }
0xb: {  	s13 =	simm.s32 @!p0 $0x0;
	p0 =	sne.s32 s18, $0x0;
	s18 =	simm.s32 $0x2000  }
0xc: {  	s4 =	sadd.s32 s6, s4;
	s15 =	sadd.s32 s8, s5;
	s14 =	ssub.s32 s29, s30  }
0xd: {  	s7 =	sadd.s32 s7, s8;
	s16 =	sadd.s32 $0xFFFFFFFF, s13;
	s31 =	smax.u32 s13, $0x1  }
0xe: {  	s6 =	sshrl.u32 s4, $0x3;
	s4 =	sadd.s32 $0xD000, s5;
	[dreg:$0x4] =	wrdreg s16  }
.Ltmp0:
0xf: {  	s13 =	smax.u32 s14, $0x1;
	s16 =	sshll.u32 s31, $0xB;
	(pc) =	sbr.rel .LBB2_1-.Ltmp0, $4  }
0x10: {  	s14 =	sadd.s32 $0x100, s7;
	s12 =	sadd.s32 s6, s5;
	s5 =	sadd.s32 s9, s2  }
0x11: {  	s6 =	sadd.s32 $0x2600, s15;
	s15 =	sadd.s32 $0x2700, s15;
	[dreg:$0x5] =	wrdreg s16  }
0x12: {  	s16 =	simm.s32 $0x5;
	s8 =	sadd.s32 $0x4000, s5;
	s9 =	sadd.s32 $0x8000, s5  }
0x13: {  	v0 =	vimm.f32 $0.0e+00;
	s10 =	sadd.s32 $0xC000, s5;
	s11 =	sadd.s32 $0x10000, s5;
	s12 =	sadd.s32 $0x34200, s12  }
.LBB2_5:
0x14: {  	s23 =	sadd.s32 $0x1, s23  }
0x15: {  	s24 =	sshll.u32 s0, $0x6;
	[bflag:$0x0] =	sbarrier.arrive $0xFFFF;
	p1 =	sne.s32 s23, s13  }
.Ltmp1:
0x16: {  	s25 =	sshrl.u32 s5, $0x3;
	s24 =	sor.u32 $0x1C05, s24;
	(pc) =	sbr.rel @!p1 .LBB2_6-.Ltmp1, $4  }
0x17: {  	[hbm:s12], [sflag:s24] =	dma.local [spmem:s25], $0x2800  }
0x18: {  	_ =	swait.ge [sflag:s16], $0x2800  }
0x19: {  	[sflag:s16] =	ssyncset.done $0x0  }
0x1a: {  	[sflag:s16] =	ssyncadd.s32 $0xFFFFD800  }
.LBB2_1:
0x1b: {  	[tilespmem:s3], [sflag:$0x5] =	stream.linear.gather [hbm4b:s6+s3], $0x800, $0x38;
	[tilespmem:$0x1E000] =	vst v63  }
0x1c: {  	_ =	swait.ge [sflag:s16], $0x800  }
0x1d: {  	[sflag:s16] =	ssyncset.done $0x0  }
0x1e: {  	[sflag:s16] =	ssyncadd.s32 $0xFFFFF800  }
0x1f: {  	[tilespmem:s17], [sflag:$0x5] =	stream.linear.gather [hbm4b:s7+s3], $0x800, $0x38;
	[tilespmem:$0x1E000] =	vst v63  }
0x20: {  	_ =	swait.ge [sflag:s16], $0x800  }
0x21: {  	[sflag:s16] =	ssyncset.done $0x0  }
0x22: {  	s24 =	simm.s32 $0x0;
	s25 =	simm.s32 $0x200;
	[sflag:s16] =	ssyncadd.s32 $0xFFFFF800  }
.LBB2_2:
0x23: {  	p1 =	sne.s32 s25, $0xFE00;
	[tilespmem:s24+$0x2070] =	vst v0  }
0x24: {  	[tilespmem:s24+$0x2000] =	vst v0  }
0x25: {  	[tilespmem:s24+$0x2010] =	vst v0  }
.Ltmp2:
0x26: {  	[tilespmem:s24+$0x2020] =	vst v0;
	(pc) =	sbr.rel @p1 .LBB2_2-.Ltmp2, $4  }
0x27: {  	[tilespmem:s24+$0x2030] =	vst v0  }
0x28: {  	[tilespmem:s24+$0x2040] =	vst v0  }
0x29: {  	[tilespmem:s24+$0x2050] =	vst v0  }
0x2a: {  	[tilespmem:s24+$0x2060] =	vst v0;
	s24 =	sshra.s32 s25, $0x2;
	s25 =	sadd.s32 $0x200, s25  }
0x2b: {  	[tilespmem:s24+$0x2070] =	vst v0  }
0x2c: {  	[tilespmem:s24+$0x2000] =	vst v0  }
0x2d: {  	[tilespmem:s24+$0x2010] =	vst v0  }
0x2e: {  	[tilespmem:s24+$0x2020] =	vst v0  }
0x2f: {  	[tilespmem:s24+$0x2030] =	vst v0  }
0x30: {  	[tilespmem:s24+$0x2040] =	vst v0  }
0x31: {  	[tilespmem:s24+$0x2050] =	vst v0  }
0x32: {  	[tilespmem:s24+$0x2060] =	vst v0  }
0x33: {  	[spmem:s5] =	stream.linear.scatter [tilespmem:s18], [sflag:$0x5], $0x4000, $0x38;
	[tilespmem:$0x1E000] =	vst v63  }
0x34: {  	_ =	swait.ge [sflag:s16], $0x4000  }
0x35: {  	[sflag:s16] =	ssyncset.done $0x0  }
0x36: {  	[sflag:s16] =	ssyncadd.s32 $0xFFFFC000  }
0x37: {  	[spmem:s8] =	stream.linear.scatter [tilespmem:s18], [sflag:$0x5], $0x4000, $0x38;
	[tilespmem:$0x1E000] =	vst v63  }
0x38: {  	_ =	swait.ge [sflag:s16], $0x4000  }
0x39: {  	[sflag:s16] =	ssyncset.done $0x0  }
0x3a: {  	[sflag:s16] =	ssyncadd.s32 $0xFFFFC000  }
0x3b: {  	[spmem:s9] =	stream.linear.scatter [tilespmem:s18], [sflag:$0x5], $0x4000, $0x38;
	[tilespmem:$0x1E000] =	vst v63  }
0x3c: {  	_ =	swait.ge [sflag:s16], $0x4000  }
0x3d: {  	[sflag:s16] =	ssyncset.done $0x0  }
0x3e: {  	[sflag:s16] =	ssyncadd.s32 $0xFFFFC000  }
0x3f: {  	[spmem:s10] =	stream.linear.scatter [tilespmem:s18], [sflag:$0x5], $0x4000, $0x38;
	[tilespmem:$0x1E000] =	vst v63  }
0x40: {  	_ =	swait.ge [sflag:s16], $0x4000  }
0x41: {  	[sflag:s16] =	ssyncset.done $0x0  }
0x42: {  	[sflag:s16] =	ssyncadd.s32 $0xFFFFC000  }
0x43: {  	[spmem:s11] =	stream.linear.scatter [tilespmem:s18], [sflag:$0x5], $0x4000, $0x38;
	[tilespmem:$0x1E000] =	vst v63  }
.Ltmp3:
0x44: {  	_ =	swait.ge [sflag:s16], $0x4000;
	(pc) =	sbr.rel @p0 .LBB2_5-.Ltmp3, $4  }
0x45: {  	[sflag:s16] =	ssyncset.done $0x0  }
0x46: {  	[sflag:s16] =	ssyncadd.s32 $0xFFFFC000  }
0x47: {  	s24 =	simm.s32 $0x0;
	[bflag:$0x0] =	sbarrier.arrive $0xFFFF  }
0x48: {  	s25 =	smov.u32 s15;
	s26 =	smov.u32 s14;
	s28 =	simm.s32 $0x0  }
.LBB2_4:
0x49: {  	p1 =	seq.s32 s24, $0x0  }
0x4a: {  	s29 =	simm.s32 @!p1 $0x3  }
0x4b: {  	_ =	swait.ge @!p1 [sflag:s29], $0x800  }
0x4c: {  	[sflag:s29] =	ssyncset.done @!p1 $0x0  }
0x4d: {  	s30 =	simm.s32 @!p1 $0x4;
	[sflag:s29] =	ssyncadd.s32 @!p1 $0xFFFFF800  }
0x4e: {  	_ =	swait.ge @!p1 [sflag:s30], $0x800  }
0x4f: {  	s31 =	rddreg [dreg:$0x4]  }
0x50: {  	s29 =	sand.u32 $0x800, s24;
	[sflag:s30] =	ssyncset.done @!p1 $0x0;
	p2 =	sge.s32 s28, s31  }
0x51: {  	[sflag:s30] =	ssyncadd.s32 @!p1 $0xFFFFF800;
	s30 =	sxor.u32 @!p2 $0x800, s29;
	s31 =	simm.s32 @!p2 $0x0  }
0x52: {  	[tilespmem:s30], [sflag:$0x3] =	stream.linear.gather @!p2 [hbm4b:s25+s31], $0x800, $0x38;
	[tilespmem:$0x1E000] =	vst v63  }
0x53: {  	s30 =	sor.u32 @!p2 $0x1000, s30  }
0x54: {  	[tilespmem:s30], [sflag:$0x4] =	stream.linear.gather @!p2 [hbm4b:s26+s31], $0x800, $0x38;
	[tilespmem:$0x1E000] =	vst v63  }
0x55: {  	_ = 	snop  }
0x56: {  	[tilespmem:s18], [sflag:$0x1] =	stream.indirect.gather [hbm4b:s4+s19], $0x80, s29, s19, $0xb8;
	[tilespmem:$0x1E000] =	vst v63  }
0x57: {  	s31 =	sadd.s32 $0x80, s29  }
0x58: {  	[tilespmem:s20], [sflag:$0x2] =	stream.indirect.gather [hbm4b:s4+s19], $0x80, s31, s19, $0xb8;
	[tilespmem:$0x1E000] =	vst v63  }
0x59: {  	_ =	swait.ge [sflag:s21], $0x4000  }
0x5a: {  	[sflag:s21] =	ssyncset.done $0x0  }
0x5b: {  	s31 =	sor.u32 $0x1000, s29;
	[sflag:s21] =	ssyncadd.s32 $0xFFFFC000  }
0x5c: {  	[spmem:s2] =	stream.indirect.scatter.add.f32 [tilespmem:s18], [sflag:$0x5], $0x80, s31, s19, $0xb8;
	[tilespmem:$0x1E000] =	vst v63  }
0x5d: {  	_ =	swait.ge [sflag:s16], $0x4000  }
0x5e: {  	[sflag:s16] =	ssyncset.done $0x0  }
0x5f: {  	s31 =	sadd.s32 $0x100, s29;
	[sflag:s16] =	ssyncadd.s32 $0xFFFFC000  }
0x60: {  	[tilespmem:s18], [sflag:$0x1] =	stream.indirect.gather [hbm4b:s4+s19], $0x80, s31, s19, $0xb8;
	[tilespmem:$0x1E000] =	vst v63  }
0x61: {  	_ =	swait.ge [sflag:s22], $0x4000  }
0x62: {  	[sflag:s22] =	ssyncset.done $0x0  }
0x63: {  	s31 =	sadd.s32 $0x1080, s29;
	[sflag:s22] =	ssyncadd.s32 $0xFFFFC000  }
0x64: {  	[spmem:s2] =	stream.indirect.scatter.add.f32 [tilespmem:s20], [sflag:$0x5], $0x80, s31, s19, $0xb8;
	[tilespmem:$0x1E000] =	vst v63  }
0x65: {  	_ =	swait.ge [sflag:s16], $0x4000  }
0x66: {  	[sflag:s16] =	ssyncset.done $0x0  }
0x67: {  	s31 =	sadd.s32 $0x180, s29;
	[sflag:s16] =	ssyncadd.s32 $0xFFFFC000  }
0x68: {  	[tilespmem:s20], [sflag:$0x2] =	stream.indirect.gather [hbm4b:s4+s19], $0x80, s31, s19, $0xb8;
	[tilespmem:$0x1E000] =	vst v63  }
0x69: {  	_ =	swait.ge [sflag:s21], $0x4000  }
0x6a: {  	[sflag:s21] =	ssyncset.done $0x0  }
0x6b: {  	s31 =	sadd.s32 $0x1100, s29;
	[sflag:s21] =	ssyncadd.s32 $0xFFFFC000  }
0x6c: {  	[spmem:s2] =	stream.indirect.scatter.add.f32 [tilespmem:s18], [sflag:$0x5], $0x80, s31, s19, $0xb8;
	[tilespmem:$0x1E000] =	vst v63  }
0x6d: {  	_ =	swait.ge [sflag:s16], $0x4000  }
0x6e: {  	[sflag:s16] =	ssyncset.done $0x0  }
0x6f: {  	s31 =	sadd.s32 $0x200, s29;
	[sflag:s16] =	ssyncadd.s32 $0xFFFFC000  }
0x70: {  	[tilespmem:s18], [sflag:$0x1] =	stream.indirect.gather [hbm4b:s4+s19], $0x80, s31, s19, $0xb8;
	[tilespmem:$0x1E000] =	vst v63  }
0x71: {  	_ =	swait.ge [sflag:s22], $0x4000  }
0x72: {  	[sflag:s22] =	ssyncset.done $0x0  }
0x73: {  	s31 =	sadd.s32 $0x1180, s29;
	[sflag:s22] =	ssyncadd.s32 $0xFFFFC000  }
0x74: {  	[spmem:s2] =	stream.indirect.scatter.add.f32 [tilespmem:s20], [sflag:$0x5], $0x80, s31, s19, $0xb8;
	[tilespmem:$0x1E000] =	vst v63  }
0x75: {  	_ =	swait.ge [sflag:s16], $0x4000  }
0x76: {  	[sflag:s16] =	ssyncset.done $0x0  }
0x77: {  	s31 =	sadd.s32 $0x280, s29;
	[sflag:s16] =	ssyncadd.s32 $0xFFFFC000  }
0x78: {  	[tilespmem:s20], [sflag:$0x2] =	stream.indirect.gather [hbm4b:s4+s19], $0x80, s31, s19, $0xb8;
	[tilespmem:$0x1E000] =	vst v63  }
0x79: {  	_ =	swait.ge [sflag:s21], $0x4000  }
0x7a: {  	[sflag:s21] =	ssyncset.done $0x0  }
0x7b: {  	s31 =	sadd.s32 $0x1200, s29;
	[sflag:s21] =	ssyncadd.s32 $0xFFFFC000  }
0x7c: {  	[spmem:s2] =	stream.indirect.scatter.add.f32 [tilespmem:s18], [sflag:$0x5], $0x80, s31, s19, $0xb8;
	[tilespmem:$0x1E000] =	vst v63  }
0x7d: {  	_ =	swait.ge [sflag:s16], $0x4000  }
0x7e: {  	[sflag:s16] =	ssyncset.done $0x0  }
0x7f: {  	s31 =	sadd.s32 $0x300, s29;
	[sflag:s16] =	ssyncadd.s32 $0xFFFFC000  }
0x80: {  	[tilespmem:s18], [sflag:$0x1] =	stream.indirect.gather [hbm4b:s4+s19], $0x80, s31, s19, $0xb8;
	[tilespmem:$0x1E000] =	vst v63  }
0x81: {  	_ =	swait.ge [sflag:s22], $0x4000  }
0x82: {  	[sflag:s22] =	ssyncset.done $0x0  }
0x83: {  	s31 =	sadd.s32 $0x1280, s29;
	[sflag:s22] =	ssyncadd.s32 $0xFFFFC000  }
0x84: {  	[spmem:s2] =	stream.indirect.scatter.add.f32 [tilespmem:s20], [sflag:$0x5], $0x80, s31, s19, $0xb8;
	[tilespmem:$0x1E000] =	vst v63  }
0x85: {  	_ =	swait.ge [sflag:s16], $0x4000  }
0x86: {  	[sflag:s16] =	ssyncset.done $0x0  }
0x87: {  	s31 =	sadd.s32 $0x380, s29;
	[sflag:s16] =	ssyncadd.s32 $0xFFFFC000  }
0x88: {  	[tilespmem:s20], [sflag:$0x2] =	stream.indirect.gather [hbm4b:s4+s19], $0x80, s31, s19, $0xb8;
	[tilespmem:$0x1E000] =	vst v63  }
0x89: {  	_ =	swait.ge [sflag:s21], $0x4000  }
0x8a: {  	[sflag:s21] =	ssyncset.done $0x0  }
0x8b: {  	s31 =	sadd.s32 $0x1300, s29;
	[sflag:s21] =	ssyncadd.s32 $0xFFFFC000  }
0x8c: {  	[spmem:s2] =	stream.indirect.scatter.add.f32 [tilespmem:s18], [sflag:$0x5], $0x80, s31, s19, $0xb8;
	[tilespmem:$0x1E000] =	vst v63  }
0x8d: {  	_ =	swait.ge [sflag:s16], $0x4000  }
0x8e: {  	[sflag:s16] =	ssyncset.done $0x0  }
0x8f: {  	s31 =	sadd.s32 $0x400, s29;
	[sflag:s16] =	ssyncadd.s32 $0xFFFFC000  }
0x90: {  	[tilespmem:s18], [sflag:$0x1] =	stream.indirect.gather [hbm4b:s4+s19], $0x80, s31, s19, $0xb8;
	[tilespmem:$0x1E000] =	vst v63  }
0x91: {  	_ =	swait.ge [sflag:s22], $0x4000  }
0x92: {  	[sflag:s22] =	ssyncset.done $0x0  }
0x93: {  	s31 =	sadd.s32 $0x1380, s29;
	[sflag:s22] =	ssyncadd.s32 $0xFFFFC000  }
0x94: {  	[spmem:s2] =	stream.indirect.scatter.add.f32 [tilespmem:s20], [sflag:$0x5], $0x80, s31, s19, $0xb8;
	[tilespmem:$0x1E000] =	vst v63  }
0x95: {  	_ =	swait.ge [sflag:s16], $0x4000  }
0x96: {  	[sflag:s16] =	ssyncset.done $0x0  }
0x97: {  	s31 =	sadd.s32 $0x480, s29;
	[sflag:s16] =	ssyncadd.s32 $0xFFFFC000  }
0x98: {  	[tilespmem:s20], [sflag:$0x2] =	stream.indirect.gather [hbm4b:s4+s19], $0x80, s31, s19, $0xb8;
	[tilespmem:$0x1E000] =	vst v63  }
0x99: {  	_ =	swait.ge [sflag:s21], $0x4000  }
0x9a: {  	[sflag:s21] =	ssyncset.done $0x0  }
0x9b: {  	s31 =	sadd.s32 $0x1400, s29;
	[sflag:s21] =	ssyncadd.s32 $0xFFFFC000  }
0x9c: {  	[spmem:s2] =	stream.indirect.scatter.add.f32 [tilespmem:s18], [sflag:$0x5], $0x80, s31, s19, $0xb8;
	[tilespmem:$0x1E000] =	vst v63  }
0x9d: {  	_ =	swait.ge [sflag:s16], $0x4000  }
0x9e: {  	[sflag:s16] =	ssyncset.done $0x0  }
0x9f: {  	s31 =	sadd.s32 $0x500, s29;
	[sflag:s16] =	ssyncadd.s32 $0xFFFFC000  }
0xa0: {  	[tilespmem:s18], [sflag:$0x1] =	stream.indirect.gather [hbm4b:s4+s19], $0x80, s31, s19, $0xb8;
	[tilespmem:$0x1E000] =	vst v63  }
0xa1: {  	_ =	swait.ge [sflag:s22], $0x4000  }
0xa2: {  	[sflag:s22] =	ssyncset.done $0x0  }
0xa3: {  	s31 =	sadd.s32 $0x1480, s29;
	[sflag:s22] =	ssyncadd.s32 $0xFFFFC000  }
0xa4: {  	[spmem:s2] =	stream.indirect.scatter.add.f32 [tilespmem:s20], [sflag:$0x5], $0x80, s31, s19, $0xb8;
	[tilespmem:$0x1E000] =	vst v63  }
0xa5: {  	_ =	swait.ge [sflag:s16], $0x4000  }
0xa6: {  	[sflag:s16] =	ssyncset.done $0x0  }
0xa7: {  	s31 =	sadd.s32 $0x580, s29;
	[sflag:s16] =	ssyncadd.s32 $0xFFFFC000  }
0xa8: {  	[tilespmem:s20], [sflag:$0x2] =	stream.indirect.gather [hbm4b:s4+s19], $0x80, s31, s19, $0xb8;
	[tilespmem:$0x1E000] =	vst v63  }
0xa9: {  	_ =	swait.ge [sflag:s21], $0x4000  }
0xaa: {  	[sflag:s21] =	ssyncset.done $0x0  }
0xab: {  	s31 =	sadd.s32 $0x1500, s29;
	[sflag:s21] =	ssyncadd.s32 $0xFFFFC000  }
0xac: {  	[spmem:s2] =	stream.indirect.scatter.add.f32 [tilespmem:s18], [sflag:$0x5], $0x80, s31, s19, $0xb8;
	[tilespmem:$0x1E000] =	vst v63  }
0xad: {  	_ =	swait.ge [sflag:s16], $0x4000  }
0xae: {  	[sflag:s16] =	ssyncset.done $0x0  }
0xaf: {  	s31 =	sadd.s32 $0x600, s29;
	[sflag:s16] =	ssyncadd.s32 $0xFFFFC000  }
0xb0: {  	[tilespmem:s18], [sflag:$0x1] =	stream.indirect.gather [hbm4b:s4+s19], $0x80, s31, s19, $0xb8;
	[tilespmem:$0x1E000] =	vst v63  }
0xb1: {  	_ =	swait.ge [sflag:s22], $0x4000  }
0xb2: {  	[sflag:s22] =	ssyncset.done $0x0  }
0xb3: {  	s31 =	sadd.s32 $0x1580, s29;
	[sflag:s22] =	ssyncadd.s32 $0xFFFFC000  }
0xb4: {  	[spmem:s2] =	stream.indirect.scatter.add.f32 [tilespmem:s20], [sflag:$0x5], $0x80, s31, s19, $0xb8;
	[tilespmem:$0x1E000] =	vst v63  }
0xb5: {  	_ =	swait.ge [sflag:s16], $0x4000  }
0xb6: {  	[sflag:s16] =	ssyncset.done $0x0  }
0xb7: {  	s31 =	sadd.s32 $0x680, s29;
	[sflag:s16] =	ssyncadd.s32 $0xFFFFC000  }
0xb8: {  	[tilespmem:s20], [sflag:$0x2] =	stream.indirect.gather [hbm4b:s4+s19], $0x80, s31, s19, $0xb8;
	[tilespmem:$0x1E000] =	vst v63  }
0xb9: {  	_ =	swait.ge [sflag:s21], $0x4000  }
0xba: {  	[sflag:s21] =	ssyncset.done $0x0  }
0xbb: {  	s31 =	sadd.s32 $0x1600, s29;
	[sflag:s21] =	ssyncadd.s32 $0xFFFFC000  }
0xbc: {  	[spmem:s2] =	stream.indirect.scatter.add.f32 [tilespmem:s18], [sflag:$0x5], $0x80, s31, s19, $0xb8;
	[tilespmem:$0x1E000] =	vst v63  }
0xbd: {  	_ =	swait.ge [sflag:s16], $0x4000  }
0xbe: {  	[sflag:s16] =	ssyncset.done $0x0  }
0xbf: {  	s31 =	sadd.s32 $0x700, s29;
	[sflag:s16] =	ssyncadd.s32 $0xFFFFC000  }
0xc0: {  	[tilespmem:s18], [sflag:$0x1] =	stream.indirect.gather [hbm4b:s4+s19], $0x80, s31, s19, $0xb8;
	[tilespmem:$0x1E000] =	vst v63  }
0xc1: {  	_ =	swait.ge [sflag:s22], $0x4000  }
0xc2: {  	[sflag:s22] =	ssyncset.done $0x0  }
0xc3: {  	s31 =	sadd.s32 $0x1680, s29;
	[sflag:s22] =	ssyncadd.s32 $0xFFFFC000  }
0xc4: {  	[spmem:s2] =	stream.indirect.scatter.add.f32 [tilespmem:s20], [sflag:$0x5], $0x80, s31, s19, $0xb8;
	[tilespmem:$0x1E000] =	vst v63  }
0xc5: {  	_ =	swait.ge [sflag:s16], $0x4000  }
0xc6: {  	[sflag:s16] =	ssyncset.done $0x0  }
0xc7: {  	s31 =	sadd.s32 $0x780, s29;
	[sflag:s16] =	ssyncadd.s32 $0xFFFFC000  }
0xc8: {  	[tilespmem:s20], [sflag:$0x2] =	stream.indirect.gather [hbm4b:s4+s19], $0x80, s31, s19, $0xb8;
	[tilespmem:$0x1E000] =	vst v63  }
0xc9: {  	_ =	swait.ge [sflag:s21], $0x4000  }
0xca: {  	[sflag:s21] =	ssyncset.done $0x0  }
0xcb: {  	s31 =	sadd.s32 $0x1700, s29;
	[sflag:s21] =	ssyncadd.s32 $0xFFFFC000  }
0xcc: {  	[spmem:s2] =	stream.indirect.scatter.add.f32 [tilespmem:s18], [sflag:$0x5], $0x80, s31, s19, $0xb8;
	[tilespmem:$0x1E000] =	vst v63  }
0xcd: {  	_ =	swait.ge [sflag:s16], $0x4000  }
0xce: {  	[sflag:s16] =	ssyncset.done $0x0  }
0xcf: {  	[sflag:s16] =	ssyncadd.s32 $0xFFFFC000  }
0xd0: {  	_ =	swait.ge [sflag:s22], $0x4000  }
0xd1: {  	[sflag:s22] =	ssyncset.done $0x0  }
0xd2: {  	s29 =	sadd.s32 $0x1780, s29;
	[sflag:s22] =	ssyncadd.s32 $0xFFFFC000  }
0xd3: {  	[spmem:s2] =	stream.indirect.scatter.add.f32 [tilespmem:s20], [sflag:$0x5], $0x80, s29, s19, $0xb8;
	[tilespmem:$0x1E000] =	vst v63  }
0xd4: {  	_ =	swait.ge [sflag:s16], $0x4000  }
0xd5: {  	s24 =	sadd.s32 $0x800, s24;
	s31 =	rddreg [dreg:$0x5]  }
0xd6: {  	p1 =	sne.s32 s31, s24  }
.Ltmp4:
0xd7: {  	_ = 	snop;
	(pc) =	sbr.rel @p1 .LBB2_4-.Ltmp4, $3  }
0xd8: {  	_ =	sdelay $0x1  }
0xd9: {  	s28 =	sadd.s32 $0x1, s28;
	[sflag:s16] =	ssyncset.done $0x0  }
0xda: {  	s25 =	sadd.s32 $0x100, s25;
	s26 =	sadd.s32 $0x100, s26;
	[sflag:s16] =	ssyncadd.s32 $0xFFFFC000  }
.Ltmp5:
0xdb: {  	_ = 	snop;
	(pc) =	sbr.rel .LBB2_5-.Ltmp5, $1  }
0xdc: {  	_ =	sdelay $0x3  }
.LBB2_6:
0xdd: {  	_ =	sfence.sel $0x180000  }
0xde: {  	[bflag:$0x0] =	sbarrier.arrive $0xFFFF  }
0xdf: {  	p0 =	sne.s32 s0, $0x0;
	_ =	strace $0x9000004A  }
0xe0: {  	s0 =	sadd.s32 @!p0 $0x100000, s1;
	[bflag:$0x2] =	sbarrier.arrive $0xFFFF  }
0xe1: {  	[sflag:s0] =	ssyncadd.tile.s32 @!p0 $0x1;
	_ =	shalt  }
.Lfunc_end2:
_tile_overlayer_lowered:
.L_overlay_start_2:
0xe2: {  	(tag) =	ssettag $0x2  }
0xe3: {  	s0 =	rddreg [dreg:$0x0];
	s2 =	stileid.u32  }
0xe4: {  	s1 =	rddreg [dreg:$0x1];
	p0 =	sne.s32 s2, $0x0  }
0xe5: {  	s3 =	rddreg [dreg:$0x2];
	[bflag:$0x3] =	sbarrier.arrive $0xFFFF;
	s2 =	simm.s32 @!p0 $0x1C05  }
0xe6: {  	[timem:s3], [sflag:s2] =	dma.local @!p0 [hbm:s0], s1  }
0xe7: {  	s0 =	simm.s32 @!p0 $0x5  }
0xe8: {  	_ =	swait.ge @!p0 [sflag:s0], s1  }
0xe9: {  	s1 =	ssub.s32 @!p0 $0x0, s1;
	[sflag:s0] =	ssyncset.done @!p0 $0x0  }
0xea: {  	[sflag:s0] =	ssyncadd.s32 @!p0 s1  }
0xeb: {  	[bflag:$0x3] =	sbarrier.arrive $0xFFFF  }
0xec: {  	_ =	shalt  }

// kernel: kernel.14.cloned.1.call-start
scs
__scs_entry_jumppad:
0x0: {  	(pc) =	sbr.rel $0x88, $3  }
0x1: {  	(tag) =	ssettag $0x0;
	lr =	simm.s32 $0x1  }
0x2: {  	[smem:$0x3F9B] =	sst lr;
	_ =	strace $0xD0000000  }
0x3: {  	_ = 	snop  }
0x4: {  	_ = 	snop  }
0x5: {  	_ = 	snop  }
0x6: {  	_ = 	snop  }
0x7: {  	_ = 	snop  }
__scs_overlays_trampoline_lowered:
0x8: {  	[smem:$0x3FAA] =	sst s0  }
0x9: {  	[smem:$0x3FAB] =	sst s1  }
0xa: {  	[smem:$0x3FAC] =	sst s2  }
0xb: {  	[smem:$0x3FAD] =	sst s3  }
0xc: {  	[smem:$0x3FAE] =	sst s4  }
0xd: {  	[smem:$0x3FAF] =	sst s5  }
0xe: {  	[smem:$0x3FB0] =	sst s6  }
0xf: {  	[smem:$0x3FB1] =	sst s7  }
0x10: {  	[smem:$0x3FB2] =	sst s8  }
0x11: {  	[smem:$0x3FB3] =	sst s9;
	s0 =	simm.s32 @!p0 $0x0  }
0x12: {  	s1 =	sld [smem:$0x3F99];
	s0 =	simm.s32 @p0 $0x1  }
0x13: {  	[smem:$0x3FB4] =	sst s0;
	s0 =	simm.s32 @!p1 $0x0  }
0x14: {  	s2 =	sld [smem:$0x3F98];
	s0 =	simm.s32 @p1 $0x1  }
0x15: {  	[smem:$0x3FB5] =	sst s0;
	s0 =	simm.s32 @!p2 $0x0  }
0x16: {  	s3 =	sld [smem:$0x3FDB];
	s0 =	simm.s32 @p2 $0x1  }
0x17: {  	s4 =	simm.s32 $0x1BF5;
	[smem:$0x3FB7] =	sst s0  }
0x18: {  	s0 =	sld [smem:$0x3F9A];
	_ =	swait.ge [sflag:s4], $0x0  }
0x19: {  	s7 =	sld [smem:$0x3F9B]  }
0x1a: {  	s8 =	sadd.s32 $0xFFFFE003, lr  }
0x1b: {  	s9 =	sadd.s32 $0xFFFFFEF7, lr;
	s5 =	simm.s32 $0xFFFFFFFF;
	p2 =	slt.u32 s8, $0xFFFFF086  }
0x1c: {  	p1 =	slt.u32 s9, $0xF7A;
	s5 =	simm.s32 @!p2 $0x0  }
0x1d: {  	s5 =	simm.s32 @p1 $0x1;
	p0 =	seq.s32 s7, s2  }
0x1e: {  	s7 =	smul.u32 @!p0 $0xF7A, s2;
	p2 =	seq.s32 @!p0 s5, $0x0  }
0x1f: {  	s9 =	smul.u32 $0xF7A, s1;
	s8 =	simm.s32 @!p0 $0x1BF5;
	p2 =	por !p2, p0  }
0x20: {  	[sflag:s8] =	ssyncset.s32 @!p0 $0xFFFFF086;
	s6 =	sadd.s32 @!p0 s3, s7;
	s7 =	simm.s32 @!p0 $0x108  }
0x21: {  	s3 =	sadd.s32 s3, s9;
	s6 =	sadd.s32 @!p0 $0x88, s6;
	s7 =	simm.s32 @p2 $0x1082  }
0x22: {  	[simem:s7], [sflag:s8] =	dma.local @!p0 [hbm:s6], $0xF7A  }
0x23: {  	s9 =	sor.u32 $0xD0000000, s2;
	s6 =	simm.s32 $0x108;
	_ =	swait.ge @!p0 [sflag:s8], $0x0  }
0x24: {  	s3 =	sadd.s32 $0x88, s3;
	s6 =	simm.s32 @!p1 $0x1082;
	[sflag:s4] =	ssyncset.s32 $0xFFFFF086  }
0x25: {  	[simem:s6], [sflag:s4] =	dma.local [hbm:s3], $0xF7A  }
0x26: {  	[smem:$0x3F9B] =	sst s1;
	(tag) =	ssettag s2;
	_ =	strace s9  }
0x27: {  	s1 =	sld [smem:$0x3FAB]  }
0x28: {  	s2 =	sld [smem:$0x3FAC]  }
0x29: {  	s4 =	sld [smem:$0x3FAE]  }
0x2a: {  	p0 =	seq.s32 s5, $0x0;
	s5 =	sld [smem:$0x3FAF]  }
0x2b: {  	s6 =	sld [smem:$0x3FB0]  }
0x2c: {  	s7 =	sld [smem:$0x3FB1]  }
0x2d: {  	s3 =	simm.s32 $0x108;
	s8 =	sld [smem:$0x3FB2]  }
0x2e: {  	s3 =	simm.s32 @!p0 $0x1082;
	s9 =	sld [smem:$0x3FB3]  }
0x2f: {  	lr =	sadd.s32 s0, s3;
	s0 =	sld [smem:$0x3FAA]  }
0x30: {  	s3 =	sld [smem:$0x3FAD]  }
0x31: {  	[smem:$0x3FB6] =	sst s10  }
0x32: {  	s10 =	sld [smem:$0x3FB4];
	_ =	sdelay $0x3  }
0x33: {  	p0 =	seq.s32 s10, $0x1;
	s10 =	sld [smem:$0x3FB6];
	_ =	sdelay $0x3  }
0x34: {  	[smem:$0x3FB6] =	sst s10  }
0x35: {  	s10 =	sld [smem:$0x3FB5];
	_ =	sdelay $0x3  }
0x36: {  	p1 =	seq.s32 s10, $0x1;
	s10 =	sld [smem:$0x3FB6];
	_ =	sdelay $0x3  }
0x37: {  	[smem:$0x3FB6] =	sst s10  }
0x38: {  	s10 =	sld [smem:$0x3FB7]  }
0x39: {  	_ = 	snop;
	(pc) =	sbr.ind lr, $3  }
0x3a: {  	_ = 	snop  }
0x3b: {  	_ = 	snop  }
0x3c: {  	p2 =	seq.s32 s10, $0x1;
	s10 =	sld [smem:$0x3FB6]  }
0x3d: {  	_ =	shalt  }
0x3e: {  	_ =	shalt  }
0x3f: {  	_ =	shalt  }
0x40: {  	_ =	shalt  }
0x41: {  	_ =	shalt  }
0x42: {  	_ =	shalt  }
0x43: {  	_ =	shalt  }
0x44: {  	_ =	shalt  }
0x45: {  	_ =	shalt  }
0x46: {  	_ =	shalt  }
0x47: {  	_ =	shalt  }
0x48: {  	_ =	shalt  }
0x49: {  	_ =	shalt  }
0x4a: {  	_ =	shalt  }
0x4b: {  	_ =	shalt  }
0x4c: {  	_ =	shalt  }
0x4d: {  	_ =	shalt  }
0x4e: {  	_ =	shalt  }
0x4f: {  	_ =	shalt  }
0x50: {  	_ =	shalt  }
0x51: {  	_ =	shalt  }
0x52: {  	_ =	shalt  }
0x53: {  	_ =	shalt  }
0x54: {  	_ =	shalt  }
0x55: {  	_ =	shalt  }
0x56: {  	_ =	shalt  }
0x57: {  	_ =	shalt  }
0x58: {  	_ =	shalt  }
0x59: {  	_ =	shalt  }
0x5a: {  	_ =	shalt  }
0x5b: {  	_ =	shalt  }
0x5c: {  	_ =	shalt  }
0x5d: {  	_ =	shalt  }
0x5e: {  	_ =	shalt  }
0x5f: {  	_ =	shalt  }
0x60: {  	_ =	shalt  }
0x61: {  	_ =	shalt  }
0x62: {  	_ =	shalt  }
0x63: {  	_ =	shalt  }
0x64: {  	_ =	shalt  }
0x65: {  	_ =	shalt  }
0x66: {  	_ =	shalt  }
0x67: {  	_ =	shalt  }
0x68: {  	_ =	shalt  }
0x69: {  	_ =	shalt  }
0x6a: {  	_ =	shalt  }
0x6b: {  	_ =	shalt  }
0x6c: {  	_ =	shalt  }
0x6d: {  	_ =	shalt  }
0x6e: {  	_ =	shalt  }
0x6f: {  	_ =	shalt  }
0x70: {  	_ =	shalt  }
0x71: {  	_ =	shalt  }
0x72: {  	_ =	shalt  }
0x73: {  	_ =	shalt  }
0x74: {  	_ =	shalt  }
0x75: {  	_ =	shalt  }
0x76: {  	_ =	shalt  }
0x77: {  	_ =	shalt  }
0x78: {  	_ =	shalt  }
0x79: {  	_ =	shalt  }
0x7a: {  	_ =	shalt  }
0x7b: {  	_ =	shalt  }
0x7c: {  	_ =	shalt  }
0x7d: {  	_ =	shalt  }
0x7e: {  	_ =	shalt  }
0x7f: {  	_ =	shalt  }
0x80: {  	_ =	shalt  }
0x81: {  	_ =	shalt  }
0x82: {  	_ =	shalt  }
0x83: {  	_ =	shalt  }
0x84: {  	_ =	shalt  }
0x85: {  	_ =	shalt  }
0x86: {  	_ =	shalt  }
0x87: {  	_ =	shalt  }
.Lfunc_end0:
.L_simem_size_0:
called_computation.2_lowered:
.L_overlay_start_0:
0x88: {  	s2 =	sld [smem:$0x3FD9]  }
0x89: {  	s3 =	sld [smem:$0x3FFE];
	_ =	sdelay $0x1  }
0x8a: {  	s1 =	srdreg.scid  }
0x8b: {  	s0 =	sand.u32 $0x1, s1  }
0x8c: {  	s17 =	sshll.u32 s0, $0xA;
	s2 =	sadd.s32 s3, s2  }
0x8d: {  	s2 =	sadd.s32 s2, s17  }
0x8e: {  	[smem:$0x3FC2] =	sst s2  }
0x8f: {  	_ = 	snop  }
0x90: {  	s2 =	sld [smem:$0x3FD0];
	(tm) =	ssettm $0x1  }
0x91: {  	s18 =	sld [smem:$0x3FFB];
	_ =	sdelay $0x3  }
0x92: {  	_ =	strace s18  }
0x93: {  	s3 =	sld [smem:$0x3FFC];
	_ =	sdelay $0x3  }
0x94: {  	_ =	strace s3  }
0x95: {  	s3 =	sld [smem:$0x3FFD];
	_ =	sdelay $0x3  }
0x96: {  	_ =	strace s3  }
0x97: {  	_ =	strace $0x8FFFFFFF  }
0x98: {  	s19 =	sld [smem:$0x3FDB];
	_ =	sdelay $0x1  }
0x99: {  	s4 =	simm.s32 $_scs_section_size  }
0x9a: {  	s5 =	simm.s32 $_size__tile_overlayer_lowered;
	s6 =	simm.s32 $_tile_overlayer_lowered  }
0x9b: {  	s22 =	simm.s32 $0x1BFF;
	s21 =	sshll.u32 s6, $0x1;
	s3 =	sadd.s32 s4, s19  }
0x9c: {  	s7 =	simm.s32 $0x0;
	s20 =	sshll.u32 s5, $0x1;
	s5 =	sadd.s32 s21, s3  }
0x9d: {  	[timem:s7], [sflag:s22] =	dma.local [hbm:s5], s20  }
0x9e: {  	_ =	swait.ge [sflag:s22], s20  }
0x9f: {  	s4 =	ssub.s32 $0x0, s20;
	[sflag:s22] =	ssyncset.done $0x0  }
0xa0: {  	[sflag:s22] =	ssyncadd.s32 s4;
	_ =	sdelay $0x1  }
0xa1: {  	s23 =	simm.s32 $0x1B8B  }
0xa2: {  	_ =	swait.ge [sflag:s23], $0x1  }
0xa3: {  	[sflag:s23] =	ssyncset.done $0x0  }
0xa4: {  	s25 =	simm.s32 $0x1B8E;
	s24 =	sld [smem:$0x3FFE];
	[sflag:s23] =	ssyncadd.s32 $0xFFFFFFFF  }
0xa5: {  	s26 =	simm.s32 $execute0_lowered;
	[smem:$0x3FD2] =	sst s25  }
0xa6: {  	s5 =	sshll.u32 s26, $0x1;
	_ =	strace $0x8000004C;
	[dreg:$0x1] =	wrdreg $0xFFFFFFFF  }
0xa7: {  	s28 =	simm.s32 $_size_execute0_lowered;
	s3 =	sadd.s32 s3, s5;
	[dreg:$0x0] =	wrdreg $0x0  }
0xa8: {  	s5 =	sshll.u32 s28, $0x1;
	[dreg:$0x2] =	wrdreg s3  }
0xa9: {  	[dreg:$0x3] =	wrdreg s5  }
0xaa: {  	[dreg:$0x4] =	wrdreg $0xC0  }
0xab: {  	_ =	task [dreg:s7], $0x5FFFF  }
0xac: {  	[dreg:$0x1] =	wrdreg $0xFFFFFFFF  }
0xad: {  	[dreg:$0x0] =	wrdreg $0x60  }
0xae: {  	[dreg:$0x2] =	wrdreg s24  }
0xaf: {  	[dreg:$0x3] =	wrdreg s2  }
0xb0: {  	[dreg:$0x4] =	wrdreg $0xA0000  }
0xb1: {  	[dreg:$0x5] =	wrdreg $0x9  }
0xb2: {  	_ =	task.clear_ibuf [dreg:s7], $0x6FFFF;
	_ =	strace $0x9000004C  }
0xb3: {  	s29 =	simm.s32 $0x9;
	_ =	strace $0x8000004E  }
0xb4: {  	_ =	swait.ge [sflag:s29], $0x1  }
0xb5: {  	[sflag:s29] =	ssyncadd.s32 $0xFFFFFFFF  }
0xb6: {  	_ =	strace $0x9000004E  }
0xb7: {  	_ =	sfence  }
0xb8: {  	s30 =	sld [smem:$0x0];
	_ =	sdelay $0x2  }
0xb9: {  	s31 =	sshll.u32 s1, $0xD;
	s1 =	sshrl.u32 s1, $0x2  }
0xba: {  	s3 =	sand.u32 $0x4000, s31;
	s1 =	sadd.s32 s1, s30  }
0xbb: {  	s0 =	sor.u32 s3, s0;
	s1 =	sshll.u32 s1, $0x11  }
0xbc: {  	s0 =	sor.u32 s1, s0  }
0xbd: {  	s0 =	sadd.s32 $0x8F2B, s0  }
0xbe: {  	[sflag:s0] =	ssyncadd.remote.s32 $0x1  }
0xbf: {  	_ =	sfence.sel $0xFFFF  }
0xc0: {  	[dreg:$0x0] =	wrdreg $0xFFFFFFFF;
	(pc) =	sbr.abs _section_cstart, $3  }
0xc1: {  	[dreg:$0x1] =	wrdreg $0xFFFFFFFF  }
0xc2: {  	_ =	task.clear_ibuf [dreg:s7], $0x2FFFF;
	_ =	strace $0x9FFFFFFF  }
0xc3: {  	(tm) =	ssettm $0x7FFFFFFF  }
tec
execute0_lowered:
.L_overlay_start_1:
0x0: {  	(tag) =	ssettag $0x1  }
0x1: {  	s5 =	rddreg [dreg:$0x0]  }
0x2: {  	s1 =	srdreg.scid;
	s7 =	rddreg [dreg:$0x1]  }
0x3: {  	s0 =	stileid.u32;
	s2 =	rddreg [dreg:$0x2]  }
0x4: {  	s3 =	simm.s32 $0x0;
	s13 =	simm.s32 $0xA;
	s17 =	simm.s32 $0x1000  }
0x5: {  	s19 =	simm.s32 $0x80;
	s20 =	simm.s32 $0x6000;
	s8 =	smul.u32 $0xA00, s0  }
0x6: {  	s21 =	simm.s32 $0x1;
	s22 =	simm.s32 $0x2;
	s6 =	smul.u32 $0x14000, s0  }
0x7: {  	s18 =	sand.u32 $0x1, s1;
	s1 =	rddreg [dreg:$0x3];
	s9 =	smul.u32 $0x50000, s0  }
0x8: {  	s23 =	simm.s32 $0x0;
	[smem:$0x7FF] =	sst s3;
	s4 =	smul.u32 $0x140000, s18  }
0x9: {  	p0 =	seq.s32 s18, $0x0;
	_ =	strace $0x8000004D;
	s29 =	ssub.s32 $0x2, s18  }
0xa: {  	s8 =	simm.s32 @!p0 $0xA000;
	s30 =	sshrl.u32 s29, $0x1;
	s9 =	sshrl.u32 s9, $0x2  }
0xb: {  	s13 =	simm.s32 @!p0 $0x0;
	p0 =	sne.s32 s18, $0x0;
	s18 =	simm.s32 $0x2000  }
0xc: {  	s4 =	sadd.s32 s6, s4;
	s15 =	sadd.s32 s8, s5;
	s14 =	ssub.s32 s29, s30  }
0xd: {  	s7 =	sadd.s32 s7, s8;
	s16 =	sadd.s32 $0xFFFFFFFF, s13;
	s31 =	smax.u32 s13, $0x1  }
0xe: {  	s6 =	sshrl.u32 s4, $0x3;
	s4 =	sadd.s32 $0xD000, s5;
	[dreg:$0x4] =	wrdreg s16  }
.Ltmp0:
0xf: {  	s13 =	smax.u32 s14, $0x1;
	s16 =	sshll.u32 s31, $0xB;
	(pc) =	sbr.rel .LBB2_1-.Ltmp0, $4  }
0x10: {  	s14 =	sadd.s32 $0x100, s7;
	s12 =	sadd.s32 s6, s5;
	s5 =	sadd.s32 s9, s2  }
0x11: {  	s6 =	sadd.s32 $0x2600, s15;
	s15 =	sadd.s32 $0x2700, s15;
	[dreg:$0x5] =	wrdreg s16  }
0x12: {  	s16 =	simm.s32 $0x5;
	s8 =	sadd.s32 $0x4000, s5;
	s9 =	sadd.s32 $0x8000, s5  }
0x13: {  	v0 =	vimm.f32 $0.0e+00;
	s10 =	sadd.s32 $0xC000, s5;
	s11 =	sadd.s32 $0x10000, s5;
	s12 =	sadd.s32 $0x34200, s12  }
.LBB2_5:
0x14: {  	s23 =	sadd.s32 $0x1, s23  }
0x15: {  	s24 =	sshll.u32 s0, $0x6;
	[bflag:$0x0] =	sbarrier.arrive $0xFFFF;
	p1 =	sne.s32 s23, s13  }
.Ltmp1:
0x16: {  	s25 =	sshrl.u32 s5, $0x3;
	s24 =	sor.u32 $0x1C05, s24;
	(pc) =	sbr.rel @!p1 .LBB2_6-.Ltmp1, $4  }
0x17: {  	[hbm:s12], [sflag:s24] =	dma.local [spmem:s25], $0x2800  }
0x18: {  	_ =	swait.ge [sflag:s16], $0x2800  }
0x19: {  	[sflag:s16] =	ssyncset.done $0x0  }
0x1a: {  	[sflag:s16] =	ssyncadd.s32 $0xFFFFD800  }
.LBB2_1:
0x1b: {  	[tilespmem:s3], [sflag:$0x5] =	stream.linear.gather [hbm4b:s6+s3], $0x800, $0x38;
	[tilespmem:$0x1E000] =	vst v63  }
0x1c: {  	_ =	swait.ge [sflag:s16], $0x800  }
0x1d: {  	[sflag:s16] =	ssyncset.done $0x0  }
0x1e: {  	[sflag:s16] =	ssyncadd.s32 $0xFFFFF800  }
0x1f: {  	[tilespmem:s17], [sflag:$0x5] =	stream.linear.gather [hbm4b:s7+s3], $0x800, $0x38;
	[tilespmem:$0x1E000] =	vst v63  }
0x20: {  	_ =	swait.ge [sflag:s16], $0x800  }
0x21: {  	[sflag:s16] =	ssyncset.done $0x0  }
0x22: {  	s24 =	simm.s32 $0x0;
	s25 =	simm.s32 $0x200;
	[sflag:s16] =	ssyncadd.s32 $0xFFFFF800  }
.LBB2_2:
0x23: {  	p1 =	sne.s32 s25, $0xFE00;
	[tilespmem:s24+$0x2070] =	vst v0  }
0x24: {  	[tilespmem:s24+$0x2000] =	vst v0  }
0x25: {  	[tilespmem:s24+$0x2010] =	vst v0  }
.Ltmp2:
0x26: {  	[tilespmem:s24+$0x2020] =	vst v0;
	(pc) =	sbr.rel @p1 .LBB2_2-.Ltmp2, $4  }
0x27: {  	[tilespmem:s24+$0x2030] =	vst v0  }
0x28: {  	[tilespmem:s24+$0x2040] =	vst v0  }
0x29: {  	[tilespmem:s24+$0x2050] =	vst v0  }
0x2a: {  	[tilespmem:s24+$0x2060] =	vst v0;
	s24 =	sshra.s32 s25, $0x2;
	s25 =	sadd.s32 $0x200, s25  }
0x2b: {  	[tilespmem:s24+$0x2070] =	vst v0  }
0x2c: {  	[tilespmem:s24+$0x2000] =	vst v0  }
0x2d: {  	[tilespmem:s24+$0x2010] =	vst v0  }
0x2e: {  	[tilespmem:s24+$0x2020] =	vst v0  }
0x2f: {  	[tilespmem:s24+$0x2030] =	vst v0  }
0x30: {  	[tilespmem:s24+$0x2040] =	vst v0  }
0x31: {  	[tilespmem:s24+$0x2050] =	vst v0  }
0x32: {  	[tilespmem:s24+$0x2060] =	vst v0  }
0x33: {  	[spmem:s5] =	stream.linear.scatter [tilespmem:s18], [sflag:$0x5], $0x4000, $0x38;
	[tilespmem:$0x1E000] =	vst v63  }
0x34: {  	_ =	swait.ge [sflag:s16], $0x4000  }
0x35: {  	[sflag:s16] =	ssyncset.done $0x0  }
0x36: {  	[sflag:s16] =	ssyncadd.s32 $0xFFFFC000  }
0x37: {  	[spmem:s8] =	stream.linear.scatter [tilespmem:s18], [sflag:$0x5], $0x4000, $0x38;
	[tilespmem:$0x1E000] =	vst v63  }
0x38: {  	_ =	swait.ge [sflag:s16], $0x4000  }
0x39: {  	[sflag:s16] =	ssyncset.done $0x0  }
0x3a: {  	[sflag:s16] =	ssyncadd.s32 $0xFFFFC000  }
0x3b: {  	[spmem:s9] =	stream.linear.scatter [tilespmem:s18], [sflag:$0x5], $0x4000, $0x38;
	[tilespmem:$0x1E000] =	vst v63  }
0x3c: {  	_ =	swait.ge [sflag:s16], $0x4000  }
0x3d: {  	[sflag:s16] =	ssyncset.done $0x0  }
0x3e: {  	[sflag:s16] =	ssyncadd.s32 $0xFFFFC000  }
0x3f: {  	[spmem:s10] =	stream.linear.scatter [tilespmem:s18], [sflag:$0x5], $0x4000, $0x38;
	[tilespmem:$0x1E000] =	vst v63  }
0x40: {  	_ =	swait.ge [sflag:s16], $0x4000  }
0x41: {  	[sflag:s16] =	ssyncset.done $0x0  }
0x42: {  	[sflag:s16] =	ssyncadd.s32 $0xFFFFC000  }
0x43: {  	[spmem:s11] =	stream.linear.scatter [tilespmem:s18], [sflag:$0x5], $0x4000, $0x38;
	[tilespmem:$0x1E000] =	vst v63  }
.Ltmp3:
0x44: {  	_ =	swait.ge [sflag:s16], $0x4000;
	(pc) =	sbr.rel @p0 .LBB2_5-.Ltmp3, $4  }
0x45: {  	[sflag:s16] =	ssyncset.done $0x0  }
0x46: {  	[sflag:s16] =	ssyncadd.s32 $0xFFFFC000  }
0x47: {  	s24 =	simm.s32 $0x0;
	[bflag:$0x0] =	sbarrier.arrive $0xFFFF  }
0x48: {  	s25 =	smov.u32 s15;
	s26 =	smov.u32 s14;
	s28 =	simm.s32 $0x0  }
.LBB2_4:
0x49: {  	p1 =	seq.s32 s24, $0x0  }
0x4a: {  	s29 =	simm.s32 @!p1 $0x3  }
0x4b: {  	_ =	swait.ge @!p1 [sflag:s29], $0x800  }
0x4c: {  	[sflag:s29] =	ssyncset.done @!p1 $0x0  }
0x4d: {  	s30 =	simm.s32 @!p1 $0x4;
	[sflag:s29] =	ssyncadd.s32 @!p1 $0xFFFFF800  }
0x4e: {  	_ =	swait.ge @!p1 [sflag:s30], $0x800  }
0x4f: {  	s31 =	rddreg [dreg:$0x4]  }
0x50: {  	s29 =	sand.u32 $0x800, s24;
	[sflag:s30] =	ssyncset.done @!p1 $0x0;
	p2 =	sge.s32 s28, s31  }
0x51: {  	[sflag:s30] =	ssyncadd.s32 @!p1 $0xFFFFF800;
	s30 =	sxor.u32 @!p2 $0x800, s29;
	s31 =	simm.s32 @!p2 $0x0  }
0x52: {  	[tilespmem:s30], [sflag:$0x3] =	stream.linear.gather @!p2 [hbm4b:s25+s31], $0x800, $0x38;
	[tilespmem:$0x1E000] =	vst v63  }
0x53: {  	s30 =	sor.u32 @!p2 $0x1000, s30  }
0x54: {  	[tilespmem:s30], [sflag:$0x4] =	stream.linear.gather @!p2 [hbm4b:s26+s31], $0x800, $0x38;
	[tilespmem:$0x1E000] =	vst v63  }
0x55: {  	_ = 	snop  }
0x56: {  	[tilespmem:s18], [sflag:$0x1] =	stream.indirect.gather [hbm4b:s4+s19], $0x80, s29, s19, $0xb8;
	[tilespmem:$0x1E000] =	vst v63  }
0x57: {  	s31 =	sadd.s32 $0x80, s29  }
0x58: {  	[tilespmem:s20], [sflag:$0x2] =	stream.indirect.gather [hbm4b:s4+s19], $0x80, s31, s19, $0xb8;
	[tilespmem:$0x1E000] =	vst v63  }
0x59: {  	_ =	swait.ge [sflag:s21], $0x4000  }
0x5a: {  	[sflag:s21] =	ssyncset.done $0x0  }
0x5b: {  	s31 =	sor.u32 $0x1000, s29;
	[sflag:s21] =	ssyncadd.s32 $0xFFFFC000  }
0x5c: {  	[spmem:s2] =	stream.indirect.scatter.add.f32 [tilespmem:s18], [sflag:$0x5], $0x80, s31, s19, $0xb8;
	[tilespmem:$0x1E000] =	vst v63  }
0x5d: {  	_ =	swait.ge [sflag:s16], $0x4000  }
0x5e: {  	[sflag:s16] =	ssyncset.done $0x0  }
0x5f: {  	s31 =	sadd.s32 $0x100, s29;
	[sflag:s16] =	ssyncadd.s32 $0xFFFFC000  }
0x60: {  	[tilespmem:s18], [sflag:$0x1] =	stream.indirect.gather [hbm4b:s4+s19], $0x80, s31, s19, $0xb8;
	[tilespmem:$0x1E000] =	vst v63  }
0x61: {  	_ =	swait.ge [sflag:s22], $0x4000  }
0x62: {  	[sflag:s22] =	ssyncset.done $0x0  }
0x63: {  	s31 =	sadd.s32 $0x1080, s29;
	[sflag:s22] =	ssyncadd.s32 $0xFFFFC000  }
0x64: {  	[spmem:s2] =	stream.indirect.scatter.add.f32 [tilespmem:s20], [sflag:$0x5], $0x80, s31, s19, $0xb8;
	[tilespmem:$0x1E000] =	vst v63  }
0x65: {  	_ =	swait.ge [sflag:s16], $0x4000  }
0x66: {  	[sflag:s16] =	ssyncset.done $0x0  }
0x67: {  	s31 =	sadd.s32 $0x180, s29;
	[sflag:s16] =	ssyncadd.s32 $0xFFFFC000  }
0x68: {  	[tilespmem:s20], [sflag:$0x2] =	stream.indirect.gather [hbm4b:s4+s19], $0x80, s31, s19, $0xb8;
	[tilespmem:$0x1E000] =	vst v63  }
0x69: {  	_ =	swait.ge [sflag:s21], $0x4000  }
0x6a: {  	[sflag:s21] =	ssyncset.done $0x0  }
0x6b: {  	s31 =	sadd.s32 $0x1100, s29;
	[sflag:s21] =	ssyncadd.s32 $0xFFFFC000  }
0x6c: {  	[spmem:s2] =	stream.indirect.scatter.add.f32 [tilespmem:s18], [sflag:$0x5], $0x80, s31, s19, $0xb8;
	[tilespmem:$0x1E000] =	vst v63  }
0x6d: {  	_ =	swait.ge [sflag:s16], $0x4000  }
0x6e: {  	[sflag:s16] =	ssyncset.done $0x0  }
0x6f: {  	s31 =	sadd.s32 $0x200, s29;
	[sflag:s16] =	ssyncadd.s32 $0xFFFFC000  }
0x70: {  	[tilespmem:s18], [sflag:$0x1] =	stream.indirect.gather [hbm4b:s4+s19], $0x80, s31, s19, $0xb8;
	[tilespmem:$0x1E000] =	vst v63  }
0x71: {  	_ =	swait.ge [sflag:s22], $0x4000  }
0x72: {  	[sflag:s22] =	ssyncset.done $0x0  }
0x73: {  	s31 =	sadd.s32 $0x1180, s29;
	[sflag:s22] =	ssyncadd.s32 $0xFFFFC000  }
0x74: {  	[spmem:s2] =	stream.indirect.scatter.add.f32 [tilespmem:s20], [sflag:$0x5], $0x80, s31, s19, $0xb8;
	[tilespmem:$0x1E000] =	vst v63  }
0x75: {  	_ =	swait.ge [sflag:s16], $0x4000  }
0x76: {  	[sflag:s16] =	ssyncset.done $0x0  }
0x77: {  	s31 =	sadd.s32 $0x280, s29;
	[sflag:s16] =	ssyncadd.s32 $0xFFFFC000  }
0x78: {  	[tilespmem:s20], [sflag:$0x2] =	stream.indirect.gather [hbm4b:s4+s19], $0x80, s31, s19, $0xb8;
	[tilespmem:$0x1E000] =	vst v63  }
0x79: {  	_ =	swait.ge [sflag:s21], $0x4000  }
0x7a: {  	[sflag:s21] =	ssyncset.done $0x0  }
0x7b: {  	s31 =	sadd.s32 $0x1200, s29;
	[sflag:s21] =	ssyncadd.s32 $0xFFFFC000  }
0x7c: {  	[spmem:s2] =	stream.indirect.scatter.add.f32 [tilespmem:s18], [sflag:$0x5], $0x80, s31, s19, $0xb8;
	[tilespmem:$0x1E000] =	vst v63  }
0x7d: {  	_ =	swait.ge [sflag:s16], $0x4000  }
0x7e: {  	[sflag:s16] =	ssyncset.done $0x0  }
0x7f: {  	s31 =	sadd.s32 $0x300, s29;
	[sflag:s16] =	ssyncadd.s32 $0xFFFFC000  }
0x80: {  	[tilespmem:s18], [sflag:$0x1] =	stream.indirect.gather [hbm4b:s4+s19], $0x80, s31, s19, $0xb8;
	[tilespmem:$0x1E000] =	vst v63  }
0x81: {  	_ =	swait.ge [sflag:s22], $0x4000  }
0x82: {  	[sflag:s22] =	ssyncset.done $0x0  }
0x83: {  	s31 =	sadd.s32 $0x1280, s29;
	[sflag:s22] =	ssyncadd.s32 $0xFFFFC000  }
0x84: {  	[spmem:s2] =	stream.indirect.scatter.add.f32 [tilespmem:s20], [sflag:$0x5], $0x80, s31, s19, $0xb8;
	[tilespmem:$0x1E000] =	vst v63  }
0x85: {  	_ =	swait.ge [sflag:s16], $0x4000  }
0x86: {  	[sflag:s16] =	ssyncset.done $0x0  }
0x87: {  	s31 =	sadd.s32 $0x380, s29;
	[sflag:s16] =	ssyncadd.s32 $0xFFFFC000  }
0x88: {  	[tilespmem:s20], [sflag:$0x2] =	stream.indirect.gather [hbm4b:s4+s19], $0x80, s31, s19, $0xb8;
	[tilespmem:$0x1E000] =	vst v63  }
0x89: {  	_ =	swait.ge [sflag:s21], $0x4000  }
0x8a: {  	[sflag:s21] =	ssyncset.done $0x0  }
0x8b: {  	s31 =	sadd.s32 $0x1300, s29;
	[sflag:s21] =	ssyncadd.s32 $0xFFFFC000  }
0x8c: {  	[spmem:s2] =	stream.indirect.scatter.add.f32 [tilespmem:s18], [sflag:$0x5], $0x80, s31, s19, $0xb8;
	[tilespmem:$0x1E000] =	vst v63  }
0x8d: {  	_ =	swait.ge [sflag:s16], $0x4000  }
0x8e: {  	[sflag:s16] =	ssyncset.done $0x0  }
0x8f: {  	s31 =	sadd.s32 $0x400, s29;
	[sflag:s16] =	ssyncadd.s32 $0xFFFFC000  }
0x90: {  	[tilespmem:s18], [sflag:$0x1] =	stream.indirect.gather [hbm4b:s4+s19], $0x80, s31, s19, $0xb8;
	[tilespmem:$0x1E000] =	vst v63  }
0x91: {  	_ =	swait.ge [sflag:s22], $0x4000  }
0x92: {  	[sflag:s22] =	ssyncset.done $0x0  }
0x93: {  	s31 =	sadd.s32 $0x1380, s29;
	[sflag:s22] =	ssyncadd.s32 $0xFFFFC000  }
0x94: {  	[spmem:s2] =	stream.indirect.scatter.add.f32 [tilespmem:s20], [sflag:$0x5], $0x80, s31, s19, $0xb8;
	[tilespmem:$0x1E000] =	vst v63  }
0x95: {  	_ =	swait.ge [sflag:s16], $0x4000  }
0x96: {  	[sflag:s16] =	ssyncset.done $0x0  }
0x97: {  	s31 =	sadd.s32 $0x480, s29;
	[sflag:s16] =	ssyncadd.s32 $0xFFFFC000  }
0x98: {  	[tilespmem:s20], [sflag:$0x2] =	stream.indirect.gather [hbm4b:s4+s19], $0x80, s31, s19, $0xb8;
	[tilespmem:$0x1E000] =	vst v63  }
0x99: {  	_ =	swait.ge [sflag:s21], $0x4000  }
0x9a: {  	[sflag:s21] =	ssyncset.done $0x0  }
0x9b: {  	s31 =	sadd.s32 $0x1400, s29;
	[sflag:s21] =	ssyncadd.s32 $0xFFFFC000  }
0x9c: {  	[spmem:s2] =	stream.indirect.scatter.add.f32 [tilespmem:s18], [sflag:$0x5], $0x80, s31, s19, $0xb8;
	[tilespmem:$0x1E000] =	vst v63  }
0x9d: {  	_ =	swait.ge [sflag:s16], $0x4000  }
0x9e: {  	[sflag:s16] =	ssyncset.done $0x0  }
0x9f: {  	s31 =	sadd.s32 $0x500, s29;
	[sflag:s16] =	ssyncadd.s32 $0xFFFFC000  }
0xa0: {  	[tilespmem:s18], [sflag:$0x1] =	stream.indirect.gather [hbm4b:s4+s19], $0x80, s31, s19, $0xb8;
	[tilespmem:$0x1E000] =	vst v63  }
0xa1: {  	_ =	swait.ge [sflag:s22], $0x4000  }
0xa2: {  	[sflag:s22] =	ssyncset.done $0x0  }
0xa3: {  	s31 =	sadd.s32 $0x1480, s29;
	[sflag:s22] =	ssyncadd.s32 $0xFFFFC000  }
0xa4: {  	[spmem:s2] =	stream.indirect.scatter.add.f32 [tilespmem:s20], [sflag:$0x5], $0x80, s31, s19, $0xb8;
	[tilespmem:$0x1E000] =	vst v63  }
0xa5: {  	_ =	swait.ge [sflag:s16], $0x4000  }
0xa6: {  	[sflag:s16] =	ssyncset.done $0x0  }
0xa7: {  	s31 =	sadd.s32 $0x580, s29;
	[sflag:s16] =	ssyncadd.s32 $0xFFFFC000  }
0xa8: {  	[tilespmem:s20], [sflag:$0x2] =	stream.indirect.gather [hbm4b:s4+s19], $0x80, s31, s19, $0xb8;
	[tilespmem:$0x1E000] =	vst v63  }
0xa9: {  	_ =	swait.ge [sflag:s21], $0x4000  }
0xaa: {  	[sflag:s21] =	ssyncset.done $0x0  }
0xab: {  	s31 =	sadd.s32 $0x1500, s29;
	[sflag:s21] =	ssyncadd.s32 $0xFFFFC000  }
0xac: {  	[spmem:s2] =	stream.indirect.scatter.add.f32 [tilespmem:s18], [sflag:$0x5], $0x80, s31, s19, $0xb8;
	[tilespmem:$0x1E000] =	vst v63  }
0xad: {  	_ =	swait.ge [sflag:s16], $0x4000  }
0xae: {  	[sflag:s16] =	ssyncset.done $0x0  }
0xaf: {  	s31 =	sadd.s32 $0x600, s29;
	[sflag:s16] =	ssyncadd.s32 $0xFFFFC000  }
0xb0: {  	[tilespmem:s18], [sflag:$0x1] =	stream.indirect.gather [hbm4b:s4+s19], $0x80, s31, s19, $0xb8;
	[tilespmem:$0x1E000] =	vst v63  }
0xb1: {  	_ =	swait.ge [sflag:s22], $0x4000  }
0xb2: {  	[sflag:s22] =	ssyncset.done $0x0  }
0xb3: {  	s31 =	sadd.s32 $0x1580, s29;
	[sflag:s22] =	ssyncadd.s32 $0xFFFFC000  }
0xb4: {  	[spmem:s2] =	stream.indirect.scatter.add.f32 [tilespmem:s20], [sflag:$0x5], $0x80, s31, s19, $0xb8;
	[tilespmem:$0x1E000] =	vst v63  }
0xb5: {  	_ =	swait.ge [sflag:s16], $0x4000  }
0xb6: {  	[sflag:s16] =	ssyncset.done $0x0  }
0xb7: {  	s31 =	sadd.s32 $0x680, s29;
	[sflag:s16] =	ssyncadd.s32 $0xFFFFC000  }
0xb8: {  	[tilespmem:s20], [sflag:$0x2] =	stream.indirect.gather [hbm4b:s4+s19], $0x80, s31, s19, $0xb8;
	[tilespmem:$0x1E000] =	vst v63  }
0xb9: {  	_ =	swait.ge [sflag:s21], $0x4000  }
0xba: {  	[sflag:s21] =	ssyncset.done $0x0  }
0xbb: {  	s31 =	sadd.s32 $0x1600, s29;
	[sflag:s21] =	ssyncadd.s32 $0xFFFFC000  }
0xbc: {  	[spmem:s2] =	stream.indirect.scatter.add.f32 [tilespmem:s18], [sflag:$0x5], $0x80, s31, s19, $0xb8;
	[tilespmem:$0x1E000] =	vst v63  }
0xbd: {  	_ =	swait.ge [sflag:s16], $0x4000  }
0xbe: {  	[sflag:s16] =	ssyncset.done $0x0  }
0xbf: {  	s31 =	sadd.s32 $0x700, s29;
	[sflag:s16] =	ssyncadd.s32 $0xFFFFC000  }
0xc0: {  	[tilespmem:s18], [sflag:$0x1] =	stream.indirect.gather [hbm4b:s4+s19], $0x80, s31, s19, $0xb8;
	[tilespmem:$0x1E000] =	vst v63  }
0xc1: {  	_ =	swait.ge [sflag:s22], $0x4000  }
0xc2: {  	[sflag:s22] =	ssyncset.done $0x0  }
0xc3: {  	s31 =	sadd.s32 $0x1680, s29;
	[sflag:s22] =	ssyncadd.s32 $0xFFFFC000  }
0xc4: {  	[spmem:s2] =	stream.indirect.scatter.add.f32 [tilespmem:s20], [sflag:$0x5], $0x80, s31, s19, $0xb8;
	[tilespmem:$0x1E000] =	vst v63  }
0xc5: {  	_ =	swait.ge [sflag:s16], $0x4000  }
0xc6: {  	[sflag:s16] =	ssyncset.done $0x0  }
0xc7: {  	s31 =	sadd.s32 $0x780, s29;
	[sflag:s16] =	ssyncadd.s32 $0xFFFFC000  }
0xc8: {  	[tilespmem:s20], [sflag:$0x2] =	stream.indirect.gather [hbm4b:s4+s19], $0x80, s31, s19, $0xb8;
	[tilespmem:$0x1E000] =	vst v63  }
0xc9: {  	_ =	swait.ge [sflag:s21], $0x4000  }
0xca: {  	[sflag:s21] =	ssyncset.done $0x0  }
0xcb: {  	s31 =	sadd.s32 $0x1700, s29;
	[sflag:s21] =	ssyncadd.s32 $0xFFFFC000  }
0xcc: {  	[spmem:s2] =	stream.indirect.scatter.add.f32 [tilespmem:s18], [sflag:$0x5], $0x80, s31, s19, $0xb8;
	[tilespmem:$0x1E000] =	vst v63  }
0xcd: {  	_ =	swait.ge [sflag:s16], $0x4000  }
0xce: {  	[sflag:s16] =	ssyncset.done $0x0  }
0xcf: {  	[sflag:s16] =	ssyncadd.s32 $0xFFFFC000  }
0xd0: {  	_ =	swait.ge [sflag:s22], $0x4000  }
0xd1: {  	[sflag:s22] =	ssyncset.done $0x0  }
0xd2: {  	s29 =	sadd.s32 $0x1780, s29;
	[sflag:s22] =	ssyncadd.s32 $0xFFFFC000  }
0xd3: {  	[spmem:s2] =	stream.indirect.scatter.add.f32 [tilespmem:s20], [sflag:$0x5], $0x80, s29, s19, $0xb8;
	[tilespmem:$0x1E000] =	vst v63  }
0xd4: {  	_ =	swait.ge [sflag:s16], $0x4000  }
0xd5: {  	s24 =	sadd.s32 $0x800, s24;
	s31 =	rddreg [dreg:$0x5]  }
0xd6: {  	p1 =	sne.s32 s31, s24  }
.Ltmp4:
0xd7: {  	_ = 	snop;
	(pc) =	sbr.rel @p1 .LBB2_4-.Ltmp4, $3  }
0xd8: {  	_ =	sdelay $0x1  }
0xd9: {  	s28 =	sadd.s32 $0x1, s28;
	[sflag:s16] =	ssyncset.done $0x0  }
0xda: {  	s25 =	sadd.s32 $0x100, s25;
	s26 =	sadd.s32 $0x100, s26;
	[sflag:s16] =	ssyncadd.s32 $0xFFFFC000  }
.Ltmp5:
0xdb: {  	_ = 	snop;
	(pc) =	sbr.rel .LBB2_5-.Ltmp5, $1  }
0xdc: {  	_ =	sdelay $0x3  }
.LBB2_6:
0xdd: {  	_ =	sfence.sel $0x180000  }
0xde: {  	[bflag:$0x0] =	sbarrier.arrive $0xFFFF  }
0xdf: {  	p0 =	sne.s32 s0, $0x0;
	_ =	strace $0x9000004D  }
0xe0: {  	s0 =	sadd.s32 @!p0 $0x100000, s1;
	[bflag:$0x2] =	sbarrier.arrive $0xFFFF  }
0xe1: {  	[sflag:s0] =	ssyncadd.tile.s32 @!p0 $0x1;
	_ =	shalt  }
.Lfunc_end2:
_tile_overlayer_lowered:
.L_overlay_start_2:
0xe2: {  	(tag) =	ssettag $0x2  }
0xe3: {  	s0 =	rddreg [dreg:$0x0];
	s2 =	stileid.u32  }
0xe4: {  	s1 =	rddreg [dreg:$0x1];
	p0 =	sne.s32 s2, $0x0  }
0xe5: {  	s3 =	rddreg [dreg:$0x2];
	[bflag:$0x3] =	sbarrier.arrive $0xFFFF;
	s2 =	simm.s32 @!p0 $0x1C05  }
0xe6: {  	[timem:s3], [sflag:s2] =	dma.local @!p0 [hbm:s0], s1  }
0xe7: {  	s0 =	simm.s32 @!p0 $0x5  }
0xe8: {  	_ =	swait.ge @!p0 [sflag:s0], s1  }
0xe9: {  	s1 =	ssub.s32 @!p0 $0x0, s1;
	[sflag:s0] =	ssyncset.done @!p0 $0x0  }
0xea: {  	[sflag:s0] =	ssyncadd.s32 @!p0 s1  }
0xeb: {  	[bflag:$0x3] =	sbarrier.arrive $0xFFFF  }
0xec: {  	_ =	shalt  }

// kernel: kernel.8.cloned.1.call-start
scs
__scs_entry_jumppad:
0x0: {  	(pc) =	sbr.rel $0x88, $3  }
0x1: {  	(tag) =	ssettag $0x0;
	lr =	simm.s32 $0x1  }
0x2: {  	[smem:$0x3F9B] =	sst lr;
	_ =	strace $0xD0000000  }
0x3: {  	_ = 	snop  }
0x4: {  	_ = 	snop  }
0x5: {  	_ = 	snop  }
0x6: {  	_ = 	snop  }
0x7: {  	_ = 	snop  }
__scs_overlays_trampoline_lowered:
0x8: {  	[smem:$0x3FAA] =	sst s0  }
0x9: {  	[smem:$0x3FAB] =	sst s1  }
0xa: {  	[smem:$0x3FAC] =	sst s2  }
0xb: {  	[smem:$0x3FAD] =	sst s3  }
0xc: {  	[smem:$0x3FAE] =	sst s4  }
0xd: {  	[smem:$0x3FAF] =	sst s5  }
0xe: {  	[smem:$0x3FB0] =	sst s6  }
0xf: {  	[smem:$0x3FB1] =	sst s7  }
0x10: {  	[smem:$0x3FB2] =	sst s8  }
0x11: {  	[smem:$0x3FB3] =	sst s9;
	s0 =	simm.s32 @!p0 $0x0  }
0x12: {  	s1 =	sld [smem:$0x3F99];
	s0 =	simm.s32 @p0 $0x1  }
0x13: {  	[smem:$0x3FB4] =	sst s0;
	s0 =	simm.s32 @!p1 $0x0  }
0x14: {  	s2 =	sld [smem:$0x3F98];
	s0 =	simm.s32 @p1 $0x1  }
0x15: {  	[smem:$0x3FB5] =	sst s0;
	s0 =	simm.s32 @!p2 $0x0  }
0x16: {  	s3 =	sld [smem:$0x3FDB];
	s0 =	simm.s32 @p2 $0x1  }
0x17: {  	s4 =	simm.s32 $0x1BF5;
	[smem:$0x3FB7] =	sst s0  }
0x18: {  	s0 =	sld [smem:$0x3F9A];
	_ =	swait.ge [sflag:s4], $0x0  }
0x19: {  	s7 =	sld [smem:$0x3F9B]  }
0x1a: {  	s8 =	sadd.s32 $0xFFFFE003, lr  }
0x1b: {  	s9 =	sadd.s32 $0xFFFFFEF7, lr;
	s5 =	simm.s32 $0xFFFFFFFF;
	p2 =	slt.u32 s8, $0xFFFFF086  }
0x1c: {  	p1 =	slt.u32 s9, $0xF7A;
	s5 =	simm.s32 @!p2 $0x0  }
0x1d: {  	s5 =	simm.s32 @p1 $0x1;
	p0 =	seq.s32 s7, s2  }
0x1e: {  	s7 =	smul.u32 @!p0 $0xF7A, s2;
	p2 =	seq.s32 @!p0 s5, $0x0  }
0x1f: {  	s9 =	smul.u32 $0xF7A, s1;
	s8 =	simm.s32 @!p0 $0x1BF5;
	p2 =	por !p2, p0  }
0x20: {  	[sflag:s8] =	ssyncset.s32 @!p0 $0xFFFFF086;
	s6 =	sadd.s32 @!p0 s3, s7;
	s7 =	simm.s32 @!p0 $0x108  }
0x21: {  	s3 =	sadd.s32 s3, s9;
	s6 =	sadd.s32 @!p0 $0x88, s6;
	s7 =	simm.s32 @p2 $0x1082  }
0x22: {  	[simem:s7], [sflag:s8] =	dma.local @!p0 [hbm:s6], $0xF7A  }
0x23: {  	s9 =	sor.u32 $0xD0000000, s2;
	s6 =	simm.s32 $0x108;
	_ =	swait.ge @!p0 [sflag:s8], $0x0  }
0x24: {  	s3 =	sadd.s32 $0x88, s3;
	s6 =	simm.s32 @!p1 $0x1082;
	[sflag:s4] =	ssyncset.s32 $0xFFFFF086  }
0x25: {  	[simem:s6], [sflag:s4] =	dma.local [hbm:s3], $0xF7A  }
0x26: {  	[smem:$0x3F9B] =	sst s1;
	(tag) =	ssettag s2;
	_ =	strace s9  }
0x27: {  	s1 =	sld [smem:$0x3FAB]  }
0x28: {  	s2 =	sld [smem:$0x3FAC]  }
0x29: {  	s4 =	sld [smem:$0x3FAE]  }
0x2a: {  	p0 =	seq.s32 s5, $0x0;
	s5 =	sld [smem:$0x3FAF]  }
0x2b: {  	s6 =	sld [smem:$0x3FB0]  }
0x2c: {  	s7 =	sld [smem:$0x3FB1]  }
0x2d: {  	s3 =	simm.s32 $0x108;
	s8 =	sld [smem:$0x3FB2]  }
0x2e: {  	s3 =	simm.s32 @!p0 $0x1082;
	s9 =	sld [smem:$0x3FB3]  }
0x2f: {  	lr =	sadd.s32 s0, s3;
	s0 =	sld [smem:$0x3FAA]  }
0x30: {  	s3 =	sld [smem:$0x3FAD]  }
0x31: {  	[smem:$0x3FB6] =	sst s10  }
0x32: {  	s10 =	sld [smem:$0x3FB4];
	_ =	sdelay $0x3  }
0x33: {  	p0 =	seq.s32 s10, $0x1;
	s10 =	sld [smem:$0x3FB6];
	_ =	sdelay $0x3  }
0x34: {  	[smem:$0x3FB6] =	sst s10  }
0x35: {  	s10 =	sld [smem:$0x3FB5];
	_ =	sdelay $0x3  }
0x36: {  	p1 =	seq.s32 s10, $0x1;
	s10 =	sld [smem:$0x3FB6];
	_ =	sdelay $0x3  }
0x37: {  	[smem:$0x3FB6] =	sst s10  }
0x38: {  	s10 =	sld [smem:$0x3FB7]  }
0x39: {  	_ = 	snop;
	(pc) =	sbr.ind lr, $3  }
0x3a: {  	_ = 	snop  }
0x3b: {  	_ = 	snop  }
0x3c: {  	p2 =	seq.s32 s10, $0x1;
	s10 =	sld [smem:$0x3FB6]  }
0x3d: {  	_ =	shalt  }
0x3e: {  	_ =	shalt  }
0x3f: {  	_ =	shalt  }
0x40: {  	_ =	shalt  }
0x41: {  	_ =	shalt  }
0x42: {  	_ =	shalt  }
0x43: {  	_ =	shalt  }
0x44: {  	_ =	shalt  }
0x45: {  	_ =	shalt  }
0x46: {  	_ =	shalt  }
0x47: {  	_ =	shalt  }
0x48: {  	_ =	shalt  }
0x49: {  	_ =	shalt  }
0x4a: {  	_ =	shalt  }
0x4b: {  	_ =	shalt  }
0x4c: {  	_ =	shalt  }
0x4d: {  	_ =	shalt  }
0x4e: {  	_ =	shalt  }
0x4f: {  	_ =	shalt  }
0x50: {  	_ =	shalt  }
0x51: {  	_ =	shalt  }
0x52: {  	_ =	shalt  }
0x53: {  	_ =	shalt  }
0x54: {  	_ =	shalt  }
0x55: {  	_ =	shalt  }
0x56: {  	_ =	shalt  }
0x57: {  	_ =	shalt  }
0x58: {  	_ =	shalt  }
0x59: {  	_ =	shalt  }
0x5a: {  	_ =	shalt  }
0x5b: {  	_ =	shalt  }
0x5c: {  	_ =	shalt  }
0x5d: {  	_ =	shalt  }
0x5e: {  	_ =	shalt  }
0x5f: {  	_ =	shalt  }
0x60: {  	_ =	shalt  }
0x61: {  	_ =	shalt  }
0x62: {  	_ =	shalt  }
0x63: {  	_ =	shalt  }
0x64: {  	_ =	shalt  }
0x65: {  	_ =	shalt  }
0x66: {  	_ =	shalt  }
0x67: {  	_ =	shalt  }
0x68: {  	_ =	shalt  }
0x69: {  	_ =	shalt  }
0x6a: {  	_ =	shalt  }
0x6b: {  	_ =	shalt  }
0x6c: {  	_ =	shalt  }
0x6d: {  	_ =	shalt  }
0x6e: {  	_ =	shalt  }
0x6f: {  	_ =	shalt  }
0x70: {  	_ =	shalt  }
0x71: {  	_ =	shalt  }
0x72: {  	_ =	shalt  }
0x73: {  	_ =	shalt  }
0x74: {  	_ =	shalt  }
0x75: {  	_ =	shalt  }
0x76: {  	_ =	shalt  }
0x77: {  	_ =	shalt  }
0x78: {  	_ =	shalt  }
0x79: {  	_ =	shalt  }
0x7a: {  	_ =	shalt  }
0x7b: {  	_ =	shalt  }
0x7c: {  	_ =	shalt  }
0x7d: {  	_ =	shalt  }
0x7e: {  	_ =	shalt  }
0x7f: {  	_ =	shalt  }
0x80: {  	_ =	shalt  }
0x81: {  	_ =	shalt  }
0x82: {  	_ =	shalt  }
0x83: {  	_ =	shalt  }
0x84: {  	_ =	shalt  }
0x85: {  	_ =	shalt  }
0x86: {  	_ =	shalt  }
0x87: {  	_ =	shalt  }
.Lfunc_end0:
.L_simem_size_0:
called_computation_lowered:
.L_overlay_start_0:
0x88: {  	s2 =	sld [smem:$0x3FD9]  }
0x89: {  	s3 =	sld [smem:$0x3FFE];
	_ =	sdelay $0x1  }
0x8a: {  	s1 =	srdreg.scid  }
0x8b: {  	s0 =	sand.u32 $0x1, s1  }
0x8c: {  	s17 =	sshll.u32 s0, $0xA;
	s2 =	sadd.s32 s3, s2  }
0x8d: {  	s2 =	sadd.s32 s2, s17  }
0x8e: {  	[smem:$0x3FC2] =	sst s2  }
0x8f: {  	_ = 	snop  }
0x90: {  	s2 =	sld [smem:$0x3FD0];
	(tm) =	ssettm $0x1  }
0x91: {  	s18 =	sld [smem:$0x3FFB];
	_ =	sdelay $0x3  }
0x92: {  	_ =	strace s18  }
0x93: {  	s3 =	sld [smem:$0x3FFC];
	_ =	sdelay $0x3  }
0x94: {  	_ =	strace s3  }
0x95: {  	s3 =	sld [smem:$0x3FFD];
	_ =	sdelay $0x3  }
0x96: {  	_ =	strace s3  }
0x97: {  	_ =	strace $0x8FFFFFFF  }
0x98: {  	s19 =	sld [smem:$0x3FDB];
	_ =	sdelay $0x1  }
0x99: {  	s4 =	simm.s32 $_scs_section_size  }
0x9a: {  	s5 =	simm.s32 $_size__tile_overlayer_lowered;
	s6 =	simm.s32 $_tile_overlayer_lowered  }
0x9b: {  	s22 =	simm.s32 $0x1BFF;
	s21 =	sshll.u32 s6, $0x1;
	s3 =	sadd.s32 s4, s19  }
0x9c: {  	s7 =	simm.s32 $0x0;
	s20 =	sshll.u32 s5, $0x1;
	s5 =	sadd.s32 s21, s3  }
0x9d: {  	[timem:s7], [sflag:s22] =	dma.local [hbm:s5], s20  }
0x9e: {  	_ =	swait.ge [sflag:s22], s20  }
0x9f: {  	s4 =	ssub.s32 $0x0, s20;
	[sflag:s22] =	ssyncset.done $0x0  }
0xa0: {  	[sflag:s22] =	ssyncadd.s32 s4;
	_ =	sdelay $0x1  }
0xa1: {  	s23 =	simm.s32 $0x1B8B  }
0xa2: {  	_ =	swait.ge [sflag:s23], $0x1  }
0xa3: {  	[sflag:s23] =	ssyncset.done $0x0  }
0xa4: {  	s25 =	simm.s32 $0x1B8E;
	s24 =	sld [smem:$0x3FFE];
	[sflag:s23] =	ssyncadd.s32 $0xFFFFFFFF  }
0xa5: {  	s26 =	simm.s32 $execute0_lowered;
	[smem:$0x3FD2] =	sst s25  }
0xa6: {  	s5 =	sshll.u32 s26, $0x1;
	_ =	strace $0x80000046;
	[dreg:$0x1] =	wrdreg $0xFFFFFFFF  }
0xa7: {  	s28 =	simm.s32 $_size_execute0_lowered;
	s3 =	sadd.s32 s3, s5;
	[dreg:$0x0] =	wrdreg $0x0  }
0xa8: {  	s5 =	sshll.u32 s28, $0x1;
	[dreg:$0x2] =	wrdreg s3  }
0xa9: {  	[dreg:$0x3] =	wrdreg s5  }
0xaa: {  	[dreg:$0x4] =	wrdreg $0xC0  }
0xab: {  	_ =	task [dreg:s7], $0x5FFFF  }
0xac: {  	[dreg:$0x1] =	wrdreg $0xFFFFFFFF  }
0xad: {  	[dreg:$0x0] =	wrdreg $0x60  }
0xae: {  	[dreg:$0x2] =	wrdreg s2  }
0xaf: {  	[dreg:$0x3] =	wrdreg s24  }
0xb0: {  	[dreg:$0x4] =	wrdreg $0x2B000  }
0xb1: {  	[dreg:$0x5] =	wrdreg $0x9  }
0xb2: {  	_ =	task.clear_ibuf [dreg:s7], $0x6FFFF;
	_ =	strace $0x90000046  }
0xb3: {  	s29 =	simm.s32 $0x9;
	_ =	strace $0x80000048  }
0xb4: {  	_ =	swait.ge [sflag:s29], $0x1  }
0xb5: {  	[sflag:s29] =	ssyncadd.s32 $0xFFFFFFFF  }
0xb6: {  	_ =	strace $0x90000048  }
0xb7: {  	_ =	sfence  }
0xb8: {  	s30 =	sld [smem:$0x0];
	_ =	sdelay $0x2  }
0xb9: {  	s31 =	sshll.u32 s1, $0xD;
	s1 =	sshrl.u32 s1, $0x2  }
0xba: {  	s3 =	sand.u32 $0x4000, s31;
	s1 =	sadd.s32 s1, s30  }
0xbb: {  	s0 =	sor.u32 s3, s0;
	s1 =	sshll.u32 s1, $0x11  }
0xbc: {  	s0 =	sor.u32 s1, s0  }
0xbd: {  	s0 =	sadd.s32 $0x8F2B, s0  }
0xbe: {  	[sflag:s0] =	ssyncadd.remote.s32 $0x1  }
0xbf: {  	_ =	sfence.sel $0xFFFF  }
0xc0: {  	[dreg:$0x0] =	wrdreg $0xFFFFFFFF;
	(pc) =	sbr.abs _section_cstart, $3  }
0xc1: {  	[dreg:$0x1] =	wrdreg $0xFFFFFFFF  }
0xc2: {  	_ =	task.clear_ibuf [dreg:s7], $0x2FFFF;
	_ =	strace $0x9FFFFFFF  }
0xc3: {  	(tm) =	ssettm $0x7FFFFFFF  }
tec
execute0_lowered:
.L_overlay_start_1:
0x0: {  	(tag) =	ssettag $0x1  }
0x1: {  	s4 =	rddreg [dreg:$0x0]  }
0x2: {  	s5 =	rddreg [dreg:$0x1];
	s1 =	srdreg.scid  }
0x3: {  	s0 =	stileid.u32;
	s2 =	rddreg [dreg:$0x2];
	s3 =	simm.s32 $0x0  }
0x4: {  	s11 =	simm.s32 $0x2800;
	s12 =	simm.s32 $0x100;
	s13 =	simm.s32 $0x180  }
0x5: {  	s14 =	simm.s32 $0x1;
	s15 =	simm.s32 $0x2;
	s16 =	simm.s32 $0x3  }
0x6: {  	s17 =	simm.s32 $0x4;
	s20 =	simm.s32 $0x20;
	s21 =	simm.s32 $0x10  }
0x7: {  	s6 =	sand.u32 $0x1, s1;
	s7 =	smul.u32 $0x500, s0;
	s1 =	rddreg [dreg:$0x3]  }
0x8: {  	s22 =	simm.s32 $0x0;
	[smem:$0x7FF] =	sst s3;
	s10 =	smul.u32 $0xA00, s0  }
0x9: {  	s18 =	sshll.u32 s0, $0x6;
	s8 =	sshll.u32 s6, $0x7;
	_ =	strace $0x80000047  }
0xa: {  	p0 =	seq.s32 s6, $0x0;
	s29 =	ssub.s32 $0x2, s6;
	s18 =	sor.u32 $0x1C05, s18  }
0xb: {  	s7 =	sor.u32 s8, s7;
	s8 =	smul.u32 $0x2800, s0;
	s6 =	sshrl.u32 s29, $0x1  }
0xc: {  	s30 =	sshrl.u32 s10, $0x2;
	s10 =	simm.s32 $0x80;
	s7 =	sshrl.u32 s7, $0x3  }
0xd: {  	s31 =	ssub.s32 s29, s6;
	s9 =	sadd.s32 $0x28000, s8;
	s7 =	sadd.s32 s7, s5  }
0xe: {  	s5 =	sadd.s32 s30, s2;
	s9 =	smov.u32 @p0 s8;
	s6 =	sadd.s32 $0xD000, s7  }
0xf: {  	s7 =	smax.u32 s31, $0x1;
	s19 =	sshrl.u32 s5, $0x3;
	s8 =	sshrl.u32 s9, $0x3  }
0x10: {  	v0 =	vimm.f32 $1.000000000e+00;
	v1 =	vimm.f32 $0.0e+00;
	s9 =	simm.s32 $0x2880;
	s4 =	sadd.s32 s4, s8;
	s8 =	simm.s32 $0x5  }
.LBB2_1:
0x11: {  	[tilespmem:s3], [sflag:$0x5] =	stream.linear.gather [hbm4b:s4+s3], $0x2800, $0x38;
	[tilespmem:$0x2D80] =	vst v63  }
0x12: {  	_ =	swait.ge [sflag:s8], $0x2800  }
0x13: {  	[sflag:s8] =	ssyncset.done $0x0  }
0x14: {  	[sflag:s8] =	ssyncadd.s32 $0xFFFFD800  }
0x15: {  	[tilespmem:$0x2800] =	vst v0  }
0x16: {  	[tilespmem:$0x2810] =	vst v0  }
0x17: {  	[tilespmem:$0x2820] =	vst v0  }
0x18: {  	[tilespmem:$0x2830] =	vst v0  }
0x19: {  	[tilespmem:$0x2840] =	vst v0  }
0x1a: {  	[tilespmem:$0x2850] =	vst v0  }
0x1b: {  	[tilespmem:$0x2860] =	vst v0  }
0x1c: {  	[tilespmem:$0x2870] =	vst v0  }
0x1d: {  	[tilespmem:$0x2880] =	vst v1  }
0x1e: {  	[tilespmem:$0x2890] =	vst v1  }
0x1f: {  	[tilespmem:$0x28A0] =	vst v1  }
0x20: {  	[tilespmem:$0x28B0] =	vst v1  }
0x21: {  	[tilespmem:$0x28C0] =	vst v1  }
0x22: {  	[tilespmem:$0x28D0] =	vst v1  }
0x23: {  	[tilespmem:$0x28E0] =	vst v1  }
0x24: {  	[tilespmem:$0x28F0] =	vst v1  }
0x25: {  	[tilespmem:$0x2900] =	vst v1  }
0x26: {  	[tilespmem:$0x2910] =	vst v1  }
0x27: {  	[tilespmem:$0x2920] =	vst v1  }
0x28: {  	[tilespmem:$0x2930] =	vst v1  }
0x29: {  	[tilespmem:$0x2940] =	vst v1  }
0x2a: {  	[tilespmem:$0x2950] =	vst v1  }
0x2b: {  	[tilespmem:$0x2960] =	vst v1  }
0x2c: {  	[tilespmem:$0x2970] =	vst v1  }
0x2d: {  	[tilespmem:$0x2980] =	vst v1  }
0x2e: {  	[tilespmem:$0x2990] =	vst v1  }
0x2f: {  	[tilespmem:$0x29A0] =	vst v1  }
0x30: {  	[tilespmem:$0x29B0] =	vst v1  }
0x31: {  	[tilespmem:$0x29C0] =	vst v1  }
0x32: {  	[tilespmem:$0x29D0] =	vst v1  }
0x33: {  	[tilespmem:$0x29E0] =	vst v1  }
0x34: {  	[tilespmem:$0x29F0] =	vst v1  }
0x35: {  	[tilespmem:$0x2A00] =	vst v1  }
0x36: {  	[tilespmem:$0x2A10] =	vst v1  }
0x37: {  	[tilespmem:$0x2A20] =	vst v1  }
0x38: {  	[tilespmem:$0x2A30] =	vst v1  }
0x39: {  	[tilespmem:$0x2A40] =	vst v1  }
0x3a: {  	[tilespmem:$0x2A50] =	vst v1  }
0x3b: {  	[tilespmem:$0x2A60] =	vst v1  }
0x3c: {  	[tilespmem:$0x2A70] =	vst v1  }
0x3d: {  	[tilespmem:$0x2A80] =	vst v1  }
0x3e: {  	[tilespmem:$0x2A90] =	vst v1  }
0x3f: {  	[tilespmem:$0x2AA0] =	vst v1  }
0x40: {  	[tilespmem:$0x2AB0] =	vst v1  }
0x41: {  	[tilespmem:$0x2AC0] =	vst v1  }
0x42: {  	[tilespmem:$0x2AD0] =	vst v1  }
0x43: {  	[tilespmem:$0x2AE0] =	vst v1  }
0x44: {  	[tilespmem:$0x2AF0] =	vst v1  }
0x45: {  	[spmem:s5] =	stream.linear.scatter [tilespmem:s9], [sflag:$0x5], $0x280, $0x38;
	[tilespmem:$0x2D80] =	vst v63  }
0x46: {  	_ =	swait.ge [sflag:s8], $0x280  }
0x47: {  	[sflag:s8] =	ssyncset.done $0x0  }
0x48: {  	[sflag:s8] =	ssyncadd.s32 $0xFFFFFD80  }
0x49: {  	[bflag:$0x0] =	sbarrier.arrive $0xFFFF  }
0x4a: {  	[spmem:s2] =	stream.indirect.scatter.add.f32 [tilespmem:s11], [sflag:$0x1], $0x1, s3, s10, $0xb8;
	[tilespmem:$0x2D80] =	vst v63  }
0x4b: {  	_ = 	snop  }
0x4c: {  	[spmem:s2] =	stream.indirect.scatter.add.f32 [tilespmem:s11], [sflag:$0x2], $0x1, s10, s10, $0xb8;
	[tilespmem:$0x2D80] =	vst v63  }
0x4d: {  	_ = 	snop  }
0x4e: {  	[spmem:s2] =	stream.indirect.scatter.add.f32 [tilespmem:s11], [sflag:$0x3], $0x1, s12, s10, $0xb8;
	[tilespmem:$0x2D80] =	vst v63  }
0x4f: {  	_ = 	snop  }
0x50: {  	[spmem:s2] =	stream.indirect.scatter.add.f32 [tilespmem:s11], [sflag:$0x4], $0x1, s13, s10, $0xb8;
	[tilespmem:$0x2D80] =	vst v63  }
0x51: {  	_ =	swait.ge [sflag:s14], $0x80  }
0x52: {  	[sflag:s14] =	ssyncset.done $0x0  }
0x53: {  	s23 =	simm.s32 $0x200;
	[sflag:s14] =	ssyncadd.s32 $0xFFFFFF80  }
0x54: {  	[spmem:s2] =	stream.indirect.scatter.add.f32 [tilespmem:s11], [sflag:$0x1], $0x1, s23, s10, $0xb8;
	[tilespmem:$0x2D80] =	vst v63  }
0x55: {  	_ =	swait.ge [sflag:s15], $0x80  }
0x56: {  	[sflag:s15] =	ssyncset.done $0x0  }
0x57: {  	s30 =	simm.s32 $0x280;
	[sflag:s15] =	ssyncadd.s32 $0xFFFFFF80  }
0x58: {  	[spmem:s2] =	stream.indirect.scatter.add.f32 [tilespmem:s11], [sflag:$0x2], $0x1, s30, s10, $0xb8;
	[tilespmem:$0x2D80] =	vst v63  }
0x59: {  	_ =	swait.ge [sflag:s16], $0x80  }
0x5a: {  	[sflag:s16] =	ssyncset.done $0x0  }
0x5b: {  	s31 =	simm.s32 $0x300;
	[sflag:s16] =	ssyncadd.s32 $0xFFFFFF80  }
0x5c: {  	[spmem:s2] =	stream.indirect.scatter.add.f32 [tilespmem:s11], [sflag:$0x3], $0x1, s31, s10, $0xb8;
	[tilespmem:$0x2D80] =	vst v63  }
0x5d: {  	_ =	swait.ge [sflag:s17], $0x80  }
0x5e: {  	[sflag:s17] =	ssyncset.done $0x0  }
0x5f: {  	s24 =	simm.s32 $0x380;
	s23 =	simm.s32 $0xFFFF7000;
	[sflag:s17] =	ssyncadd.s32 $0xFFFFFF80  }
.LBB2_2:
0x60: {  	[spmem:s2] =	stream.indirect.scatter.add.f32 [tilespmem:s11], [sflag:$0x4], $0x1, s24, s10, $0xb8;
	[tilespmem:$0x2D80] =	vst v63  }
0x61: {  	s24 =	smov.u32 s23  }
0x62: {  	p0 =	sne.s32 s23, $0xFFFFF800;
	s23 =	sadd.s32 $0x800, s23;
	_ =	swait.ge [sflag:s14], $0x80  }
0x63: {  	s24 =	sshra.s32 s24, $0x2;
	[sflag:s14] =	ssyncset.done $0x0  }
0x64: {  	s25 =	sadd.s32 $0x2800, s24;
	[sflag:s14] =	ssyncadd.s32 $0xFFFFFF80  }
0x65: {  	[spmem:s2] =	stream.indirect.scatter.add.f32 [tilespmem:s11], [sflag:$0x1], $0x1, s25, s10, $0xb8;
	[tilespmem:$0x2D80] =	vst v63  }
0x66: {  	_ =	swait.ge [sflag:s15], $0x80  }
0x67: {  	[sflag:s15] =	ssyncset.done $0x0  }
0x68: {  	s25 =	sadd.s32 $0x2880, s24;
	[sflag:s15] =	ssyncadd.s32 $0xFFFFFF80  }
0x69: {  	[spmem:s2] =	stream.indirect.scatter.add.f32 [tilespmem:s11], [sflag:$0x2], $0x1, s25, s10, $0xb8;
	[tilespmem:$0x2D80] =	vst v63  }
0x6a: {  	_ =	swait.ge [sflag:s16], $0x80  }
0x6b: {  	[sflag:s16] =	ssyncset.done $0x0  }
.Ltmp0:
0x6c: {  	s25 =	sadd.s32 $0x2900, s24;
	[sflag:s16] =	ssyncadd.s32 $0xFFFFFF80;
	(pc) =	sbr.rel @p0 .LBB2_2-.Ltmp0, $4  }
0x6d: {  	[spmem:s2] =	stream.indirect.scatter.add.f32 [tilespmem:s11], [sflag:$0x3], $0x1, s25, s10, $0xb8;
	[tilespmem:$0x2D80] =	vst v63  }
0x6e: {  	_ =	swait.ge [sflag:s17], $0x80  }
0x6f: {  	[sflag:s17] =	ssyncset.done $0x0  }
0x70: {  	s24 =	sadd.s32 $0x2980, s24;
	[sflag:s17] =	ssyncadd.s32 $0xFFFFFF80  }
0x71: {  	[spmem:s2] =	stream.indirect.scatter.add.f32 [tilespmem:s11], [sflag:$0x4], $0x1, s24, s10, $0xb8;
	[tilespmem:$0x2D80] =	vst v63  }
0x72: {  	_ =	swait.ge [sflag:s14], $0x80  }
0x73: {  	[sflag:s14] =	ssyncset.done $0x0  }
0x74: {  	[sflag:s14] =	ssyncadd.s32 $0xFFFFFF80  }
0x75: {  	_ =	swait.ge [sflag:s15], $0x80  }
0x76: {  	[sflag:s15] =	ssyncset.done $0x0  }
0x77: {  	[sflag:s15] =	ssyncadd.s32 $0xFFFFFF80  }
0x78: {  	_ =	swait.ge [sflag:s16], $0x80  }
0x79: {  	[sflag:s16] =	ssyncset.done $0x0  }
0x7a: {  	[sflag:s16] =	ssyncadd.s32 $0xFFFFFF80  }
0x7b: {  	_ =	swait.ge [sflag:s17], $0x80  }
0x7c: {  	s22 =	sadd.s32 $0x1, s22;
	[sflag:s17] =	ssyncset.done $0x0  }
0x7d: {  	p0 =	sne.s32 s22, s7;
	[sflag:s17] =	ssyncadd.s32 $0xFFFFFF80  }
.Ltmp1:
0x7e: {  	[bflag:$0x0] =	sbarrier.arrive $0xFFFF;
	(pc) =	sbr.rel @p0 .LBB2_1-.Ltmp1, $4  }
0x7f: {  	[hbm:s6@s20], [sflag:s18] =	dma.strided [spmem:s19@s21], $0x50, s14, $0x10   }
0x80: {  	_ =	swait.ge [sflag:s8], $0x50  }
0x81: {  	[sflag:s8] =	ssyncset.done $0x0  }
0x82: {  	[sflag:s8] =	ssyncadd.s32 $0xFFFFFFB0  }
0x83: {  	_ =	sfence.sel $0x180000  }
0x84: {  	[bflag:$0x0] =	sbarrier.arrive $0xFFFF  }
0x85: {  	p0 =	sne.s32 s0, $0x0;
	_ =	strace $0x90000047  }
0x86: {  	s0 =	sadd.s32 @!p0 $0x100000, s1;
	[bflag:$0x2] =	sbarrier.arrive $0xFFFF  }
0x87: {  	[sflag:s0] =	ssyncadd.tile.s32 @!p0 $0x1;
	_ =	shalt  }
.Lfunc_end2:
_tile_overlayer_lowered:
.L_overlay_start_2:
0x88: {  	(tag) =	ssettag $0x2  }
0x89: {  	s0 =	rddreg [dreg:$0x0];
	s2 =	stileid.u32  }
0x8a: {  	s1 =	rddreg [dreg:$0x1];
	p0 =	sne.s32 s2, $0x0  }
0x8b: {  	s3 =	rddreg [dreg:$0x2];
	[bflag:$0x3] =	sbarrier.arrive $0xFFFF;
	s2 =	simm.s32 @!p0 $0x1C05  }
0x8c: {  	[timem:s3], [sflag:s2] =	dma.local @!p0 [hbm:s0], s1  }
0x8d: {  	s0 =	simm.s32 @!p0 $0x5  }
0x8e: {  	_ =	swait.ge @!p0 [sflag:s0], s1  }
0x8f: {  	s1 =	ssub.s32 @!p0 $0x0, s1;
	[sflag:s0] =	ssyncset.done @!p0 $0x0  }
0x90: {  	[sflag:s0] =	ssyncadd.s32 @!p0 s1  }
0x91: {  	[bflag:$0x3] =	sbarrier.arrive $0xFFFF  }
0x92: {  	_ =	shalt  }

</sc_bundles>
